<compile_context>
chip_gen: v7x
topology: tpu7x:2x2x1
jax: 0.10.2.dev20260603
libtpu: 0.0.44.dev20260713+nightly
codegen_flags: <defaults>
</compile_context>

<pallas_src>
import functools

import jax
import jax.numpy as jnp
import numpy as np
from jax import lax
from jax.experimental import pallas as pl
from jax.experimental.pallas import tpu as pltpu
from jax.experimental.pallas import tpu_sc as plsc

NC = 2
NS = 16
NW = NC * NS
K = 128
C = 128
_Z = np.int32(0)

_MESH = dict(core_axis_name="c", subcore_axis_name="s",
             num_cores=NC, num_subcores=NS)



def _make_prop(n_pad, nb0, nb1):
    mesh = plsc.VectorSubcoreMesh(**_MESH)
    rows_per_tile = n_pad // NS

    @functools.partial(
        pl.kernel,
        out_type=jax.ShapeDtypeStruct((NC, n_pad, C), jnp.float32),
        mesh=mesh,
        scratch_types=[
            pltpu.VMEM((2, 4, K), jnp.int32),
            pltpu.VMEM((K, C), jnp.float32),
            pltpu.VMEM((K, C), jnp.float32),
            pltpu.VMEM_SHARED((n_pad, C), jnp.float32),
        ] + [pltpu.SemaphoreType.DMA] * 4,
    )
    def prop_kernel(y_hbm, eidx_hbm, out_hbm,
                    idx_c, b0, b1, acc_sh, g0, g1, s0, s1):
        cid = lax.axis_index("c")
        sid = lax.axis_index("s")
        wid = cid * NS + sid
        r0 = sid * rows_per_tile

        zv = jnp.zeros((16,), jnp.float32)

        def zfill(i, carry):
            for c8 in range(C // 16):
                b0[i, pl.ds(c8 * 16, 16)] = zv
            return carry

        lax.fori_loop(jnp.int32(0), jnp.int32(K), zfill, jnp.int32(0))
        for r in range(rows_per_tile // K):
            pltpu.sync_copy(b0, acc_sh.at[pl.ds(r0 + r * K, K)])
        plsc.subcore_barrier()

        def body(G, carry):
            pltpu.sync_copy(eidx_hbm.at[wid, G], idx_c)
            for p in range(2):
                d0 = jnp.int32(2 * p)
                d1 = jnp.int32(2 * p + 1)
                sr0 = idx_c.at[jnp.int32(0), d0]
                sr1 = idx_c.at[jnp.int32(0), d1]
                dr0 = idx_c.at[jnp.int32(1), d0]
                dr1 = idx_c.at[jnp.int32(1), d1]
                pltpu.async_copy(y_hbm.at[sr0], b0, g0)
                pltpu.async_copy(y_hbm.at[sr1], b1, g1)
                pltpu.make_async_copy(y_hbm.at[sr0], b0, g0).wait()
                pltpu.async_copy(b0, acc_sh.at[dr0], s0, add=True)
                pltpu.make_async_copy(y_hbm.at[sr1], b1, g1).wait()
                pltpu.async_copy(b1, acc_sh.at[dr1], s1, add=True)
                pltpu.make_async_copy(b0, acc_sh.at[dr0], s0).wait()
                pltpu.make_async_copy(b1, acc_sh.at[dr1], s1).wait()
            return carry

        ngroups = jnp.where(cid == 0, jnp.int32(nb0 // 4), jnp.int32(nb1 // 4))
        lax.fori_loop(jnp.int32(0), ngroups, body, jnp.int32(0))
        plsc.subcore_barrier()
        pltpu.sync_copy(acc_sh.at[pl.ds(r0, rows_per_tile)],
                        out_hbm.at[cid, pl.ds(r0, rows_per_tile)])

    return prop_kernel



def _tc_first(x_pad, W1, degp, block):
    n_pad = x_pad.shape[0]
    grid = (n_pad // block,)

    def body(x_ref, w_ref, degp_ref, y_ref, xw_ref, dinv_ref):
        deg = degp_ref[0, :, 0:1] + degp_ref[1, :, 0:1] + 1.0
        dinvb = jnp.broadcast_to(lax.rsqrt(deg), (block, C))
        xw = jnp.dot(x_ref[...], w_ref[...],
                     preferred_element_type=jnp.float32)
        xw_ref[...] = xw
        dinv_ref[...] = dinvb
        y_ref[...] = dinvb * xw

    return pl.pallas_call(
        body,
        grid=grid,
        in_specs=[
            pl.BlockSpec((block, C), lambda i: (i, _Z)),
            pl.BlockSpec((C, C), lambda i: (_Z, _Z)),
            pl.BlockSpec((NC, block, C), lambda i: (_Z, i, _Z)),
        ],
        out_specs=[pl.BlockSpec((block, C), lambda i: (i, _Z))] * 3,
        out_shape=[jax.ShapeDtypeStruct((n_pad, C), jnp.float32)] * 3,
    )(x_pad, W1, degp)


def _tc_mid(acc1, xw1, dinvb, b1, W2, block):
    n_pad = xw1.shape[0]
    grid = (n_pad // block,)

    def body(acc_ref, xw_ref, dinv_ref, b_ref, w_ref, y2_ref, xw2_ref):
        dv = dinv_ref[...]
        a = acc_ref[0] + acc_ref[1]
        h = jnp.maximum(dv * a + dv * dv * xw_ref[...] + b_ref[...], 0.0)
        xw2 = jnp.dot(h, w_ref[...], preferred_element_type=jnp.float32)
        xw2_ref[...] = xw2
        y2_ref[...] = dv * xw2

    return pl.pallas_call(
        body,
        grid=grid,
        in_specs=[
            pl.BlockSpec((NC, block, C), lambda i: (_Z, i, _Z)),
            pl.BlockSpec((block, C), lambda i: (i, _Z)),
            pl.BlockSpec((block, C), lambda i: (i, _Z)),
            pl.BlockSpec((1, C), lambda i: (_Z, _Z)),
            pl.BlockSpec((C, C), lambda i: (_Z, _Z)),
        ],
        out_specs=[pl.BlockSpec((block, C), lambda i: (i, _Z))] * 2,
        out_shape=[jax.ShapeDtypeStruct((n_pad, C), jnp.float32)] * 2,
    )(acc1, xw1, dinvb, b1, W2)


def _tc_last(acc2, xw2, dinvb, b2, block):
    n_pad = xw2.shape[0]
    grid = (n_pad // block,)

    def body(acc_ref, xw_ref, dinv_ref, b_ref, o_ref):
        dv = dinv_ref[...]
        a = acc_ref[0] + acc_ref[1]
        o_ref[...] = dv * a + dv * dv * xw_ref[...] + b_ref[...]

    return pl.pallas_call(
        body,
        grid=grid,
        in_specs=[
            pl.BlockSpec((NC, block, C), lambda i: (_Z, i, _Z)),
            pl.BlockSpec((block, C), lambda i: (i, _Z)),
            pl.BlockSpec((block, C), lambda i: (i, _Z)),
            pl.BlockSpec((1, C), lambda i: (_Z, _Z)),
        ],
        out_specs=pl.BlockSpec((block, C), lambda i: (i, _Z)),
        out_shape=jax.ShapeDtypeStruct((n_pad, C), jnp.float32),
    )(acc2, xw2, dinvb, b2)



def kernel(x, edge_index, W1, b1, W2, b2):
    n, c = x.shape
    e = edge_index.shape[1]
    assert c == C

    S = -(-e // (K * NS))
    S = ((S + 7) // 8) * 8
    nb0 = ((S * 23 // 25 + 3) // 4) * 4
    nb1 = S - nb0
    nbg = max(nb0, nb1) // 4
    e_pad = NS * K * (nb0 + nb1)
    n_pad = ((n + 1 + NS * K - 1) // (NS * K)) * (NS * K)
    block = n_pad // 8

    si = edge_index[0].astype(jnp.int32)
    di = edge_index[1].astype(jnp.int32)
    pad = jnp.full((e_pad - e,), n, jnp.int32)
    si = jnp.concatenate([si, pad])
    di = jnp.concatenate([di, pad])

    def layout(a):
        a0 = a[:NS * nb0 * K].reshape(NS, nb0 // 4, 4, K)
        a1 = a[NS * nb0 * K:].reshape(NS, nb1 // 4, 4, K)
        fill = jnp.full((NS, nbg - nb1 // 4, 4, K), n, jnp.int32)
        return jnp.concatenate(
            [a0, jnp.concatenate([a1, fill], axis=1)], axis=0)

    eidx = jnp.stack([layout(si), layout(di)], axis=2)
    x_pad = jnp.zeros((n_pad, C), jnp.float32).at[:n].set(x)

    prop_fn = _make_prop(n_pad, nb0, nb1)

    ones128 = jnp.ones((n_pad, C), jnp.float32)
    degp = prop_fn(ones128, eidx)
    y1, xw1, dinvb = _tc_first(x_pad, W1, degp, block)
    acc1 = prop_fn(y1, eidx)
    y2, xw2 = _tc_mid(acc1, xw1, dinvb, b1.reshape(1, C), W2, block)
    acc2 = prop_fn(y2, eidx)
    out = _tc_last(acc2, xw2, dinvb, b2.reshape(1, C), block)
    return out[:n]

# --- scband reference (transcript-rebuilt; emitter-appended) ---
"""Pipeline reference for scband-gcn-2705829396666 (READ-ONLY COPY).

The authoritative reference and input builder live on the scoring server;
editing this copy changes nothing except your own understanding.
"""

import jax, jax.numpy as jnp
import numpy as np
jax.config.update("jax_enable_x64", True)

N = 10000
E = 320000
IN_C = 128
HID_C = 128
OUT_C = 128


def setup_inputs(seed: int = 0) -> dict:
    key = jax.random.key(seed)
    ks = jax.random.split(key, 6)
    x = jax.random.normal(ks[0], (N, IN_C), dtype=jnp.float32)
    edge_index = jax.random.randint(ks[1], (2, E), 0, N, dtype=jnp.int64)
    s1 = 1.0 / np.sqrt(IN_C)
    s2 = 1.0 / np.sqrt(HID_C)
    W1 = jax.random.uniform(ks[2], (IN_C, HID_C), jnp.float32, -s1, s1)
    b1 = jax.random.uniform(ks[3], (HID_C,), jnp.float32, -s1, s1)
    W2 = jax.random.uniform(ks[4], (HID_C, OUT_C), jnp.float32, -s2, s2)
    b2 = jax.random.uniform(ks[5], (OUT_C,), jnp.float32, -s2, s2)
    return {"x": x, "edge_index": edge_index, "W1": W1, "b1": b1, "W2": W2, "b2": b2}


def gcn_conv(x, edge_index, W, b):
    # PyG-style GCNConv: add self-loops, symmetric degree normalization,
    # then aggregate x @ W over edges and add bias.
    n = x.shape[0]
    loop = jnp.arange(n, dtype=edge_index.dtype)
    src = jnp.concatenate([edge_index[0], loop])
    dst = jnp.concatenate([edge_index[1], loop])
    deg = jnp.zeros((n,), jnp.float32).at[dst].add(1.0)
    dinv = jnp.where(deg > 0, 1.0 / jnp.sqrt(deg), 0.0)
    norm = dinv[src] * dinv[dst]
    xw = x @ W
    msgs = xw[src] * norm[:, None]
    out = jnp.zeros((n, W.shape[1]), jnp.float32).at[dst].add(msgs)
    return out + b


def reference(x, edge_index, W1, b1, W2, b2):
    h = jax.nn.relu(gcn_conv(x, edge_index, W1, b1))
    out = gcn_conv(h, edge_index, W2, b2)
    return out

if __name__ == "__main__":
    import jax
    _d = setup_inputs()
    print(jax.jit(kernel)(*tuple(_d.values())))

</pallas_src>

<mosaic_0001>
#map = affine_map<(d0, d1) -> (0, 0)>
#map1 = affine_map<(d0, d1) -> (0, 0, 0, 0, 0)>
#map2 = affine_map<(d0, d1) -> (0, 0, 0)>
module attributes {stable_mosaic.version = 14 : i64} {
  func.func @prop_kernel(%arg0: i32, %arg1: i32, %arg2: memref<10240x128xf32, #tpu.memory_space<hbm>>, %arg3: memref<32x37x2x4x128xi32, #tpu.memory_space<hbm>>, %arg4: memref<2x10240x128xf32, #tpu.memory_space<hbm>>, %arg5: memref<2x4x128xi32, #tpu.memory_space<vmem>>, %arg6: memref<128x128xf32, #tpu.memory_space<vmem>>, %arg7: memref<128x128xf32, #tpu.memory_space<vmem>>, %arg8: memref<10240x128xf32, #tpu.memory_space<vmem_shared>>, %arg9: memref<!tpu.dma_semaphore, #tpu.memory_space<semaphore_mem>>, %arg10: memref<!tpu.dma_semaphore, #tpu.memory_space<semaphore_mem>>, %arg11: memref<!tpu.dma_semaphore, #tpu.memory_space<semaphore_mem>>, %arg12: memref<!tpu.dma_semaphore, #tpu.memory_space<semaphore_mem>>) attributes {dimension_semantics = [#tpu.dimension_semantics<core_parallel>, #tpu.dimension_semantics<subcore_parallel>], iteration_bounds = array<i64: 2, 16>, scalar_prefetch = 0 : i64, scratch_operands = 8 : i64, tpu.core_type = #tpu.core_type<sc_vector_subcore>, window_params = [{transform_indices = #map}, {transform_indices = #map1}, {transform_indices = #map2}]} {
    %mul3A = arith.constant 16 : i32
    %mul3A_0 = arith.muli %arg0, %mul3A : i32
    %add3A = arith.addi %mul3A_0, %arg1 : i32
    %mul3A_1 = arith.constant 640 : i32
    %mul3A_2 = arith.muli %arg1, %mul3A_1 : i32
    %broadcast_in_dim3A = arith.constant 0.000000e+00 : f32
    %broadcast_in_dim3A_3 = vector.broadcast %broadcast_in_dim3A : f32 to vector<16xf32>
    %while3A = arith.constant 0 : i32
    %while3A_4 = arith.constant 0 : i32
    %while3A_5 = arith.constant 128 : i32
    %while3A_6 = arith.subi %while3A_5, %while3A_4 : i32
    %while3A_7 = arith.addi %while3A_4, %while3A_6 : i32
    %while3A_8 = arith.constant 1 : i32
    %while3A_9 = arith.divsi %while3A_6, %while3A_8 : i32
    %while3A_10 = arith.muli %while3A_9, %while3A_8 : i32
    %while3A_11 = arith.addi %while3A_4, %while3A_10 : i32
    %while3A_12 = arith.constant 1 : i32
    scf.for %while3A_37 = %while3A_4 to %while3A_11 step %while3A_12  : i32 {
      %swap3A = arith.index_cast %while3A_37 : i32 to index
      %swap3A_38 = arith.constant 0 : index
      %swap3A_39 = tpu.vector_load %arg6[%swap3A, %swap3A_38] {strides = array<i32>} : memref<128x128xf32, #tpu.memory_space<vmem>>, vector<1x16xf32>,
      %swap3A_40 = vector.shape_cast %swap3A_39 : vector<1x16xf32> to vector<16xf32>
      %swap3A_41 = vector.shape_cast %broadcast_in_dim3A_3 : vector<16xf32> to vector<1x16xf32>
      tpu.vector_store %arg6[%swap3A, %swap3A_38], %swap3A_41 {strides = array<i32>} : memref<128x128xf32, #tpu.memory_space<vmem>>, vector<1x16xf32>,
      %swap3A_42 = arith.index_cast %while3A_37 : i32 to index
      %swap3A_43 = arith.constant 16 : index
      %swap3A_44 = tpu.vector_load %arg6[%swap3A_42, %swap3A_43] {strides = array<i32>} : memref<128x128xf32, #tpu.memory_space<vmem>>, vector<1x16xf32>,
      %swap3A_45 = vector.shape_cast %swap3A_44 : vector<1x16xf32> to vector<16xf32>
      %swap3A_46 = vector.shape_cast %broadcast_in_dim3A_3 : vector<16xf32> to vector<1x16xf32>
      tpu.vector_store %arg6[%swap3A_42, %swap3A_43], %swap3A_46 {strides = array<i32>} : memref<128x128xf32, #tpu.memory_space<vmem>>, vector<1x16xf32>,
      %swap3A_47 = arith.index_cast %while3A_37 : i32 to index
      %swap3A_48 = arith.constant 32 : index
      %swap3A_49 = tpu.vector_load %arg6[%swap3A_47, %swap3A_48] {strides = array<i32>} : memref<128x128xf32, #tpu.memory_space<vmem>>, vector<1x16xf32>,
      %swap3A_50 = vector.shape_cast %swap3A_49 : vector<1x16xf32> to vector<16xf32>
      %swap3A_51 = vector.shape_cast %broadcast_in_dim3A_3 : vector<16xf32> to vector<1x16xf32>
      tpu.vector_store %arg6[%swap3A_47, %swap3A_48], %swap3A_51 {strides = array<i32>} : memref<128x128xf32, #tpu.memory_space<vmem>>, vector<1x16xf32>,
      %swap3A_52 = arith.index_cast %while3A_37 : i32 to index
      %swap3A_53 = arith.constant 48 : index
      %swap3A_54 = tpu.vector_load %arg6[%swap3A_52, %swap3A_53] {strides = array<i32>} : memref<128x128xf32, #tpu.memory_space<vmem>>, vector<1x16xf32>,
      %swap3A_55 = vector.shape_cast %swap3A_54 : vector<1x16xf32> to vector<16xf32>
      %swap3A_56 = vector.shape_cast %broadcast_in_dim3A_3 : vector<16xf32> to vector<1x16xf32>
      tpu.vector_store %arg6[%swap3A_52, %swap3A_53], %swap3A_56 {strides = array<i32>} : memref<128x128xf32, #tpu.memory_space<vmem>>, vector<1x16xf32>,
      %swap3A_57 = arith.index_cast %while3A_37 : i32 to index
      %swap3A_58 = arith.constant 64 : index
      %swap3A_59 = tpu.vector_load %arg6[%swap3A_57, %swap3A_58] {strides = array<i32>} : memref<128x128xf32, #tpu.memory_space<vmem>>, vector<1x16xf32>,
      %swap3A_60 = vector.shape_cast %swap3A_59 : vector<1x16xf32> to vector<16xf32>
      %swap3A_61 = vector.shape_cast %broadcast_in_dim3A_3 : vector<16xf32> to vector<1x16xf32>
      tpu.vector_store %arg6[%swap3A_57, %swap3A_58], %swap3A_61 {strides = array<i32>} : memref<128x128xf32, #tpu.memory_space<vmem>>, vector<1x16xf32>,
      %swap3A_62 = arith.index_cast %while3A_37 : i32 to index
      %swap3A_63 = arith.constant 80 : index
      %swap3A_64 = tpu.vector_load %arg6[%swap3A_62, %swap3A_63] {strides = array<i32>} : memref<128x128xf32, #tpu.memory_space<vmem>>, vector<1x16xf32>,
      %swap3A_65 = vector.shape_cast %swap3A_64 : vector<1x16xf32> to vector<16xf32>
      %swap3A_66 = vector.shape_cast %broadcast_in_dim3A_3 : vector<16xf32> to vector<1x16xf32>
      tpu.vector_store %arg6[%swap3A_62, %swap3A_63], %swap3A_66 {strides = array<i32>} : memref<128x128xf32, #tpu.memory_space<vmem>>, vector<1x16xf32>,
      %swap3A_67 = arith.index_cast %while3A_37 : i32 to index
      %swap3A_68 = arith.constant 96 : index
      %swap3A_69 = tpu.vector_load %arg6[%swap3A_67, %swap3A_68] {strides = array<i32>} : memref<128x128xf32, #tpu.memory_space<vmem>>, vector<1x16xf32>,
      %swap3A_70 = vector.shape_cast %swap3A_69 : vector<1x16xf32> to vector<16xf32>
      %swap3A_71 = vector.shape_cast %broadcast_in_dim3A_3 : vector<16xf32> to vector<1x16xf32>
      tpu.vector_store %arg6[%swap3A_67, %swap3A_68], %swap3A_71 {strides = array<i32>} : memref<128x128xf32, #tpu.memory_space<vmem>>, vector<1x16xf32>,
      %swap3A_72 = arith.index_cast %while3A_37 : i32 to index
      %swap3A_73 = arith.constant 112 : index
      %swap3A_74 = tpu.vector_load %arg6[%swap3A_72, %swap3A_73] {strides = array<i32>} : memref<128x128xf32, #tpu.memory_space<vmem>>, vector<1x16xf32>,
      %swap3A_75 = vector.shape_cast %swap3A_74 : vector<1x16xf32> to vector<16xf32>
      %swap3A_76 = vector.shape_cast %broadcast_in_dim3A_3 : vector<16xf32> to vector<1x16xf32>
      tpu.vector_store %arg6[%swap3A_72, %swap3A_73], %swap3A_76 {strides = array<i32>} : memref<128x128xf32, #tpu.memory_space<vmem>>, vector<1x16xf32>,
    }
    %while3A_13 = arith.constant 1 : i32
    scf.for %while3A_37 = %while3A_11 to %while3A_7 step %while3A_13  : i32 {
      %swap3A = arith.index_cast %while3A_37 : i32 to index
      %swap3A_38 = arith.constant 0 : index
      %swap3A_39 = tpu.vector_load %arg6[%swap3A, %swap3A_38] {strides = array<i32>} : memref<128x128xf32, #tpu.memory_space<vmem>>, vector<1x16xf32>,
      %swap3A_40 = vector.shape_cast %swap3A_39 : vector<1x16xf32> to vector<16xf32>
      %swap3A_41 = vector.shape_cast %broadcast_in_dim3A_3 : vector<16xf32> to vector<1x16xf32>
      tpu.vector_store %arg6[%swap3A, %swap3A_38], %swap3A_41 {strides = array<i32>} : memref<128x128xf32, #tpu.memory_space<vmem>>, vector<1x16xf32>,
      %swap3A_42 = arith.index_cast %while3A_37 : i32 to index
      %swap3A_43 = arith.constant 16 : index
      %swap3A_44 = tpu.vector_load %arg6[%swap3A_42, %swap3A_43] {strides = array<i32>} : memref<128x128xf32, #tpu.memory_space<vmem>>, vector<1x16xf32>,
      %swap3A_45 = vector.shape_cast %swap3A_44 : vector<1x16xf32> to vector<16xf32>
      %swap3A_46 = vector.shape_cast %broadcast_in_dim3A_3 : vector<16xf32> to vector<1x16xf32>
      tpu.vector_store %arg6[%swap3A_42, %swap3A_43], %swap3A_46 {strides = array<i32>} : memref<128x128xf32, #tpu.memory_space<vmem>>, vector<1x16xf32>,
      %swap3A_47 = arith.index_cast %while3A_37 : i32 to index
      %swap3A_48 = arith.constant 32 : index
      %swap3A_49 = tpu.vector_load %arg6[%swap3A_47, %swap3A_48] {strides = array<i32>} : memref<128x128xf32, #tpu.memory_space<vmem>>, vector<1x16xf32>,
      %swap3A_50 = vector.shape_cast %swap3A_49 : vector<1x16xf32> to vector<16xf32>
      %swap3A_51 = vector.shape_cast %broadcast_in_dim3A_3 : vector<16xf32> to vector<1x16xf32>
      tpu.vector_store %arg6[%swap3A_47, %swap3A_48], %swap3A_51 {strides = array<i32>} : memref<128x128xf32, #tpu.memory_space<vmem>>, vector<1x16xf32>,
      %swap3A_52 = arith.index_cast %while3A_37 : i32 to index
      %swap3A_53 = arith.constant 48 : index
      %swap3A_54 = tpu.vector_load %arg6[%swap3A_52, %swap3A_53] {strides = array<i32>} : memref<128x128xf32, #tpu.memory_space<vmem>>, vector<1x16xf32>,
      %swap3A_55 = vector.shape_cast %swap3A_54 : vector<1x16xf32> to vector<16xf32>
      %swap3A_56 = vector.shape_cast %broadcast_in_dim3A_3 : vector<16xf32> to vector<1x16xf32>
      tpu.vector_store %arg6[%swap3A_52, %swap3A_53], %swap3A_56 {strides = array<i32>} : memref<128x128xf32, #tpu.memory_space<vmem>>, vector<1x16xf32>,
      %swap3A_57 = arith.index_cast %while3A_37 : i32 to index
      %swap3A_58 = arith.constant 64 : index
      %swap3A_59 = tpu.vector_load %arg6[%swap3A_57, %swap3A_58] {strides = array<i32>} : memref<128x128xf32, #tpu.memory_space<vmem>>, vector<1x16xf32>,
      %swap3A_60 = vector.shape_cast %swap3A_59 : vector<1x16xf32> to vector<16xf32>
      %swap3A_61 = vector.shape_cast %broadcast_in_dim3A_3 : vector<16xf32> to vector<1x16xf32>
      tpu.vector_store %arg6[%swap3A_57, %swap3A_58], %swap3A_61 {strides = array<i32>} : memref<128x128xf32, #tpu.memory_space<vmem>>, vector<1x16xf32>,
      %swap3A_62 = arith.index_cast %while3A_37 : i32 to index
      %swap3A_63 = arith.constant 80 : index
      %swap3A_64 = tpu.vector_load %arg6[%swap3A_62, %swap3A_63] {strides = array<i32>} : memref<128x128xf32, #tpu.memory_space<vmem>>, vector<1x16xf32>,
      %swap3A_65 = vector.shape_cast %swap3A_64 : vector<1x16xf32> to vector<16xf32>
      %swap3A_66 = vector.shape_cast %broadcast_in_dim3A_3 : vector<16xf32> to vector<1x16xf32>
      tpu.vector_store %arg6[%swap3A_62, %swap3A_63], %swap3A_66 {strides = array<i32>} : memref<128x128xf32, #tpu.memory_space<vmem>>, vector<1x16xf32>,
      %swap3A_67 = arith.index_cast %while3A_37 : i32 to index
      %swap3A_68 = arith.constant 96 : index
      %swap3A_69 = tpu.vector_load %arg6[%swap3A_67, %swap3A_68] {strides = array<i32>} : memref<128x128xf32, #tpu.memory_space<vmem>>, vector<1x16xf32>,
      %swap3A_70 = vector.shape_cast %swap3A_69 : vector<1x16xf32> to vector<16xf32>
      %swap3A_71 = vector.shape_cast %broadcast_in_dim3A_3 : vector<16xf32> to vector<1x16xf32>
      tpu.vector_store %arg6[%swap3A_67, %swap3A_68], %swap3A_71 {strides = array<i32>} : memref<128x128xf32, #tpu.memory_space<vmem>>, vector<1x16xf32>,
      %swap3A_72 = arith.index_cast %while3A_37 : i32 to index
      %swap3A_73 = arith.constant 112 : index
      %swap3A_74 = tpu.vector_load %arg6[%swap3A_72, %swap3A_73] {strides = array<i32>} : memref<128x128xf32, #tpu.memory_space<vmem>>, vector<1x16xf32>,
      %swap3A_75 = vector.shape_cast %swap3A_74 : vector<1x16xf32> to vector<16xf32>
      %swap3A_76 = vector.shape_cast %broadcast_in_dim3A_3 : vector<16xf32> to vector<1x16xf32>
      tpu.vector_store %arg6[%swap3A_72, %swap3A_73], %swap3A_76 {strides = array<i32>} : memref<128x128xf32, #tpu.memory_space<vmem>>, vector<1x16xf32>,
    }
    %add3A_14 = arith.constant 0 : i32
    %add3A_15 = arith.addi %mul3A_2, %add3A_14 : i32
    "tpu.region"() ({
      %run_scoped3A = tpu.sem_alloc : memref<!tpu.dma_semaphore, #tpu.memory_space<semaphore_mem>>
      %dma_start3A = arith.constant 0 : i32
      %dma_start3A_37 = tpu.memref_slice %arg8[%add3A_15, %dma_start3A] : memref<10240x128xf32, #tpu.memory_space<vmem_shared>> -> memref<128x128xf32, #tpu.memory_space<vmem_shared>>
      %dma_start3A_38 = arith.constant 0 : i32
      %dma_start3A_39 = tpu.memref_slice %arg8[%add3A_15, %dma_start3A_38] : memref<10240x128xf32, #tpu.memory_space<vmem_shared>> -> memref<128x128xf32, #tpu.memory_space<vmem_shared>>
      tpu.enqueue_dma source(%arg6 : memref<128x128xf32, #tpu.memory_space<vmem>>) target(%dma_start3A_39 : memref<128x128xf32, #tpu.memory_space<vmem_shared>>) target_semaphore(%run_scoped3A : memref<!tpu.dma_semaphore, #tpu.memory_space<semaphore_mem>>)
      %dma_wait3A = arith.constant 0 : i32
      %dma_wait3A_40 = tpu.memref_slice %arg8[%add3A_15, %dma_wait3A] : memref<10240x128xf32, #tpu.memory_space<vmem_shared>> -> memref<128x128xf32, #tpu.memory_space<vmem_shared>>
      %dma_wait3A_41 = arith.constant 0 : i32
      %dma_wait3A_42 = tpu.memref_slice %arg8[%add3A_15, %dma_wait3A_41] : memref<10240x128xf32, #tpu.memory_space<vmem_shared>> -> memref<128x128xf32, #tpu.memory_space<vmem_shared>>
      tpu.wait_dma2 semaphore(%run_scoped3A : memref<!tpu.dma_semaphore, #tpu.memory_space<semaphore_mem>>) src(%arg6 : memref<128x128xf32, #tpu.memory_space<vmem>>) dst(%dma_wait3A_42 : memref<128x128xf32, #tpu.memory_space<vmem_shared>>)
      tpu.yield
    }) : () -> ()
    %add3A_16 = arith.constant 128 : i32
    %add3A_17 = arith.addi %mul3A_2, %add3A_16 : i32
    "tpu.region"() ({
      %run_scoped3A = tpu.sem_alloc : memref<!tpu.dma_semaphore, #tpu.memory_space<semaphore_mem>>
      %dma_start3A = arith.constant 0 : i32
      %dma_start3A_37 = tpu.memref_slice %arg8[%add3A_17, %dma_start3A] : memref<10240x128xf32, #tpu.memory_space<vmem_shared>> -> memref<128x128xf32, #tpu.memory_space<vmem_shared>>
      %dma_start3A_38 = arith.constant 0 : i32
      %dma_start3A_39 = tpu.memref_slice %arg8[%add3A_17, %dma_start3A_38] : memref<10240x128xf32, #tpu.memory_space<vmem_shared>> -> memref<128x128xf32, #tpu.memory_space<vmem_shared>>
      tpu.enqueue_dma source(%arg6 : memref<128x128xf32, #tpu.memory_space<vmem>>) target(%dma_start3A_39 : memref<128x128xf32, #tpu.memory_space<vmem_shared>>) target_semaphore(%run_scoped3A : memref<!tpu.dma_semaphore, #tpu.memory_space<semaphore_mem>>)
      %dma_wait3A = arith.constant 0 : i32
      %dma_wait3A_40 = tpu.memref_slice %arg8[%add3A_17, %dma_wait3A] : memref<10240x128xf32, #tpu.memory_space<vmem_shared>> -> memref<128x128xf32, #tpu.memory_space<vmem_shared>>
      %dma_wait3A_41 = arith.constant 0 : i32
      %dma_wait3A_42 = tpu.memref_slice %arg8[%add3A_17, %dma_wait3A_41] : memref<10240x128xf32, #tpu.memory_space<vmem_shared>> -> memref<128x128xf32, #tpu.memory_space<vmem_shared>>
      tpu.wait_dma2 semaphore(%run_scoped3A : memref<!tpu.dma_semaphore, #tpu.memory_space<semaphore_mem>>) src(%arg6 : memref<128x128xf32, #tpu.memory_space<vmem>>) dst(%dma_wait3A_42 : memref<128x128xf32, #tpu.memory_space<vmem_shared>>)
      tpu.yield
    }) : () -> ()
    %add3A_18 = arith.constant 256 : i32
    %add3A_19 = arith.addi %mul3A_2, %add3A_18 : i32
    "tpu.region"() ({
      %run_scoped3A = tpu.sem_alloc : memref<!tpu.dma_semaphore, #tpu.memory_space<semaphore_mem>>
      %dma_start3A = arith.constant 0 : i32
      %dma_start3A_37 = tpu.memref_slice %arg8[%add3A_19, %dma_start3A] : memref<10240x128xf32, #tpu.memory_space<vmem_shared>> -> memref<128x128xf32, #tpu.memory_space<vmem_shared>>
      %dma_start3A_38 = arith.constant 0 : i32
      %dma_start3A_39 = tpu.memref_slice %arg8[%add3A_19, %dma_start3A_38] : memref<10240x128xf32, #tpu.memory_space<vmem_shared>> -> memref<128x128xf32, #tpu.memory_space<vmem_shared>>
      tpu.enqueue_dma source(%arg6 : memref<128x128xf32, #tpu.memory_space<vmem>>) target(%dma_start3A_39 : memref<128x128xf32, #tpu.memory_space<vmem_shared>>) target_semaphore(%run_scoped3A : memref<!tpu.dma_semaphore, #tpu.memory_space<semaphore_mem>>)
      %dma_wait3A = arith.constant 0 : i32
      %dma_wait3A_40 = tpu.memref_slice %arg8[%add3A_19, %dma_wait3A] : memref<10240x128xf32, #tpu.memory_space<vmem_shared>> -> memref<128x128xf32, #tpu.memory_space<vmem_shared>>
      %dma_wait3A_41 = arith.constant 0 : i32
      %dma_wait3A_42 = tpu.memref_slice %arg8[%add3A_19, %dma_wait3A_41] : memref<10240x128xf32, #tpu.memory_space<vmem_shared>> -> memref<128x128xf32, #tpu.memory_space<vmem_shared>>
      tpu.wait_dma2 semaphore(%run_scoped3A : memref<!tpu.dma_semaphore, #tpu.memory_space<semaphore_mem>>) src(%arg6 : memref<128x128xf32, #tpu.memory_space<vmem>>) dst(%dma_wait3A_42 : memref<128x128xf32, #tpu.memory_space<vmem_shared>>)
      tpu.yield
    }) : () -> ()
    %add3A_20 = arith.constant 384 : i32
    %add3A_21 = arith.addi %mul3A_2, %add3A_20 : i32
    "tpu.region"() ({
      %run_scoped3A = tpu.sem_alloc : memref<!tpu.dma_semaphore, #tpu.memory_space<semaphore_mem>>
      %dma_start3A = arith.constant 0 : i32
      %dma_start3A_37 = tpu.memref_slice %arg8[%add3A_21, %dma_start3A] : memref<10240x128xf32, #tpu.memory_space<vmem_shared>> -> memref<128x128xf32, #tpu.memory_space<vmem_shared>>
      %dma_start3A_38 = arith.constant 0 : i32
      %dma_start3A_39 = tpu.memref_slice %arg8[%add3A_21, %dma_start3A_38] : memref<10240x128xf32, #tpu.memory_space<vmem_shared>> -> memref<128x128xf32, #tpu.memory_space<vmem_shared>>
      tpu.enqueue_dma source(%arg6 : memref<128x128xf32, #tpu.memory_space<vmem>>) target(%dma_start3A_39 : memref<128x128xf32, #tpu.memory_space<vmem_shared>>) target_semaphore(%run_scoped3A : memref<!tpu.dma_semaphore, #tpu.memory_space<semaphore_mem>>)
      %dma_wait3A = arith.constant 0 : i32
      %dma_wait3A_40 = tpu.memref_slice %arg8[%add3A_21, %dma_wait3A] : memref<10240x128xf32, #tpu.memory_space<vmem_shared>> -> memref<128x128xf32, #tpu.memory_space<vmem_shared>>
      %dma_wait3A_41 = arith.constant 0 : i32
      %dma_wait3A_42 = tpu.memref_slice %arg8[%add3A_21, %dma_wait3A_41] : memref<10240x128xf32, #tpu.memory_space<vmem_shared>> -> memref<128x128xf32, #tpu.memory_space<vmem_shared>>
      tpu.wait_dma2 semaphore(%run_scoped3A : memref<!tpu.dma_semaphore, #tpu.memory_space<semaphore_mem>>) src(%arg6 : memref<128x128xf32, #tpu.memory_space<vmem>>) dst(%dma_wait3A_42 : memref<128x128xf32, #tpu.memory_space<vmem_shared>>)
      tpu.yield
    }) : () -> ()
    %add3A_22 = arith.constant 512 : i32
    %add3A_23 = arith.addi %mul3A_2, %add3A_22 : i32
    "tpu.region"() ({
      %run_scoped3A = tpu.sem_alloc : memref<!tpu.dma_semaphore, #tpu.memory_space<semaphore_mem>>
      %dma_start3A = arith.constant 0 : i32
      %dma_start3A_37 = tpu.memref_slice %arg8[%add3A_23, %dma_start3A] : memref<10240x128xf32, #tpu.memory_space<vmem_shared>> -> memref<128x128xf32, #tpu.memory_space<vmem_shared>>
      %dma_start3A_38 = arith.constant 0 : i32
      %dma_start3A_39 = tpu.memref_slice %arg8[%add3A_23, %dma_start3A_38] : memref<10240x128xf32, #tpu.memory_space<vmem_shared>> -> memref<128x128xf32, #tpu.memory_space<vmem_shared>>
      tpu.enqueue_dma source(%arg6 : memref<128x128xf32, #tpu.memory_space<vmem>>) target(%dma_start3A_39 : memref<128x128xf32, #tpu.memory_space<vmem_shared>>) target_semaphore(%run_scoped3A : memref<!tpu.dma_semaphore, #tpu.memory_space<semaphore_mem>>)
      %dma_wait3A = arith.constant 0 : i32
      %dma_wait3A_40 = tpu.memref_slice %arg8[%add3A_23, %dma_wait3A] : memref<10240x128xf32, #tpu.memory_space<vmem_shared>> -> memref<128x128xf32, #tpu.memory_space<vmem_shared>>
      %dma_wait3A_41 = arith.constant 0 : i32
      %dma_wait3A_42 = tpu.memref_slice %arg8[%add3A_23, %dma_wait3A_41] : memref<10240x128xf32, #tpu.memory_space<vmem_shared>> -> memref<128x128xf32, #tpu.memory_space<vmem_shared>>
      tpu.wait_dma2 semaphore(%run_scoped3A : memref<!tpu.dma_semaphore, #tpu.memory_space<semaphore_mem>>) src(%arg6 : memref<128x128xf32, #tpu.memory_space<vmem>>) dst(%dma_wait3A_42 : memref<128x128xf32, #tpu.memory_space<vmem_shared>>)
      tpu.yield
    }) : () -> ()
    %barrier3A = arith.constant 0 : index
    tpu.barrier barrier_id(%barrier3A)
    %eq3A = arith.constant 0 : i32
    %eq3A_24 = arith.cmpi eq, %arg0, %eq3A : i32
    %jit3A = arith.constant 37 : i32
    %jit3A_25 = arith.constant 3 : i32
    %select_n3A = arith.select %eq3A_24, %jit3A, %jit3A_25 : i32
    %while3A_26 = arith.constant 0 : i32
    %while3A_27 = arith.constant 0 : i32
    %while3A_28 = arith.subi %select_n3A, %while3A_27 : i32
    %while3A_29 = arith.addi %while3A_27, %while3A_28 : i32
    %while3A_30 = arith.constant 1 : i32
    %while3A_31 = arith.divsi %while3A_28, %while3A_30 : i32
    %while3A_32 = arith.muli %while3A_31, %while3A_30 : i32
    %while3A_33 = arith.addi %while3A_27, %while3A_32 : i32
    %while3A_34 = arith.constant 1 : i32
    scf.for %while3A_37 = %while3A_27 to %while3A_33 step %while3A_34  : i32 {
      "tpu.region"() ({
        %run_scoped3A = tpu.sem_alloc : memref<!tpu.dma_semaphore, #tpu.memory_space<semaphore_mem>>
        %dma_start3A_164 = arith.constant 0 : i32
        %dma_start3A_165 = arith.constant 0 : i32
        %dma_start3A_166 = arith.constant 0 : i32
        %dma_start3A_167 = tpu.memref_slice %arg3[%add3A, %while3A_37, %dma_start3A_164, %dma_start3A_165, %dma_start3A_166] : memref<32x37x2x4x128xi32, #tpu.memory_space<hbm>> -> memref<1x1x2x4x128xi32, #tpu.memory_space<hbm>>
        %dma_start3A_168 = tpu.memref_squeeze %dma_start3A_167 : memref<1x1x2x4x128xi32, #tpu.memory_space<hbm>> -> memref<2x4x128xi32, #tpu.memory_space<hbm>>
        %dma_start3A_169 = arith.constant 0 : i32
        %dma_start3A_170 = arith.constant 0 : i32
        %dma_start3A_171 = arith.constant 0 : i32
        %dma_start3A_172 = tpu.memref_slice %arg3[%add3A, %while3A_37, %dma_start3A_169, %dma_start3A_170, %dma_start3A_171] : memref<32x37x2x4x128xi32, #tpu.memory_space<hbm>> -> memref<1x1x2x4x128xi32, #tpu.memory_space<hbm>>
        %dma_start3A_173 = tpu.memref_squeeze %dma_start3A_172 : memref<1x1x2x4x128xi32, #tpu.memory_space<hbm>> -> memref<2x4x128xi32, #tpu.memory_space<hbm>>
        tpu.enqueue_dma source(%dma_start3A_173 : memref<2x4x128xi32, #tpu.memory_space<hbm>>) target(%arg5 : memref<2x4x128xi32, #tpu.memory_space<vmem>>) target_semaphore(%run_scoped3A : memref<!tpu.dma_semaphore, #tpu.memory_space<semaphore_mem>>)
        %dma_wait3A_174 = arith.constant 0 : i32
        %dma_wait3A_175 = arith.constant 0 : i32
        %dma_wait3A_176 = arith.constant 0 : i32
        %dma_wait3A_177 = tpu.memref_slice %arg3[%add3A, %while3A_37, %dma_wait3A_174, %dma_wait3A_175, %dma_wait3A_176] : memref<32x37x2x4x128xi32, #tpu.memory_space<hbm>> -> memref<1x1x2x4x128xi32, #tpu.memory_space<hbm>>
        %dma_wait3A_178 = tpu.memref_squeeze %dma_wait3A_177 : memref<1x1x2x4x128xi32, #tpu.memory_space<hbm>> -> memref<2x4x128xi32, #tpu.memory_space<hbm>>
        %dma_wait3A_179 = arith.constant 0 : i32
        %dma_wait3A_180 = arith.constant 0 : i32
        %dma_wait3A_181 = arith.constant 0 : i32
        %dma_wait3A_182 = tpu.memref_slice %arg3[%add3A, %while3A_37, %dma_wait3A_179, %dma_wait3A_180, %dma_wait3A_181] : memref<32x37x2x4x128xi32, #tpu.memory_space<hbm>> -> memref<1x1x2x4x128xi32, #tpu.memory_space<hbm>>
        %dma_wait3A_183 = tpu.memref_squeeze %dma_wait3A_182 : memref<1x1x2x4x128xi32, #tpu.memory_space<hbm>> -> memref<2x4x128xi32, #tpu.memory_space<hbm>>
        tpu.wait_dma2 semaphore(%run_scoped3A : memref<!tpu.dma_semaphore, #tpu.memory_space<semaphore_mem>>) src(%dma_wait3A_183 : memref<2x4x128xi32, #tpu.memory_space<hbm>>) dst(%arg5 : memref<2x4x128xi32, #tpu.memory_space<vmem>>)
        tpu.yield
      }) : () -> ()
      %dma_start3A = arith.constant 0 : i32
      %dma_start3A_38 = arith.constant 0 : i32
      %dma_start3A_39 = arith.constant 0 : i32
      %dma_start3A_40 = tpu.memref_slice %arg5[%dma_start3A, %dma_start3A_38, %dma_start3A_39] : memref<2x4x128xi32, #tpu.memory_space<vmem>> -> memref<1x1x128xi32, #tpu.memory_space<vmem>>
      %dma_start3A_41 = tpu.memref_squeeze %dma_start3A_40 : memref<1x1x128xi32, #tpu.memory_space<vmem>> -> memref<128xi32, #tpu.memory_space<vmem>>
      %dma_start3A_42 = arith.constant 0 : i32
      %dma_start3A_43 = arith.constant 0 : i32
      %dma_start3A_44 = tpu.memref_slice %arg2[%dma_start3A_42, %dma_start3A_43] : memref<10240x128xf32, #tpu.memory_space<hbm>> -> memref<10240x128xf32, #tpu.memory_space<hbm>>
      tpu.enqueue_indirect_dma source(%dma_start3A_44 : memref<10240x128xf32, #tpu.memory_space<hbm>>) target(%arg6 : memref<128x128xf32, #tpu.memory_space<vmem>>) offsets(%dma_start3A_41 : memref<128xi32, #tpu.memory_space<vmem>>) semaphore(%arg9 : memref<!tpu.dma_semaphore, #tpu.memory_space<semaphore_mem>>)
      %dma_start3A_45 = arith.constant 0 : i32
      %dma_start3A_46 = arith.constant 1 : i32
      %dma_start3A_47 = arith.constant 0 : i32
      %dma_start3A_48 = tpu.memref_slice %arg5[%dma_start3A_45, %dma_start3A_46, %dma_start3A_47] : memref<2x4x128xi32, #tpu.memory_space<vmem>> -> memref<1x1x128xi32, #tpu.memory_space<vmem>>
      %dma_start3A_49 = tpu.memref_squeeze %dma_start3A_48 : memref<1x1x128xi32, #tpu.memory_space<vmem>> -> memref<128xi32, #tpu.memory_space<vmem>>
      %dma_start3A_50 = arith.constant 0 : i32
      %dma_start3A_51 = arith.constant 0 : i32
      %dma_start3A_52 = tpu.memref_slice %arg2[%dma_start3A_50, %dma_start3A_51] : memref<10240x128xf32, #tpu.memory_space<hbm>> -> memref<10240x128xf32, #tpu.memory_space<hbm>>
      tpu.enqueue_indirect_dma source(%dma_start3A_52 : memref<10240x128xf32, #tpu.memory_space<hbm>>) target(%arg7 : memref<128x128xf32, #tpu.memory_space<vmem>>) offsets(%dma_start3A_49 : memref<128xi32, #tpu.memory_space<vmem>>) semaphore(%arg10 : memref<!tpu.dma_semaphore, #tpu.memory_space<semaphore_mem>>)
      %dma_wait3A = arith.constant 0 : i32
      %dma_wait3A_53 = arith.constant 0 : i32
      %dma_wait3A_54 = arith.constant 0 : i32
      %dma_wait3A_55 = tpu.memref_slice %arg5[%dma_wait3A, %dma_wait3A_53, %dma_wait3A_54] : memref<2x4x128xi32, #tpu.memory_space<vmem>> -> memref<1x1x128xi32, #tpu.memory_space<vmem>>
      %dma_wait3A_56 = tpu.memref_squeeze %dma_wait3A_55 : memref<1x1x128xi32, #tpu.memory_space<vmem>> -> memref<128xi32, #tpu.memory_space<vmem>>
      %dma_wait3A_57 = arith.constant 0 : i32
      %dma_wait3A_58 = arith.constant 0 : i32
      %dma_wait3A_59 = tpu.memref_slice %arg2[%dma_wait3A_57, %dma_wait3A_58] : memref<10240x128xf32, #tpu.memory_space<hbm>> -> memref<10240x128xf32, #tpu.memory_space<hbm>>
      tpu.wait_indirect_dma semaphore(%arg9 : memref<!tpu.dma_semaphore, #tpu.memory_space<semaphore_mem>>) src(%dma_wait3A_59 : memref<10240x128xf32, #tpu.memory_space<hbm>>) dst(%arg6 : memref<128x128xf32, #tpu.memory_space<vmem>>)
      %dma_start3A_60 = arith.constant 1 : i32
      %dma_start3A_61 = arith.constant 0 : i32
      %dma_start3A_62 = arith.constant 0 : i32
      %dma_start3A_63 = tpu.memref_slice %arg5[%dma_start3A_60, %dma_start3A_61, %dma_start3A_62] : memref<2x4x128xi32, #tpu.memory_space<vmem>> -> memref<1x1x128xi32, #tpu.memory_space<vmem>>
      %dma_start3A_64 = tpu.memref_squeeze %dma_start3A_63 : memref<1x1x128xi32, #tpu.memory_space<vmem>> -> memref<128xi32, #tpu.memory_space<vmem>>
      %dma_start3A_65 = arith.constant 0 : i32
      %dma_start3A_66 = arith.constant 0 : i32
      %dma_start3A_67 = tpu.memref_slice %arg8[%dma_start3A_65, %dma_start3A_66] : memref<10240x128xf32, #tpu.memory_space<vmem_shared>> -> memref<10240x128xf32, #tpu.memory_space<vmem_shared>>
      tpu.enqueue_indirect_dma source(%arg6 : memref<128x128xf32, #tpu.memory_space<vmem>>) target(%dma_start3A_67 : memref<10240x128xf32, #tpu.memory_space<vmem_shared>>) offsets(%dma_start3A_64 : memref<128xi32, #tpu.memory_space<vmem>>) semaphore(%arg11 : memref<!tpu.dma_semaphore, #tpu.memory_space<semaphore_mem>>) {add = true}
      %dma_wait3A_68 = arith.constant 0 : i32
      %dma_wait3A_69 = arith.constant 1 : i32
      %dma_wait3A_70 = arith.constant 0 : i32
      %dma_wait3A_71 = tpu.memref_slice %arg5[%dma_wait3A_68, %dma_wait3A_69, %dma_wait3A_70] : memref<2x4x128xi32, #tpu.memory_space<vmem>> -> memref<1x1x128xi32, #tpu.memory_space<vmem>>
      %dma_wait3A_72 = tpu.memref_squeeze %dma_wait3A_71 : memref<1x1x128xi32, #tpu.memory_space<vmem>> -> memref<128xi32, #tpu.memory_space<vmem>>
      %dma_wait3A_73 = arith.constant 0 : i32
      %dma_wait3A_74 = arith.constant 0 : i32
      %dma_wait3A_75 = tpu.memref_slice %arg2[%dma_wait3A_73, %dma_wait3A_74] : memref<10240x128xf32, #tpu.memory_space<hbm>> -> memref<10240x128xf32, #tpu.memory_space<hbm>>
      tpu.wait_indirect_dma semaphore(%arg10 : memref<!tpu.dma_semaphore, #tpu.memory_space<semaphore_mem>>) src(%dma_wait3A_75 : memref<10240x128xf32, #tpu.memory_space<hbm>>) dst(%arg7 : memref<128x128xf32, #tpu.memory_space<vmem>>)
      %dma_start3A_76 = arith.constant 1 : i32
      %dma_start3A_77 = arith.constant 1 : i32
      %dma_start3A_78 = arith.constant 0 : i32
      %dma_start3A_79 = tpu.memref_slice %arg5[%dma_start3A_76, %dma_start3A_77, %dma_start3A_78] : memref<2x4x128xi32, #tpu.memory_space<vmem>> -> memref<1x1x128xi32, #tpu.memory_space<vmem>>
      %dma_start3A_80 = tpu.memref_squeeze %dma_start3A_79 : memref<1x1x128xi32, #tpu.memory_space<vmem>> -> memref<128xi32, #tpu.memory_space<vmem>>
      %dma_start3A_81 = arith.constant 0 : i32
      %dma_start3A_82 = arith.constant 0 : i32
      %dma_start3A_83 = tpu.memref_slice %arg8[%dma_start3A_81, %dma_start3A_82] : memref<10240x128xf32, #tpu.memory_space<vmem_shared>> -> memref<10240x128xf32, #tpu.memory_space<vmem_shared>>
      tpu.enqueue_indirect_dma source(%arg7 : memref<128x128xf32, #tpu.memory_space<vmem>>) target(%dma_start3A_83 : memref<10240x128xf32, #tpu.memory_space<vmem_shared>>) offsets(%dma_start3A_80 : memref<128xi32, #tpu.memory_space<vmem>>) semaphore(%arg12 : memref<!tpu.dma_semaphore, #tpu.memory_space<semaphore_mem>>) {add = true}
      %dma_wait3A_84 = arith.constant 1 : i32
      %dma_wait3A_85 = arith.constant 0 : i32
      %dma_wait3A_86 = arith.constant 0 : i32
      %dma_wait3A_87 = tpu.memref_slice %arg5[%dma_wait3A_84, %dma_wait3A_85, %dma_wait3A_86] : memref<2x4x128xi32, #tpu.memory_space<vmem>> -> memref<1x1x128xi32, #tpu.memory_space<vmem>>
      %dma_wait3A_88 = tpu.memref_squeeze %dma_wait3A_87 : memref<1x1x128xi32, #tpu.memory_space<vmem>> -> memref<128xi32, #tpu.memory_space<vmem>>
      %dma_wait3A_89 = arith.constant 0 : i32
      %dma_wait3A_90 = arith.constant 0 : i32
      %dma_wait3A_91 = tpu.memref_slice %arg8[%dma_wait3A_89, %dma_wait3A_90] : memref<10240x128xf32, #tpu.memory_space<vmem_shared>> -> memref<10240x128xf32, #tpu.memory_space<vmem_shared>>
      tpu.wait_indirect_dma semaphore(%arg11 : memref<!tpu.dma_semaphore, #tpu.memory_space<semaphore_mem>>) src(%arg6 : memref<128x128xf32, #tpu.memory_space<vmem>>) dst(%dma_wait3A_91 : memref<10240x128xf32, #tpu.memory_space<vmem_shared>>)
      %dma_wait3A_92 = arith.constant 1 : i32
      %dma_wait3A_93 = arith.constant 1 : i32
      %dma_wait3A_94 = arith.constant 0 : i32
      %dma_wait3A_95 = tpu.memref_slice %arg5[%dma_wait3A_92, %dma_wait3A_93, %dma_wait3A_94] : memref<2x4x128xi32, #tpu.memory_space<vmem>> -> memref<1x1x128xi32, #tpu.memory_space<vmem>>
      %dma_wait3A_96 = tpu.memref_squeeze %dma_wait3A_95 : memref<1x1x128xi32, #tpu.memory_space<vmem>> -> memref<128xi32, #tpu.memory_space<vmem>>
      %dma_wait3A_97 = arith.constant 0 : i32
      %dma_wait3A_98 = arith.constant 0 : i32
      %dma_wait3A_99 = tpu.memref_slice %arg8[%dma_wait3A_97, %dma_wait3A_98] : memref<10240x128xf32, #tpu.memory_space<vmem_shared>> -> memref<10240x128xf32, #tpu.memory_space<vmem_shared>>
      tpu.wait_indirect_dma semaphore(%arg12 : memref<!tpu.dma_semaphore, #tpu.memory_space<semaphore_mem>>) src(%arg7 : memref<128x128xf32, #tpu.memory_space<vmem>>) dst(%dma_wait3A_99 : memref<10240x128xf32, #tpu.memory_space<vmem_shared>>)
      %dma_start3A_100 = arith.constant 0 : i32
      %dma_start3A_101 = arith.constant 2 : i32
      %dma_start3A_102 = arith.constant 0 : i32
      %dma_start3A_103 = tpu.memref_slice %arg5[%dma_start3A_100, %dma_start3A_101, %dma_start3A_102] : memref<2x4x128xi32, #tpu.memory_space<vmem>> -> memref<1x1x128xi32, #tpu.memory_space<vmem>>
      %dma_start3A_104 = tpu.memref_squeeze %dma_start3A_103 : memref<1x1x128xi32, #tpu.memory_space<vmem>> -> memref<128xi32, #tpu.memory_space<vmem>>
      %dma_start3A_105 = arith.constant 0 : i32
      %dma_start3A_106 = arith.constant 0 : i32
      %dma_start3A_107 = tpu.memref_slice %arg2[%dma_start3A_105, %dma_start3A_106] : memref<10240x128xf32, #tpu.memory_space<hbm>> -> memref<10240x128xf32, #tpu.memory_space<hbm>>
      tpu.enqueue_indirect_dma source(%dma_start3A_107 : memref<10240x128xf32, #tpu.memory_space<hbm>>) target(%arg6 : memref<128x128xf32, #tpu.memory_space<vmem>>) offsets(%dma_start3A_104 : memref<128xi32, #tpu.memory_space<vmem>>) semaphore(%arg9 : memref<!tpu.dma_semaphore, #tpu.memory_space<semaphore_mem>>)
      %dma_start3A_108 = arith.constant 0 : i32
      %dma_start3A_109 = arith.constant 3 : i32
      %dma_start3A_110 = arith.constant 0 : i32
      %dma_start3A_111 = tpu.memref_slice %arg5[%dma_start3A_108, %dma_start3A_109, %dma_start3A_110] : memref<2x4x128xi32, #tpu.memory_space<vmem>> -> memref<1x1x128xi32, #tpu.memory_space<vmem>>
      %dma_start3A_112 = tpu.memref_squeeze %dma_start3A_111 : memref<1x1x128xi32, #tpu.memory_space<vmem>> -> memref<128xi32, #tpu.memory_space<vmem>>
      %dma_start3A_113 = arith.constant 0 : i32
      %dma_start3A_114 = arith.constant 0 : i32
      %dma_start3A_115 = tpu.memref_slice %arg2[%dma_start3A_113, %dma_start3A_114] : memref<10240x128xf32, #tpu.memory_space<hbm>> -> memref<10240x128xf32, #tpu.memory_space<hbm>>
      tpu.enqueue_indirect_dma source(%dma_start3A_115 : memref<10240x128xf32, #tpu.memory_space<hbm>>) target(%arg7 : memref<128x128xf32, #tpu.memory_space<vmem>>) offsets(%dma_start3A_112 : memref<128xi32, #tpu.memory_space<vmem>>) semaphore(%arg10 : memref<!tpu.dma_semaphore, #tpu.memory_space<semaphore_mem>>)
      %dma_wait3A_116 = arith.constant 0 : i32
      %dma_wait3A_117 = arith.constant 2 : i32
      %dma_wait3A_118 = arith.constant 0 : i32
      %dma_wait3A_119 = tpu.memref_slice %arg5[%dma_wait3A_116, %dma_wait3A_117, %dma_wait3A_118] : memref<2x4x128xi32, #tpu.memory_space<vmem>> -> memref<1x1x128xi32, #tpu.memory_space<vmem>>
      %dma_wait3A_120 = tpu.memref_squeeze %dma_wait3A_119 : memref<1x1x128xi32, #tpu.memory_space<vmem>> -> memref<128xi32, #tpu.memory_space<vmem>>
      %dma_wait3A_121 = arith.constant 0 : i32
      %dma_wait3A_122 = arith.constant 0 : i32
      %dma_wait3A_123 = tpu.memref_slice %arg2[%dma_wait3A_121, %dma_wait3A_122] : memref<10240x128xf32, #tpu.memory_space<hbm>> -> memref<10240x128xf32, #tpu.memory_space<hbm>>
      tpu.wait_indirect_dma semaphore(%arg9 : memref<!tpu.dma_semaphore, #tpu.memory_space<semaphore_mem>>) src(%dma_wait3A_123 : memref<10240x128xf32, #tpu.memory_space<hbm>>) dst(%arg6 : memref<128x128xf32, #tpu.memory_space<vmem>>)
      %dma_start3A_124 = arith.constant 1 : i32
      %dma_start3A_125 = arith.constant 2 : i32
      %dma_start3A_126 = arith.constant 0 : i32
      %dma_start3A_127 = tpu.memref_slice %arg5[%dma_start3A_124, %dma_start3A_125, %dma_start3A_126] : memref<2x4x128xi32, #tpu.memory_space<vmem>> -> memref<1x1x128xi32, #tpu.memory_space<vmem>>
      %dma_start3A_128 = tpu.memref_squeeze %dma_start3A_127 : memref<1x1x128xi32, #tpu.memory_space<vmem>> -> memref<128xi32, #tpu.memory_space<vmem>>
      %dma_start3A_129 = arith.constant 0 : i32
      %dma_start3A_130 = arith.constant 0 : i32
      %dma_start3A_131 = tpu.memref_slice %arg8[%dma_start3A_129, %dma_start3A_130] : memref<10240x128xf32, #tpu.memory_space<vmem_shared>> -> memref<10240x128xf32, #tpu.memory_space<vmem_shared>>
      tpu.enqueue_indirect_dma source(%arg6 : memref<128x128xf32, #tpu.memory_space<vmem>>) target(%dma_start3A_131 : memref<10240x128xf32, #tpu.memory_space<vmem_shared>>) offsets(%dma_start3A_128 : memref<128xi32, #tpu.memory_space<vmem>>) semaphore(%arg11 : memref<!tpu.dma_semaphore, #tpu.memory_space<semaphore_mem>>) {add = true}
      %dma_wait3A_132 = arith.constant 0 : i32
      %dma_wait3A_133 = arith.constant 3 : i32
      %dma_wait3A_134 = arith.constant 0 : i32
      %dma_wait3A_135 = tpu.memref_slice %arg5[%dma_wait3A_132, %dma_wait3A_133, %dma_wait3A_134] : memref<2x4x128xi32, #tpu.memory_space<vmem>> -> memref<1x1x128xi32, #tpu.memory_space<vmem>>
      %dma_wait3A_136 = tpu.memref_squeeze %dma_wait3A_135 : memref<1x1x128xi32, #tpu.memory_space<vmem>> -> memref<128xi32, #tpu.memory_space<vmem>>
      %dma_wait3A_137 = arith.constant 0 : i32
      %dma_wait3A_138 = arith.constant 0 : i32
      %dma_wait3A_139 = tpu.memref_slice %arg2[%dma_wait3A_137, %dma_wait3A_138] : memref<10240x128xf32, #tpu.memory_space<hbm>> -> memref<10240x128xf32, #tpu.memory_space<hbm>>
      tpu.wait_indirect_dma semaphore(%arg10 : memref<!tpu.dma_semaphore, #tpu.memory_space<semaphore_mem>>) src(%dma_wait3A_139 : memref<10240x128xf32, #tpu.memory_space<hbm>>) dst(%arg7 : memref<128x128xf32, #tpu.memory_space<vmem>>)
      %dma_start3A_140 = arith.constant 1 : i32
      %dma_start3A_141 = arith.constant 3 : i32
      %dma_start3A_142 = arith.constant 0 : i32
      %dma_start3A_143 = tpu.memref_slice %arg5[%dma_start3A_140, %dma_start3A_141, %dma_start3A_142] : memref<2x4x128xi32, #tpu.memory_space<vmem>> -> memref<1x1x128xi32, #tpu.memory_space<vmem>>
      %dma_start3A_144 = tpu.memref_squeeze %dma_start3A_143 : memref<1x1x128xi32, #tpu.memory_space<vmem>> -> memref<128xi32, #tpu.memory_space<vmem>>
      %dma_start3A_145 = arith.constant 0 : i32
      %dma_start3A_146 = arith.constant 0 : i32
      %dma_start3A_147 = tpu.memref_slice %arg8[%dma_start3A_145, %dma_start3A_146] : memref<10240x128xf32, #tpu.memory_space<vmem_shared>> -> memref<10240x128xf32, #tpu.memory_space<vmem_shared>>
      tpu.enqueue_indirect_dma source(%arg7 : memref<128x128xf32, #tpu.memory_space<vmem>>) target(%dma_start3A_147 : memref<10240x128xf32, #tpu.memory_space<vmem_shared>>) offsets(%dma_start3A_144 : memref<128xi32, #tpu.memory_space<vmem>>) semaphore(%arg12 : memref<!tpu.dma_semaphore, #tpu.memory_space<semaphore_mem>>) {add = true}
      %dma_wait3A_148 = arith.constant 1 : i32
      %dma_wait3A_149 = arith.constant 2 : i32
      %dma_wait3A_150 = arith.constant 0 : i32
      %dma_wait3A_151 = tpu.memref_slice %arg5[%dma_wait3A_148, %dma_wait3A_149, %dma_wait3A_150] : memref<2x4x128xi32, #tpu.memory_space<vmem>> -> memref<1x1x128xi32, #tpu.memory_space<vmem>>
      %dma_wait3A_152 = tpu.memref_squeeze %dma_wait3A_151 : memref<1x1x128xi32, #tpu.memory_space<vmem>> -> memref<128xi32, #tpu.memory_space<vmem>>
      %dma_wait3A_153 = arith.constant 0 : i32
      %dma_wait3A_154 = arith.constant 0 : i32
      %dma_wait3A_155 = tpu.memref_slice %arg8[%dma_wait3A_153, %dma_wait3A_154] : memref<10240x128xf32, #tpu.memory_space<vmem_shared>> -> memref<10240x128xf32, #tpu.memory_space<vmem_shared>>
      tpu.wait_indirect_dma semaphore(%arg11 : memref<!tpu.dma_semaphore, #tpu.memory_space<semaphore_mem>>) src(%arg6 : memref<128x128xf32, #tpu.memory_space<vmem>>) dst(%dma_wait3A_155 : memref<10240x128xf32, #tpu.memory_space<vmem_shared>>)
      %dma_wait3A_156 = arith.constant 1 : i32
      %dma_wait3A_157 = arith.constant 3 : i32
      %dma_wait3A_158 = arith.constant 0 : i32
      %dma_wait3A_159 = tpu.memref_slice %arg5[%dma_wait3A_156, %dma_wait3A_157, %dma_wait3A_158] : memref<2x4x128xi32, #tpu.memory_space<vmem>> -> memref<1x1x128xi32, #tpu.memory_space<vmem>>
      %dma_wait3A_160 = tpu.memref_squeeze %dma_wait3A_159 : memref<1x1x128xi32, #tpu.memory_space<vmem>> -> memref<128xi32, #tpu.memory_space<vmem>>
      %dma_wait3A_161 = arith.constant 0 : i32
      %dma_wait3A_162 = arith.constant 0 : i32
      %dma_wait3A_163 = tpu.memref_slice %arg8[%dma_wait3A_161, %dma_wait3A_162] : memref<10240x128xf32, #tpu.memory_space<vmem_shared>> -> memref<10240x128xf32, #tpu.memory_space<vmem_shared>>
      tpu.wait_indirect_dma semaphore(%arg12 : memref<!tpu.dma_semaphore, #tpu.memory_space<semaphore_mem>>) src(%arg7 : memref<128x128xf32, #tpu.memory_space<vmem>>) dst(%dma_wait3A_163 : memref<10240x128xf32, #tpu.memory_space<vmem_shared>>)
    }
    %while3A_35 = arith.constant 1 : i32
    scf.for %while3A_37 = %while3A_33 to %while3A_29 step %while3A_35  : i32 {
      "tpu.region"() ({
        %run_scoped3A = tpu.sem_alloc : memref<!tpu.dma_semaphore, #tpu.memory_space<semaphore_mem>>
        %dma_start3A_164 = arith.constant 0 : i32
        %dma_start3A_165 = arith.constant 0 : i32
        %dma_start3A_166 = arith.constant 0 : i32
        %dma_start3A_167 = tpu.memref_slice %arg3[%add3A, %while3A_37, %dma_start3A_164, %dma_start3A_165, %dma_start3A_166] : memref<32x37x2x4x128xi32, #tpu.memory_space<hbm>> -> memref<1x1x2x4x128xi32, #tpu.memory_space<hbm>>
        %dma_start3A_168 = tpu.memref_squeeze %dma_start3A_167 : memref<1x1x2x4x128xi32, #tpu.memory_space<hbm>> -> memref<2x4x128xi32, #tpu.memory_space<hbm>>
        %dma_start3A_169 = arith.constant 0 : i32
        %dma_start3A_170 = arith.constant 0 : i32
        %dma_start3A_171 = arith.constant 0 : i32
        %dma_start3A_172 = tpu.memref_slice %arg3[%add3A, %while3A_37, %dma_start3A_169, %dma_start3A_170, %dma_start3A_171] : memref<32x37x2x4x128xi32, #tpu.memory_space<hbm>> -> memref<1x1x2x4x128xi32, #tpu.memory_space<hbm>>
        %dma_start3A_173 = tpu.memref_squeeze %dma_start3A_172 : memref<1x1x2x4x128xi32, #tpu.memory_space<hbm>> -> memref<2x4x128xi32, #tpu.memory_space<hbm>>
        tpu.enqueue_dma source(%dma_start3A_173 : memref<2x4x128xi32, #tpu.memory_space<hbm>>) target(%arg5 : memref<2x4x128xi32, #tpu.memory_space<vmem>>) target_semaphore(%run_scoped3A : memref<!tpu.dma_semaphore, #tpu.memory_space<semaphore_mem>>)
        %dma_wait3A_174 = arith.constant 0 : i32
        %dma_wait3A_175 = arith.constant 0 : i32
        %dma_wait3A_176 = arith.constant 0 : i32
        %dma_wait3A_177 = tpu.memref_slice %arg3[%add3A, %while3A_37, %dma_wait3A_174, %dma_wait3A_175, %dma_wait3A_176] : memref<32x37x2x4x128xi32, #tpu.memory_space<hbm>> -> memref<1x1x2x4x128xi32, #tpu.memory_space<hbm>>
        %dma_wait3A_178 = tpu.memref_squeeze %dma_wait3A_177 : memref<1x1x2x4x128xi32, #tpu.memory_space<hbm>> -> memref<2x4x128xi32, #tpu.memory_space<hbm>>
        %dma_wait3A_179 = arith.constant 0 : i32
        %dma_wait3A_180 = arith.constant 0 : i32
        %dma_wait3A_181 = arith.constant 0 : i32
        %dma_wait3A_182 = tpu.memref_slice %arg3[%add3A, %while3A_37, %dma_wait3A_179, %dma_wait3A_180, %dma_wait3A_181] : memref<32x37x2x4x128xi32, #tpu.memory_space<hbm>> -> memref<1x1x2x4x128xi32, #tpu.memory_space<hbm>>
        %dma_wait3A_183 = tpu.memref_squeeze %dma_wait3A_182 : memref<1x1x2x4x128xi32, #tpu.memory_space<hbm>> -> memref<2x4x128xi32, #tpu.memory_space<hbm>>
        tpu.wait_dma2 semaphore(%run_scoped3A : memref<!tpu.dma_semaphore, #tpu.memory_space<semaphore_mem>>) src(%dma_wait3A_183 : memref<2x4x128xi32, #tpu.memory_space<hbm>>) dst(%arg5 : memref<2x4x128xi32, #tpu.memory_space<vmem>>)
        tpu.yield
      }) : () -> ()
      %dma_start3A = arith.constant 0 : i32
      %dma_start3A_38 = arith.constant 0 : i32
      %dma_start3A_39 = arith.constant 0 : i32
      %dma_start3A_40 = tpu.memref_slice %arg5[%dma_start3A, %dma_start3A_38, %dma_start3A_39] : memref<2x4x128xi32, #tpu.memory_space<vmem>> -> memref<1x1x128xi32, #tpu.memory_space<vmem>>
      %dma_start3A_41 = tpu.memref_squeeze %dma_start3A_40 : memref<1x1x128xi32, #tpu.memory_space<vmem>> -> memref<128xi32, #tpu.memory_space<vmem>>
      %dma_start3A_42 = arith.constant 0 : i32
      %dma_start3A_43 = arith.constant 0 : i32
      %dma_start3A_44 = tpu.memref_slice %arg2[%dma_start3A_42, %dma_start3A_43] : memref<10240x128xf32, #tpu.memory_space<hbm>> -> memref<10240x128xf32, #tpu.memory_space<hbm>>
      tpu.enqueue_indirect_dma source(%dma_start3A_44 : memref<10240x128xf32, #tpu.memory_space<hbm>>) target(%arg6 : memref<128x128xf32, #tpu.memory_space<vmem>>) offsets(%dma_start3A_41 : memref<128xi32, #tpu.memory_space<vmem>>) semaphore(%arg9 : memref<!tpu.dma_semaphore, #tpu.memory_space<semaphore_mem>>)
      %dma_start3A_45 = arith.constant 0 : i32
      %dma_start3A_46 = arith.constant 1 : i32
      %dma_start3A_47 = arith.constant 0 : i32
      %dma_start3A_48 = tpu.memref_slice %arg5[%dma_start3A_45, %dma_start3A_46, %dma_start3A_47] : memref<2x4x128xi32, #tpu.memory_space<vmem>> -> memref<1x1x128xi32, #tpu.memory_space<vmem>>
      %dma_start3A_49 = tpu.memref_squeeze %dma_start3A_48 : memref<1x1x128xi32, #tpu.memory_space<vmem>> -> memref<128xi32, #tpu.memory_space<vmem>>
      %dma_start3A_50 = arith.constant 0 : i32
      %dma_start3A_51 = arith.constant 0 : i32
      %dma_start3A_52 = tpu.memref_slice %arg2[%dma_start3A_50, %dma_start3A_51] : memref<10240x128xf32, #tpu.memory_space<hbm>> -> memref<10240x128xf32, #tpu.memory_space<hbm>>
      tpu.enqueue_indirect_dma source(%dma_start3A_52 : memref<10240x128xf32, #tpu.memory_space<hbm>>) target(%arg7 : memref<128x128xf32, #tpu.memory_space<vmem>>) offsets(%dma_start3A_49 : memref<128xi32, #tpu.memory_space<vmem>>) semaphore(%arg10 : memref<!tpu.dma_semaphore, #tpu.memory_space<semaphore_mem>>)
      %dma_wait3A = arith.constant 0 : i32
      %dma_wait3A_53 = arith.constant 0 : i32
      %dma_wait3A_54 = arith.constant 0 : i32
      %dma_wait3A_55 = tpu.memref_slice %arg5[%dma_wait3A, %dma_wait3A_53, %dma_wait3A_54] : memref<2x4x128xi32, #tpu.memory_space<vmem>> -> memref<1x1x128xi32, #tpu.memory_space<vmem>>
      %dma_wait3A_56 = tpu.memref_squeeze %dma_wait3A_55 : memref<1x1x128xi32, #tpu.memory_space<vmem>> -> memref<128xi32, #tpu.memory_space<vmem>>
      %dma_wait3A_57 = arith.constant 0 : i32
      %dma_wait3A_58 = arith.constant 0 : i32
      %dma_wait3A_59 = tpu.memref_slice %arg2[%dma_wait3A_57, %dma_wait3A_58] : memref<10240x128xf32, #tpu.memory_space<hbm>> -> memref<10240x128xf32, #tpu.memory_space<hbm>>
      tpu.wait_indirect_dma semaphore(%arg9 : memref<!tpu.dma_semaphore, #tpu.memory_space<semaphore_mem>>) src(%dma_wait3A_59 : memref<10240x128xf32, #tpu.memory_space<hbm>>) dst(%arg6 : memref<128x128xf32, #tpu.memory_space<vmem>>)
      %dma_start3A_60 = arith.constant 1 : i32
      %dma_start3A_61 = arith.constant 0 : i32
      %dma_start3A_62 = arith.constant 0 : i32
      %dma_start3A_63 = tpu.memref_slice %arg5[%dma_start3A_60, %dma_start3A_61, %dma_start3A_62] : memref<2x4x128xi32, #tpu.memory_space<vmem>> -> memref<1x1x128xi32, #tpu.memory_space<vmem>>
      %dma_start3A_64 = tpu.memref_squeeze %dma_start3A_63 : memref<1x1x128xi32, #tpu.memory_space<vmem>> -> memref<128xi32, #tpu.memory_space<vmem>>
      %dma_start3A_65 = arith.constant 0 : i32
      %dma_start3A_66 = arith.constant 0 : i32
      %dma_start3A_67 = tpu.memref_slice %arg8[%dma_start3A_65, %dma_start3A_66] : memref<10240x128xf32, #tpu.memory_space<vmem_shared>> -> memref<10240x128xf32, #tpu.memory_space<vmem_shared>>
      tpu.enqueue_indirect_dma source(%arg6 : memref<128x128xf32, #tpu.memory_space<vmem>>) target(%dma_start3A_67 : memref<10240x128xf32, #tpu.memory_space<vmem_shared>>) offsets(%dma_start3A_64 : memref<128xi32, #tpu.memory_space<vmem>>) semaphore(%arg11 : memref<!tpu.dma_semaphore, #tpu.memory_space<semaphore_mem>>) {add = true}
      %dma_wait3A_68 = arith.constant 0 : i32
      %dma_wait3A_69 = arith.constant 1 : i32
      %dma_wait3A_70 = arith.constant 0 : i32
      %dma_wait3A_71 = tpu.memref_slice %arg5[%dma_wait3A_68, %dma_wait3A_69, %dma_wait3A_70] : memref<2x4x128xi32, #tpu.memory_space<vmem>> -> memref<1x1x128xi32, #tpu.memory_space<vmem>>
      %dma_wait3A_72 = tpu.memref_squeeze %dma_wait3A_71 : memref<1x1x128xi32, #tpu.memory_space<vmem>> -> memref<128xi32, #tpu.memory_space<vmem>>
      %dma_wait3A_73 = arith.constant 0 : i32
      %dma_wait3A_74 = arith.constant 0 : i32
      %dma_wait3A_75 = tpu.memref_slice %arg2[%dma_wait3A_73, %dma_wait3A_74] : memref<10240x128xf32, #tpu.memory_space<hbm>> -> memref<10240x128xf32, #tpu.memory_space<hbm>>
      tpu.wait_indirect_dma semaphore(%arg10 : memref<!tpu.dma_semaphore, #tpu.memory_space<semaphore_mem>>) src(%dma_wait3A_75 : memref<10240x128xf32, #tpu.memory_space<hbm>>) dst(%arg7 : memref<128x128xf32, #tpu.memory_space<vmem>>)
      %dma_start3A_76 = arith.constant 1 : i32
      %dma_start3A_77 = arith.constant 1 : i32
      %dma_start3A_78 = arith.constant 0 : i32
      %dma_start3A_79 = tpu.memref_slice %arg5[%dma_start3A_76, %dma_start3A_77, %dma_start3A_78] : memref<2x4x128xi32, #tpu.memory_space<vmem>> -> memref<1x1x128xi32, #tpu.memory_space<vmem>>
      %dma_start3A_80 = tpu.memref_squeeze %dma_start3A_79 : memref<1x1x128xi32, #tpu.memory_space<vmem>> -> memref<128xi32, #tpu.memory_space<vmem>>
      %dma_start3A_81 = arith.constant 0 : i32
      %dma_start3A_82 = arith.constant 0 : i32
      %dma_start3A_83 = tpu.memref_slice %arg8[%dma_start3A_81, %dma_start3A_82] : memref<10240x128xf32, #tpu.memory_space<vmem_shared>> -> memref<10240x128xf32, #tpu.memory_space<vmem_shared>>
      tpu.enqueue_indirect_dma source(%arg7 : memref<128x128xf32, #tpu.memory_space<vmem>>) target(%dma_start3A_83 : memref<10240x128xf32, #tpu.memory_space<vmem_shared>>) offsets(%dma_start3A_80 : memref<128xi32, #tpu.memory_space<vmem>>) semaphore(%arg12 : memref<!tpu.dma_semaphore, #tpu.memory_space<semaphore_mem>>) {add = true}
      %dma_wait3A_84 = arith.constant 1 : i32
      %dma_wait3A_85 = arith.constant 0 : i32
      %dma_wait3A_86 = arith.constant 0 : i32
      %dma_wait3A_87 = tpu.memref_slice %arg5[%dma_wait3A_84, %dma_wait3A_85, %dma_wait3A_86] : memref<2x4x128xi32, #tpu.memory_space<vmem>> -> memref<1x1x128xi32, #tpu.memory_space<vmem>>
      %dma_wait3A_88 = tpu.memref_squeeze %dma_wait3A_87 : memref<1x1x128xi32, #tpu.memory_space<vmem>> -> memref<128xi32, #tpu.memory_space<vmem>>
      %dma_wait3A_89 = arith.constant 0 : i32
      %dma_wait3A_90 = arith.constant 0 : i32
      %dma_wait3A_91 = tpu.memref_slice %arg8[%dma_wait3A_89, %dma_wait3A_90] : memref<10240x128xf32, #tpu.memory_space<vmem_shared>> -> memref<10240x128xf32, #tpu.memory_space<vmem_shared>>
      tpu.wait_indirect_dma semaphore(%arg11 : memref<!tpu.dma_semaphore, #tpu.memory_space<semaphore_mem>>) src(%arg6 : memref<128x128xf32, #tpu.memory_space<vmem>>) dst(%dma_wait3A_91 : memref<10240x128xf32, #tpu.memory_space<vmem_shared>>)
      %dma_wait3A_92 = arith.constant 1 : i32
      %dma_wait3A_93 = arith.constant 1 : i32
      %dma_wait3A_94 = arith.constant 0 : i32
      %dma_wait3A_95 = tpu.memref_slice %arg5[%dma_wait3A_92, %dma_wait3A_93, %dma_wait3A_94] : memref<2x4x128xi32, #tpu.memory_space<vmem>> -> memref<1x1x128xi32, #tpu.memory_space<vmem>>
      %dma_wait3A_96 = tpu.memref_squeeze %dma_wait3A_95 : memref<1x1x128xi32, #tpu.memory_space<vmem>> -> memref<128xi32, #tpu.memory_space<vmem>>
      %dma_wait3A_97 = arith.constant 0 : i32
      %dma_wait3A_98 = arith.constant 0 : i32
      %dma_wait3A_99 = tpu.memref_slice %arg8[%dma_wait3A_97, %dma_wait3A_98] : memref<10240x128xf32, #tpu.memory_space<vmem_shared>> -> memref<10240x128xf32, #tpu.memory_space<vmem_shared>>
      tpu.wait_indirect_dma semaphore(%arg12 : memref<!tpu.dma_semaphore, #tpu.memory_space<semaphore_mem>>) src(%arg7 : memref<128x128xf32, #tpu.memory_space<vmem>>) dst(%dma_wait3A_99 : memref<10240x128xf32, #tpu.memory_space<vmem_shared>>)
      %dma_start3A_100 = arith.constant 0 : i32
      %dma_start3A_101 = arith.constant 2 : i32
      %dma_start3A_102 = arith.constant 0 : i32
      %dma_start3A_103 = tpu.memref_slice %arg5[%dma_start3A_100, %dma_start3A_101, %dma_start3A_102] : memref<2x4x128xi32, #tpu.memory_space<vmem>> -> memref<1x1x128xi32, #tpu.memory_space<vmem>>
      %dma_start3A_104 = tpu.memref_squeeze %dma_start3A_103 : memref<1x1x128xi32, #tpu.memory_space<vmem>> -> memref<128xi32, #tpu.memory_space<vmem>>
      %dma_start3A_105 = arith.constant 0 : i32
      %dma_start3A_106 = arith.constant 0 : i32
      %dma_start3A_107 = tpu.memref_slice %arg2[%dma_start3A_105, %dma_start3A_106] : memref<10240x128xf32, #tpu.memory_space<hbm>> -> memref<10240x128xf32, #tpu.memory_space<hbm>>
      tpu.enqueue_indirect_dma source(%dma_start3A_107 : memref<10240x128xf32, #tpu.memory_space<hbm>>) target(%arg6 : memref<128x128xf32, #tpu.memory_space<vmem>>) offsets(%dma_start3A_104 : memref<128xi32, #tpu.memory_space<vmem>>) semaphore(%arg9 : memref<!tpu.dma_semaphore, #tpu.memory_space<semaphore_mem>>)
      %dma_start3A_108 = arith.constant 0 : i32
      %dma_start3A_109 = arith.constant 3 : i32
      %dma_start3A_110 = arith.constant 0 : i32
      %dma_start3A_111 = tpu.memref_slice %arg5[%dma_start3A_108, %dma_start3A_109, %dma_start3A_110] : memref<2x4x128xi32, #tpu.memory_space<vmem>> -> memref<1x1x128xi32, #tpu.memory_space<vmem>>
      %dma_start3A_112 = tpu.memref_squeeze %dma_start3A_111 : memref<1x1x128xi32, #tpu.memory_space<vmem>> -> memref<128xi32, #tpu.memory_space<vmem>>
      %dma_start3A_113 = arith.constant 0 : i32
      %dma_start3A_114 = arith.constant 0 : i32
      %dma_start3A_115 = tpu.memref_slice %arg2[%dma_start3A_113, %dma_start3A_114] : memref<10240x128xf32, #tpu.memory_space<hbm>> -> memref<10240x128xf32, #tpu.memory_space<hbm>>
      tpu.enqueue_indirect_dma source(%dma_start3A_115 : memref<10240x128xf32, #tpu.memory_space<hbm>>) target(%arg7 : memref<128x128xf32, #tpu.memory_space<vmem>>) offsets(%dma_start3A_112 : memref<128xi32, #tpu.memory_space<vmem>>) semaphore(%arg10 : memref<!tpu.dma_semaphore, #tpu.memory_space<semaphore_mem>>)
      %dma_wait3A_116 = arith.constant 0 : i32
      %dma_wait3A_117 = arith.constant 2 : i32
      %dma_wait3A_118 = arith.constant 0 : i32
      %dma_wait3A_119 = tpu.memref_slice %arg5[%dma_wait3A_116, %dma_wait3A_117, %dma_wait3A_118] : memref<2x4x128xi32, #tpu.memory_space<vmem>> -> memref<1x1x128xi32, #tpu.memory_space<vmem>>
      %dma_wait3A_120 = tpu.memref_squeeze %dma_wait3A_119 : memref<1x1x128xi32, #tpu.memory_space<vmem>> -> memref<128xi32, #tpu.memory_space<vmem>>
      %dma_wait3A_121 = arith.constant 0 : i32
      %dma_wait3A_122 = arith.constant 0 : i32
      %dma_wait3A_123 = tpu.memref_slice %arg2[%dma_wait3A_121, %dma_wait3A_122] : memref<10240x128xf32, #tpu.memory_space<hbm>> -> memref<10240x128xf32, #tpu.memory_space<hbm>>
      tpu.wait_indirect_dma semaphore(%arg9 : memref<!tpu.dma_semaphore, #tpu.memory_space<semaphore_mem>>) src(%dma_wait3A_123 : memref<10240x128xf32, #tpu.memory_space<hbm>>) dst(%arg6 : memref<128x128xf32, #tpu.memory_space<vmem>>)
      %dma_start3A_124 = arith.constant 1 : i32
      %dma_start3A_125 = arith.constant 2 : i32
      %dma_start3A_126 = arith.constant 0 : i32
      %dma_start3A_127 = tpu.memref_slice %arg5[%dma_start3A_124, %dma_start3A_125, %dma_start3A_126] : memref<2x4x128xi32, #tpu.memory_space<vmem>> -> memref<1x1x128xi32, #tpu.memory_space<vmem>>
      %dma_start3A_128 = tpu.memref_squeeze %dma_start3A_127 : memref<1x1x128xi32, #tpu.memory_space<vmem>> -> memref<128xi32, #tpu.memory_space<vmem>>
      %dma_start3A_129 = arith.constant 0 : i32
      %dma_start3A_130 = arith.constant 0 : i32
      %dma_start3A_131 = tpu.memref_slice %arg8[%dma_start3A_129, %dma_start3A_130] : memref<10240x128xf32, #tpu.memory_space<vmem_shared>> -> memref<10240x128xf32, #tpu.memory_space<vmem_shared>>
      tpu.enqueue_indirect_dma source(%arg6 : memref<128x128xf32, #tpu.memory_space<vmem>>) target(%dma_start3A_131 : memref<10240x128xf32, #tpu.memory_space<vmem_shared>>) offsets(%dma_start3A_128 : memref<128xi32, #tpu.memory_space<vmem>>) semaphore(%arg11 : memref<!tpu.dma_semaphore, #tpu.memory_space<semaphore_mem>>) {add = true}
      %dma_wait3A_132 = arith.constant 0 : i32
      %dma_wait3A_133 = arith.constant 3 : i32
      %dma_wait3A_134 = arith.constant 0 : i32
      %dma_wait3A_135 = tpu.memref_slice %arg5[%dma_wait3A_132, %dma_wait3A_133, %dma_wait3A_134] : memref<2x4x128xi32, #tpu.memory_space<vmem>> -> memref<1x1x128xi32, #tpu.memory_space<vmem>>
      %dma_wait3A_136 = tpu.memref_squeeze %dma_wait3A_135 : memref<1x1x128xi32, #tpu.memory_space<vmem>> -> memref<128xi32, #tpu.memory_space<vmem>>
      %dma_wait3A_137 = arith.constant 0 : i32
      %dma_wait3A_138 = arith.constant 0 : i32
      %dma_wait3A_139 = tpu.memref_slice %arg2[%dma_wait3A_137, %dma_wait3A_138] : memref<10240x128xf32, #tpu.memory_space<hbm>> -> memref<10240x128xf32, #tpu.memory_space<hbm>>
      tpu.wait_indirect_dma semaphore(%arg10 : memref<!tpu.dma_semaphore, #tpu.memory_space<semaphore_mem>>) src(%dma_wait3A_139 : memref<10240x128xf32, #tpu.memory_space<hbm>>) dst(%arg7 : memref<128x128xf32, #tpu.memory_space<vmem>>)
      %dma_start3A_140 = arith.constant 1 : i32
      %dma_start3A_141 = arith.constant 3 : i32
      %dma_start3A_142 = arith.constant 0 : i32
      %dma_start3A_143 = tpu.memref_slice %arg5[%dma_start3A_140, %dma_start3A_141, %dma_start3A_142] : memref<2x4x128xi32, #tpu.memory_space<vmem>> -> memref<1x1x128xi32, #tpu.memory_space<vmem>>
      %dma_start3A_144 = tpu.memref_squeeze %dma_start3A_143 : memref<1x1x128xi32, #tpu.memory_space<vmem>> -> memref<128xi32, #tpu.memory_space<vmem>>
      %dma_start3A_145 = arith.constant 0 : i32
      %dma_start3A_146 = arith.constant 0 : i32
      %dma_start3A_147 = tpu.memref_slice %arg8[%dma_start3A_145, %dma_start3A_146] : memref<10240x128xf32, #tpu.memory_space<vmem_shared>> -> memref<10240x128xf32, #tpu.memory_space<vmem_shared>>
      tpu.enqueue_indirect_dma source(%arg7 : memref<128x128xf32, #tpu.memory_space<vmem>>) target(%dma_start3A_147 : memref<10240x128xf32, #tpu.memory_space<vmem_shared>>) offsets(%dma_start3A_144 : memref<128xi32, #tpu.memory_space<vmem>>) semaphore(%arg12 : memref<!tpu.dma_semaphore, #tpu.memory_space<semaphore_mem>>) {add = true}
      %dma_wait3A_148 = arith.constant 1 : i32
      %dma_wait3A_149 = arith.constant 2 : i32
      %dma_wait3A_150 = arith.constant 0 : i32
      %dma_wait3A_151 = tpu.memref_slice %arg5[%dma_wait3A_148, %dma_wait3A_149, %dma_wait3A_150] : memref<2x4x128xi32, #tpu.memory_space<vmem>> -> memref<1x1x128xi32, #tpu.memory_space<vmem>>
      %dma_wait3A_152 = tpu.memref_squeeze %dma_wait3A_151 : memref<1x1x128xi32, #tpu.memory_space<vmem>> -> memref<128xi32, #tpu.memory_space<vmem>>
      %dma_wait3A_153 = arith.constant 0 : i32
      %dma_wait3A_154 = arith.constant 0 : i32
      %dma_wait3A_155 = tpu.memref_slice %arg8[%dma_wait3A_153, %dma_wait3A_154] : memref<10240x128xf32, #tpu.memory_space<vmem_shared>> -> memref<10240x128xf32, #tpu.memory_space<vmem_shared>>
      tpu.wait_indirect_dma semaphore(%arg11 : memref<!tpu.dma_semaphore, #tpu.memory_space<semaphore_mem>>) src(%arg6 : memref<128x128xf32, #tpu.memory_space<vmem>>) dst(%dma_wait3A_155 : memref<10240x128xf32, #tpu.memory_space<vmem_shared>>)
      %dma_wait3A_156 = arith.constant 1 : i32
      %dma_wait3A_157 = arith.constant 3 : i32
      %dma_wait3A_158 = arith.constant 0 : i32
      %dma_wait3A_159 = tpu.memref_slice %arg5[%dma_wait3A_156, %dma_wait3A_157, %dma_wait3A_158] : memref<2x4x128xi32, #tpu.memory_space<vmem>> -> memref<1x1x128xi32, #tpu.memory_space<vmem>>
      %dma_wait3A_160 = tpu.memref_squeeze %dma_wait3A_159 : memref<1x1x128xi32, #tpu.memory_space<vmem>> -> memref<128xi32, #tpu.memory_space<vmem>>
      %dma_wait3A_161 = arith.constant 0 : i32
      %dma_wait3A_162 = arith.constant 0 : i32
      %dma_wait3A_163 = tpu.memref_slice %arg8[%dma_wait3A_161, %dma_wait3A_162] : memref<10240x128xf32, #tpu.memory_space<vmem_shared>> -> memref<10240x128xf32, #tpu.memory_space<vmem_shared>>
      tpu.wait_indirect_dma semaphore(%arg12 : memref<!tpu.dma_semaphore, #tpu.memory_space<semaphore_mem>>) src(%arg7 : memref<128x128xf32, #tpu.memory_space<vmem>>) dst(%dma_wait3A_163 : memref<10240x128xf32, #tpu.memory_space<vmem_shared>>)
    }
    %barrier3A_36 = arith.constant 0 : index
    tpu.barrier barrier_id(%barrier3A_36)
    "tpu.region"() ({
      %run_scoped3A = tpu.sem_alloc : memref<!tpu.dma_semaphore, #tpu.memory_space<semaphore_mem>>
      %dma_start3A = arith.constant 0 : i32
      %dma_start3A_37 = tpu.memref_slice %arg4[%arg0, %mul3A_2, %dma_start3A] : memref<2x10240x128xf32, #tpu.memory_space<hbm>> -> memref<1x640x128xf32, #tpu.memory_space<hbm>>
      %dma_start3A_38 = tpu.memref_squeeze %dma_start3A_37 : memref<1x640x128xf32, #tpu.memory_space<hbm>> -> memref<640x128xf32, #tpu.memory_space<hbm>>
      %dma_start3A_39 = arith.constant 0 : i32
      %dma_start3A_40 = tpu.memref_slice %arg8[%mul3A_2, %dma_start3A_39] : memref<10240x128xf32, #tpu.memory_space<vmem_shared>> -> memref<640x128xf32, #tpu.memory_space<vmem_shared>>
      tpu.enqueue_dma source(%dma_start3A_40 : memref<640x128xf32, #tpu.memory_space<vmem_shared>>) target(%dma_start3A_38 : memref<640x128xf32, #tpu.memory_space<hbm>>) target_semaphore(%run_scoped3A : memref<!tpu.dma_semaphore, #tpu.memory_space<semaphore_mem>>)
      %dma_wait3A = arith.constant 0 : i32
      %dma_wait3A_41 = tpu.memref_slice %arg4[%arg0, %mul3A_2, %dma_wait3A] : memref<2x10240x128xf32, #tpu.memory_space<hbm>> -> memref<1x640x128xf32, #tpu.memory_space<hbm>>
      %dma_wait3A_42 = tpu.memref_squeeze %dma_wait3A_41 : memref<1x640x128xf32, #tpu.memory_space<hbm>> -> memref<640x128xf32, #tpu.memory_space<hbm>>
      %dma_wait3A_43 = arith.constant 0 : i32
      %dma_wait3A_44 = tpu.memref_slice %arg8[%mul3A_2, %dma_wait3A_43] : memref<10240x128xf32, #tpu.memory_space<vmem_shared>> -> memref<640x128xf32, #tpu.memory_space<vmem_shared>>
      tpu.wait_dma2 semaphore(%run_scoped3A : memref<!tpu.dma_semaphore, #tpu.memory_space<semaphore_mem>>) src(%dma_wait3A_44 : memref<640x128xf32, #tpu.memory_space<vmem_shared>>) dst(%dma_wait3A_42 : memref<640x128xf32, #tpu.memory_space<hbm>>)
      tpu.yield
    }) : () -> ()
    return
  }
}

#map = affine_map<(d0, d1) -> (0, 0)>
#map1 = affine_map<(d0, d1) -> (0, 0, 0, 0, 0)>
#map2 = affine_map<(d0, d1) -> (0, 0, 0)>
module attributes {stable_mosaic.version = 14 : i64} {
  func.func @prop_kernel(%arg0: i32, %arg1: i32, %arg2: memref<10240x128xf32, #tpu.memory_space<hbm>>, %arg3: memref<32x37x2x4x128xi32, #tpu.memory_space<hbm>>, %arg4: memref<2x10240x128xf32, #tpu.memory_space<hbm>>, %arg5: memref<2x4x128xi32, #tpu.memory_space<vmem>>, %arg6: memref<128x128xf32, #tpu.memory_space<vmem>>, %arg7: memref<128x128xf32, #tpu.memory_space<vmem>>, %arg8: memref<10240x128xf32, #tpu.memory_space<vmem_shared>>, %arg9: memref<!tpu.dma_semaphore, #tpu.memory_space<semaphore_mem>>, %arg10: memref<!tpu.dma_semaphore, #tpu.memory_space<semaphore_mem>>, %arg11: memref<!tpu.dma_semaphore, #tpu.memory_space<semaphore_mem>>, %arg12: memref<!tpu.dma_semaphore, #tpu.memory_space<semaphore_mem>>) attributes {dimension_semantics = [#tpu.dimension_semantics<core_parallel>, #tpu.dimension_semantics<subcore_parallel>], iteration_bounds = array<i64: 2, 16>, scalar_prefetch = 0 : i64, scratch_operands = 8 : i64, tpu.core_type = #tpu.core_type<sc_vector_subcore>, window_params = [{transform_indices = #map}, {transform_indices = #map1}, {transform_indices = #map2}]} {
    %mul3A = arith.constant 16 : i32
    %mul3A_0 = arith.muli %arg0, %mul3A : i32
    %add3A = arith.addi %mul3A_0, %arg1 : i32
    %mul3A_1 = arith.constant 640 : i32
    %mul3A_2 = arith.muli %arg1, %mul3A_1 : i32
    %broadcast_in_dim3A = arith.constant 0.000000e+00 : f32
    %broadcast_in_dim3A_3 = vector.broadcast %broadcast_in_dim3A : f32 to vector<16xf32>
    %while3A = arith.constant 0 : i32
    %while3A_4 = arith.constant 0 : i32
    %while3A_5 = arith.constant 128 : i32
    %while3A_6 = arith.subi %while3A_5, %while3A_4 : i32
    %while3A_7 = arith.addi %while3A_4, %while3A_6 : i32
    %while3A_8 = arith.constant 1 : i32
    %while3A_9 = arith.divsi %while3A_6, %while3A_8 : i32
    %while3A_10 = arith.muli %while3A_9, %while3A_8 : i32
    %while3A_11 = arith.addi %while3A_4, %while3A_10 : i32
    %while3A_12 = arith.constant 1 : i32
    scf.for %while3A_37 = %while3A_4 to %while3A_11 step %while3A_12  : i32 {
      %swap3A = arith.index_cast %while3A_37 : i32 to index
      %swap3A_38 = arith.constant 0 : index
      %swap3A_39 = tpu.vector_load %arg6[%swap3A, %swap3A_38] {strides = array<i32>} : memref<128x128xf32, #tpu.memory_space<vmem>>, vector<1x16xf32>,
      %swap3A_40 = vector.shape_cast %swap3A_39 : vector<1x16xf32> to vector<16xf32>
      %swap3A_41 = vector.shape_cast %broadcast_in_dim3A_3 : vector<16xf32> to vector<1x16xf32>
      tpu.vector_store %arg6[%swap3A, %swap3A_38], %swap3A_41 {strides = array<i32>} : memref<128x128xf32, #tpu.memory_space<vmem>>, vector<1x16xf32>,
      %swap3A_42 = arith.index_cast %while3A_37 : i32 to index
      %swap3A_43 = arith.constant 16 : index
      %swap3A_44 = tpu.vector_load %arg6[%swap3A_42, %swap3A_43] {strides = array<i32>} : memref<128x128xf32, #tpu.memory_space<vmem>>, vector<1x16xf32>,
      %swap3A_45 = vector.shape_cast %swap3A_44 : vector<1x16xf32> to vector<16xf32>
      %swap3A_46 = vector.shape_cast %broadcast_in_dim3A_3 : vector<16xf32> to vector<1x16xf32>
      tpu.vector_store %arg6[%swap3A_42, %swap3A_43], %swap3A_46 {strides = array<i32>} : memref<128x128xf32, #tpu.memory_space<vmem>>, vector<1x16xf32>,
      %swap3A_47 = arith.index_cast %while3A_37 : i32 to index
      %swap3A_48 = arith.constant 32 : index
      %swap3A_49 = tpu.vector_load %arg6[%swap3A_47, %swap3A_48] {strides = array<i32>} : memref<128x128xf32, #tpu.memory_space<vmem>>, vector<1x16xf32>,
      %swap3A_50 = vector.shape_cast %swap3A_49 : vector<1x16xf32> to vector<16xf32>
      %swap3A_51 = vector.shape_cast %broadcast_in_dim3A_3 : vector<16xf32> to vector<1x16xf32>
      tpu.vector_store %arg6[%swap3A_47, %swap3A_48], %swap3A_51 {strides = array<i32>} : memref<128x128xf32, #tpu.memory_space<vmem>>, vector<1x16xf32>,
      %swap3A_52 = arith.index_cast %while3A_37 : i32 to index
      %swap3A_53 = arith.constant 48 : index
      %swap3A_54 = tpu.vector_load %arg6[%swap3A_52, %swap3A_53] {strides = array<i32>} : memref<128x128xf32, #tpu.memory_space<vmem>>, vector<1x16xf32>,
      %swap3A_55 = vector.shape_cast %swap3A_54 : vector<1x16xf32> to vector<16xf32>
      %swap3A_56 = vector.shape_cast %broadcast_in_dim3A_3 : vector<16xf32> to vector<1x16xf32>
      tpu.vector_store %arg6[%swap3A_52, %swap3A_53], %swap3A_56 {strides = array<i32>} : memref<128x128xf32, #tpu.memory_space<vmem>>, vector<1x16xf32>,
      %swap3A_57 = arith.index_cast %while3A_37 : i32 to index
      %swap3A_58 = arith.constant 64 : index
      %swap3A_59 = tpu.vector_load %arg6[%swap3A_57, %swap3A_58] {strides = array<i32>} : memref<128x128xf32, #tpu.memory_space<vmem>>, vector<1x16xf32>,
      %swap3A_60 = vector.shape_cast %swap3A_59 : vector<1x16xf32> to vector<16xf32>
      %swap3A_61 = vector.shape_cast %broadcast_in_dim3A_3 : vector<16xf32> to vector<1x16xf32>
      tpu.vector_store %arg6[%swap3A_57, %swap3A_58], %swap3A_61 {strides = array<i32>} : memref<128x128xf32, #tpu.memory_space<vmem>>, vector<1x16xf32>,
      %swap3A_62 = arith.index_cast %while3A_37 : i32 to index
      %swap3A_63 = arith.constant 80 : index
      %swap3A_64 = tpu.vector_load %arg6[%swap3A_62, %swap3A_63] {strides = array<i32>} : memref<128x128xf32, #tpu.memory_space<vmem>>, vector<1x16xf32>,
      %swap3A_65 = vector.shape_cast %swap3A_64 : vector<1x16xf32> to vector<16xf32>
      %swap3A_66 = vector.shape_cast %broadcast_in_dim3A_3 : vector<16xf32> to vector<1x16xf32>
      tpu.vector_store %arg6[%swap3A_62, %swap3A_63], %swap3A_66 {strides = array<i32>} : memref<128x128xf32, #tpu.memory_space<vmem>>, vector<1x16xf32>,
      %swap3A_67 = arith.index_cast %while3A_37 : i32 to index
      %swap3A_68 = arith.constant 96 : index
      %swap3A_69 = tpu.vector_load %arg6[%swap3A_67, %swap3A_68] {strides = array<i32>} : memref<128x128xf32, #tpu.memory_space<vmem>>, vector<1x16xf32>,
      %swap3A_70 = vector.shape_cast %swap3A_69 : vector<1x16xf32> to vector<16xf32>
      %swap3A_71 = vector.shape_cast %broadcast_in_dim3A_3 : vector<16xf32> to vector<1x16xf32>
      tpu.vector_store %arg6[%swap3A_67, %swap3A_68], %swap3A_71 {strides = array<i32>} : memref<128x128xf32, #tpu.memory_space<vmem>>, vector<1x16xf32>,
      %swap3A_72 = arith.index_cast %while3A_37 : i32 to index
      %swap3A_73 = arith.constant 112 : index
      %swap3A_74 = tpu.vector_load %arg6[%swap3A_72, %swap3A_73] {strides = array<i32>} : memref<128x128xf32, #tpu.memory_space<vmem>>, vector<1x16xf32>,
      %swap3A_75 = vector.shape_cast %swap3A_74 : vector<1x16xf32> to vector<16xf32>
      %swap3A_76 = vector.shape_cast %broadcast_in_dim3A_3 : vector<16xf32> to vector<1x16xf32>
      tpu.vector_store %arg6[%swap3A_72, %swap3A_73], %swap3A_76 {strides = array<i32>} : memref<128x128xf32, #tpu.memory_space<vmem>>, vector<1x16xf32>,
    }
    %while3A_13 = arith.constant 1 : i32
    scf.for %while3A_37 = %while3A_11 to %while3A_7 step %while3A_13  : i32 {
      %swap3A = arith.index_cast %while3A_37 : i32 to index
      %swap3A_38 = arith.constant 0 : index
      %swap3A_39 = tpu.vector_load %arg6[%swap3A, %swap3A_38] {strides = array<i32>} : memref<128x128xf32, #tpu.memory_space<vmem>>, vector<1x16xf32>,
      %swap3A_40 = vector.shape_cast %swap3A_39 : vector<1x16xf32> to vector<16xf32>
      %swap3A_41 = vector.shape_cast %broadcast_in_dim3A_3 : vector<16xf32> to vector<1x16xf32>
      tpu.vector_store %arg6[%swap3A, %swap3A_38], %swap3A_41 {strides = array<i32>} : memref<128x128xf32, #tpu.memory_space<vmem>>, vector<1x16xf32>,
      %swap3A_42 = arith.index_cast %while3A_37 : i32 to index
      %swap3A_43 = arith.constant 16 : index
      %swap3A_44 = tpu.vector_load %arg6[%swap3A_42, %swap3A_43] {strides = array<i32>} : memref<128x128xf32, #tpu.memory_space<vmem>>, vector<1x16xf32>,
      %swap3A_45 = vector.shape_cast %swap3A_44 : vector<1x16xf32> to vector<16xf32>
      %swap3A_46 = vector.shape_cast %broadcast_in_dim3A_3 : vector<16xf32> to vector<1x16xf32>
      tpu.vector_store %arg6[%swap3A_42, %swap3A_43], %swap3A_46 {strides = array<i32>} : memref<128x128xf32, #tpu.memory_space<vmem>>, vector<1x16xf32>,
      %swap3A_47 = arith.index_cast %while3A_37 : i32 to index
      %swap3A_48 = arith.constant 32 : index
      %swap3A_49 = tpu.vector_load %arg6[%swap3A_47, %swap3A_48] {strides = array<i32>} : memref<128x128xf32, #tpu.memory_space<vmem>>, vector<1x16xf32>,
      %swap3A_50 = vector.shape_cast %swap3A_49 : vector<1x16xf32> to vector<16xf32>
      %swap3A_51 = vector.shape_cast %broadcast_in_dim3A_3 : vector<16xf32> to vector<1x16xf32>
      tpu.vector_store %arg6[%swap3A_47, %swap3A_48], %swap3A_51 {strides = array<i32>} : memref<128x128xf32, #tpu.memory_space<vmem>>, vector<1x16xf32>,
      %swap3A_52 = arith.index_cast %while3A_37 : i32 to index
      %swap3A_53 = arith.constant 48 : index
      %swap3A_54 = tpu.vector_load %arg6[%swap3A_52, %swap3A_53] {strides = array<i32>} : memref<128x128xf32, #tpu.memory_space<vmem>>, vector<1x16xf32>,
      %swap3A_55 = vector.shape_cast %swap3A_54 : vector<1x16xf32> to vector<16xf32>
      %swap3A_56 = vector.shape_cast %broadcast_in_dim3A_3 : vector<16xf32> to vector<1x16xf32>
      tpu.vector_store %arg6[%swap3A_52, %swap3A_53], %swap3A_56 {strides = array<i32>} : memref<128x128xf32, #tpu.memory_space<vmem>>, vector<1x16xf32>,
      %swap3A_57 = arith.index_cast %while3A_37 : i32 to index
      %swap3A_58 = arith.constant 64 : index
      %swap3A_59 = tpu.vector_load %arg6[%swap3A_57, %swap3A_58] {strides = array<i32>} : memref<128x128xf32, #tpu.memory_space<vmem>>, vector<1x16xf32>,
      %swap3A_60 = vector.shape_cast %swap3A_59 : vector<1x16xf32> to vector<16xf32>
      %swap3A_61 = vector.shape_cast %broadcast_in_dim3A_3 : vector<16xf32> to vector<1x16xf32>
      tpu.vector_store %arg6[%swap3A_57, %swap3A_58], %swap3A_61 {strides = array<i32>} : memref<128x128xf32, #tpu.memory_space<vmem>>, vector<1x16xf32>,
      %swap3A_62 = arith.index_cast %while3A_37 : i32 to index
      %swap3A_63 = arith.constant 80 : index
      %swap3A_64 = tpu.vector_load %arg6[%swap3A_62, %swap3A_63] {strides = array<i32>} : memref<128x128xf32, #tpu.memory_space<vmem>>, vector<1x16xf32>,
      %swap3A_65 = vector.shape_cast %swap3A_64 : vector<1x16xf32> to vector<16xf32>
      %swap3A_66 = vector.shape_cast %broadcast_in_dim3A_3 : vector<16xf32> to vector<1x16xf32>
      tpu.vector_store %arg6[%swap3A_62, %swap3A_63], %swap3A_66 {strides = array<i32>} : memref<128x128xf32, #tpu.memory_space<vmem>>, vector<1x16xf32>,
      %swap3A_67 = arith.index_cast %while3A_37 : i32 to index
      %swap3A_68 = arith.constant 96 : index
      %swap3A_69 = tpu.vector_load %arg6[%swap3A_67, %swap3A_68] {strides = array<i32>} : memref<128x128xf32, #tpu.memory_space<vmem>>, vector<1x16xf32>,
      %swap3A_70 = vector.shape_cast %swap3A_69 : vector<1x16xf32> to vector<16xf32>
      %swap3A_71 = vector.shape_cast %broadcast_in_dim3A_3 : vector<16xf32> to vector<1x16xf32>
      tpu.vector_store %arg6[%swap3A_67, %swap3A_68], %swap3A_71 {strides = array<i32>} : memref<128x128xf32, #tpu.memory_space<vmem>>, vector<1x16xf32>,
      %swap3A_72 = arith.index_cast %while3A_37 : i32 to index
      %swap3A_73 = arith.constant 112 : index
      %swap3A_74 = tpu.vector_load %arg6[%swap3A_72, %swap3A_73] {strides = array<i32>} : memref<128x128xf32, #tpu.memory_space<vmem>>, vector<1x16xf32>,
      %swap3A_75 = vector.shape_cast %swap3A_74 : vector<1x16xf32> to vector<16xf32>
      %swap3A_76 = vector.shape_cast %broadcast_in_dim3A_3 : vector<16xf32> to vector<1x16xf32>
      tpu.vector_store %arg6[%swap3A_72, %swap3A_73], %swap3A_76 {strides = array<i32>} : memref<128x128xf32, #tpu.memory_space<vmem>>, vector<1x16xf32>,
    }
    %add3A_14 = arith.constant 0 : i32
    %add3A_15 = arith.addi %mul3A_2, %add3A_14 : i32
    "tpu.region"() ({
      %run_scoped3A = tpu.sem_alloc : memref<!tpu.dma_semaphore, #tpu.memory_space<semaphore_mem>>
      %dma_start3A = arith.constant 0 : i32
      %dma_start3A_37 = tpu.memref_slice %arg8[%add3A_15, %dma_start3A] : memref<10240x128xf32, #tpu.memory_space<vmem_shared>> -> memref<128x128xf32, #tpu.memory_space<vmem_shared>>
      %dma_start3A_38 = arith.constant 0 : i32
      %dma_start3A_39 = tpu.memref_slice %arg8[%add3A_15, %dma_start3A_38] : memref<10240x128xf32, #tpu.memory_space<vmem_shared>> -> memref<128x128xf32, #tpu.memory_space<vmem_shared>>
      tpu.enqueue_dma source(%arg6 : memref<128x128xf32, #tpu.memory_space<vmem>>) target(%dma_start3A_39 : memref<128x128xf32, #tpu.memory_space<vmem_shared>>) target_semaphore(%run_scoped3A : memref<!tpu.dma_semaphore, #tpu.memory_space<semaphore_mem>>)
      %dma_wait3A = arith.constant 0 : i32
      %dma_wait3A_40 = tpu.memref_slice %arg8[%add3A_15, %dma_wait3A] : memref<10240x128xf32, #tpu.memory_space<vmem_shared>> -> memref<128x128xf32, #tpu.memory_space<vmem_shared>>
      %dma_wait3A_41 = arith.constant 0 : i32
      %dma_wait3A_42 = tpu.memref_slice %arg8[%add3A_15, %dma_wait3A_41] : memref<10240x128xf32, #tpu.memory_space<vmem_shared>> -> memref<128x128xf32, #tpu.memory_space<vmem_shared>>
      tpu.wait_dma2 semaphore(%run_scoped3A : memref<!tpu.dma_semaphore, #tpu.memory_space<semaphore_mem>>) src(%arg6 : memref<128x128xf32, #tpu.memory_space<vmem>>) dst(%dma_wait3A_42 : memref<128x128xf32, #tpu.memory_space<vmem_shared>>)
      tpu.yield
    }) : () -> ()
    %add3A_16 = arith.constant 128 : i32
    %add3A_17 = arith.addi %mul3A_2, %add3A_16 : i32
    "tpu.region"() ({
      %run_scoped3A = tpu.sem_alloc : memref<!tpu.dma_semaphore, #tpu.memory_space<semaphore_mem>>
      %dma_start3A = arith.constant 0 : i32
      %dma_start3A_37 = tpu.memref_slice %arg8[%add3A_17, %dma_start3A] : memref<10240x128xf32, #tpu.memory_space<vmem_shared>> -> memref<128x128xf32, #tpu.memory_space<vmem_shared>>
      %dma_start3A_38 = arith.constant 0 : i32
      %dma_start3A_39 = tpu.memref_slice %arg8[%add3A_17, %dma_start3A_38] : memref<10240x128xf32, #tpu.memory_space<vmem_shared>> -> memref<128x128xf32, #tpu.memory_space<vmem_shared>>
      tpu.enqueue_dma source(%arg6 : memref<128x128xf32, #tpu.memory_space<vmem>>) target(%dma_start3A_39 : memref<128x128xf32, #tpu.memory_space<vmem_shared>>) target_semaphore(%run_scoped3A : memref<!tpu.dma_semaphore, #tpu.memory_space<semaphore_mem>>)
      %dma_wait3A = arith.constant 0 : i32
      %dma_wait3A_40 = tpu.memref_slice %arg8[%add3A_17, %dma_wait3A] : memref<10240x128xf32, #tpu.memory_space<vmem_shared>> -> memref<128x128xf32, #tpu.memory_space<vmem_shared>>
      %dma_wait3A_41 = arith.constant 0 : i32
      %dma_wait3A_42 = tpu.memref_slice %arg8[%add3A_17, %dma_wait3A_41] : memref<10240x128xf32, #tpu.memory_space<vmem_shared>> -> memref<128x128xf32, #tpu.memory_space<vmem_shared>>
      tpu.wait_dma2 semaphore(%run_scoped3A : memref<!tpu.dma_semaphore, #tpu.memory_space<semaphore_mem>>) src(%arg6 : memref<128x128xf32, #tpu.memory_space<vmem>>) dst(%dma_wait3A_42 : memref<128x128xf32, #tpu.memory_space<vmem_shared>>)
      tpu.yield
    }) : () -> ()
    %add3A_18 = arith.constant 256 : i32
    %add3A_19 = arith.addi %mul3A_2, %add3A_18 : i32
    "tpu.region"() ({
      %run_scoped3A = tpu.sem_alloc : memref<!tpu.dma_semaphore, #tpu.memory_space<semaphore_mem>>
      %dma_start3A = arith.constant 0 : i32
      %dma_start3A_37 = tpu.memref_slice %arg8[%add3A_19, %dma_start3A] : memref<10240x128xf32, #tpu.memory_space<vmem_shared>> -> memref<128x128xf32, #tpu.memory_space<vmem_shared>>
      %dma_start3A_38 = arith.constant 0 : i32
      %dma_start3A_39 = tpu.memref_slice %arg8[%add3A_19, %dma_start3A_38] : memref<10240x128xf32, #tpu.memory_space<vmem_shared>> -> memref<128x128xf32, #tpu.memory_space<vmem_shared>>
      tpu.enqueue_dma source(%arg6 : memref<128x128xf32, #tpu.memory_space<vmem>>) target(%dma_start3A_39 : memref<128x128xf32, #tpu.memory_space<vmem_shared>>) target_semaphore(%run_scoped3A : memref<!tpu.dma_semaphore, #tpu.memory_space<semaphore_mem>>)
      %dma_wait3A = arith.constant 0 : i32
      %dma_wait3A_40 = tpu.memref_slice %arg8[%add3A_19, %dma_wait3A] : memref<10240x128xf32, #tpu.memory_space<vmem_shared>> -> memref<128x128xf32, #tpu.memory_space<vmem_shared>>
      %dma_wait3A_41 = arith.constant 0 : i32
      %dma_wait3A_42 = tpu.memref_slice %arg8[%add3A_19, %dma_wait3A_41] : memref<10240x128xf32, #tpu.memory_space<vmem_shared>> -> memref<128x128xf32, #tpu.memory_space<vmem_shared>>
      tpu.wait_dma2 semaphore(%run_scoped3A : memref<!tpu.dma_semaphore, #tpu.memory_space<semaphore_mem>>) src(%arg6 : memref<128x128xf32, #tpu.memory_space<vmem>>) dst(%dma_wait3A_42 : memref<128x128xf32, #tpu.memory_space<vmem_shared>>)
      tpu.yield
    }) : () -> ()
    %add3A_20 = arith.constant 384 : i32
    %add3A_21 = arith.addi %mul3A_2, %add3A_20 : i32
    "tpu.region"() ({
      %run_scoped3A = tpu.sem_alloc : memref<!tpu.dma_semaphore, #tpu.memory_space<semaphore_mem>>
      %dma_start3A = arith.constant 0 : i32
      %dma_start3A_37 = tpu.memref_slice %arg8[%add3A_21, %dma_start3A] : memref<10240x128xf32, #tpu.memory_space<vmem_shared>> -> memref<128x128xf32, #tpu.memory_space<vmem_shared>>
      %dma_start3A_38 = arith.constant 0 : i32
      %dma_start3A_39 = tpu.memref_slice %arg8[%add3A_21, %dma_start3A_38] : memref<10240x128xf32, #tpu.memory_space<vmem_shared>> -> memref<128x128xf32, #tpu.memory_space<vmem_shared>>
      tpu.enqueue_dma source(%arg6 : memref<128x128xf32, #tpu.memory_space<vmem>>) target(%dma_start3A_39 : memref<128x128xf32, #tpu.memory_space<vmem_shared>>) target_semaphore(%run_scoped3A : memref<!tpu.dma_semaphore, #tpu.memory_space<semaphore_mem>>)
      %dma_wait3A = arith.constant 0 : i32
      %dma_wait3A_40 = tpu.memref_slice %arg8[%add3A_21, %dma_wait3A] : memref<10240x128xf32, #tpu.memory_space<vmem_shared>> -> memref<128x128xf32, #tpu.memory_space<vmem_shared>>
      %dma_wait3A_41 = arith.constant 0 : i32
      %dma_wait3A_42 = tpu.memref_slice %arg8[%add3A_21, %dma_wait3A_41] : memref<10240x128xf32, #tpu.memory_space<vmem_shared>> -> memref<128x128xf32, #tpu.memory_space<vmem_shared>>
      tpu.wait_dma2 semaphore(%run_scoped3A : memref<!tpu.dma_semaphore, #tpu.memory_space<semaphore_mem>>) src(%arg6 : memref<128x128xf32, #tpu.memory_space<vmem>>) dst(%dma_wait3A_42 : memref<128x128xf32, #tpu.memory_space<vmem_shared>>)
      tpu.yield
    }) : () -> ()
    %add3A_22 = arith.constant 512 : i32
    %add3A_23 = arith.addi %mul3A_2, %add3A_22 : i32
    "tpu.region"() ({
      %run_scoped3A = tpu.sem_alloc : memref<!tpu.dma_semaphore, #tpu.memory_space<semaphore_mem>>
      %dma_start3A = arith.constant 0 : i32
      %dma_start3A_37 = tpu.memref_slice %arg8[%add3A_23, %dma_start3A] : memref<10240x128xf32, #tpu.memory_space<vmem_shared>> -> memref<128x128xf32, #tpu.memory_space<vmem_shared>>
      %dma_start3A_38 = arith.constant 0 : i32
      %dma_start3A_39 = tpu.memref_slice %arg8[%add3A_23, %dma_start3A_38] : memref<10240x128xf32, #tpu.memory_space<vmem_shared>> -> memref<128x128xf32, #tpu.memory_space<vmem_shared>>
      tpu.enqueue_dma source(%arg6 : memref<128x128xf32, #tpu.memory_space<vmem>>) target(%dma_start3A_39 : memref<128x128xf32, #tpu.memory_space<vmem_shared>>) target_semaphore(%run_scoped3A : memref<!tpu.dma_semaphore, #tpu.memory_space<semaphore_mem>>)
      %dma_wait3A = arith.constant 0 : i32
      %dma_wait3A_40 = tpu.memref_slice %arg8[%add3A_23, %dma_wait3A] : memref<10240x128xf32, #tpu.memory_space<vmem_shared>> -> memref<128x128xf32, #tpu.memory_space<vmem_shared>>
      %dma_wait3A_41 = arith.constant 0 : i32
      %dma_wait3A_42 = tpu.memref_slice %arg8[%add3A_23, %dma_wait3A_41] : memref<10240x128xf32, #tpu.memory_space<vmem_shared>> -> memref<128x128xf32, #tpu.memory_space<vmem_shared>>
      tpu.wait_dma2 semaphore(%run_scoped3A : memref<!tpu.dma_semaphore, #tpu.memory_space<semaphore_mem>>) src(%arg6 : memref<128x128xf32, #tpu.memory_space<vmem>>) dst(%dma_wait3A_42 : memref<128x128xf32, #tpu.memory_space<vmem_shared>>)
      tpu.yield
    }) : () -> ()
    %barrier3A = arith.constant 0 : index
    tpu.barrier barrier_id(%barrier3A)
    %eq3A = arith.constant 0 : i32
    %eq3A_24 = arith.cmpi eq, %arg0, %eq3A : i32
    %jit3A = arith.constant 37 : i32
    %jit3A_25 = arith.constant 3 : i32
    %select_n3A = arith.select %eq3A_24, %jit3A, %jit3A_25 : i32
    %while3A_26 = arith.constant 0 : i32
    %while3A_27 = arith.constant 0 : i32
    %while3A_28 = arith.subi %select_n3A, %while3A_27 : i32
    %while3A_29 = arith.addi %while3A_27, %while3A_28 : i32
    %while3A_30 = arith.constant 1 : i32
    %while3A_31 = arith.divsi %while3A_28, %while3A_30 : i32
    %while3A_32 = arith.muli %while3A_31, %while3A_30 : i32
    %while3A_33 = arith.addi %while3A_27, %while3A_32 : i32
    %while3A_34 = arith.constant 1 : i32
    scf.for %while3A_37 = %while3A_27 to %while3A_33 step %while3A_34  : i32 {
      "tpu.region"() ({
        %run_scoped3A = tpu.sem_alloc : memref<!tpu.dma_semaphore, #tpu.memory_space<semaphore_mem>>
        %dma_start3A_164 = arith.constant 0 : i32
        %dma_start3A_165 = arith.constant 0 : i32
        %dma_start3A_166 = arith.constant 0 : i32
        %dma_start3A_167 = tpu.memref_slice %arg3[%add3A, %while3A_37, %dma_start3A_164, %dma_start3A_165, %dma_start3A_166] : memref<32x37x2x4x128xi32, #tpu.memory_space<hbm>> -> memref<1x1x2x4x128xi32, #tpu.memory_space<hbm>>
        %dma_start3A_168 = tpu.memref_squeeze %dma_start3A_167 : memref<1x1x2x4x128xi32, #tpu.memory_space<hbm>> -> memref<2x4x128xi32, #tpu.memory_space<hbm>>
        %dma_start3A_169 = arith.constant 0 : i32
        %dma_start3A_170 = arith.constant 0 : i32
        %dma_start3A_171 = arith.constant 0 : i32
        %dma_start3A_172 = tpu.memref_slice %arg3[%add3A, %while3A_37, %dma_start3A_169, %dma_start3A_170, %dma_start3A_171] : memref<32x37x2x4x128xi32, #tpu.memory_space<hbm>> -> memref<1x1x2x4x128xi32, #tpu.memory_space<hbm>>
        %dma_start3A_173 = tpu.memref_squeeze %dma_start3A_172 : memref<1x1x2x4x128xi32, #tpu.memory_space<hbm>> -> memref<2x4x128xi32, #tpu.memory_space<hbm>>
        tpu.enqueue_dma source(%dma_start3A_173 : memref<2x4x128xi32, #tpu.memory_space<hbm>>) target(%arg5 : memref<2x4x128xi32, #tpu.memory_space<vmem>>) target_semaphore(%run_scoped3A : memref<!tpu.dma_semaphore, #tpu.memory_space<semaphore_mem>>)
        %dma_wait3A_174 = arith.constant 0 : i32
        %dma_wait3A_175 = arith.constant 0 : i32
        %dma_wait3A_176 = arith.constant 0 : i32
        %dma_wait3A_177 = tpu.memref_slice %arg3[%add3A, %while3A_37, %dma_wait3A_174, %dma_wait3A_175, %dma_wait3A_176] : memref<32x37x2x4x128xi32, #tpu.memory_space<hbm>> -> memref<1x1x2x4x128xi32, #tpu.memory_space<hbm>>
        %dma_wait3A_178 = tpu.memref_squeeze %dma_wait3A_177 : memref<1x1x2x4x128xi32, #tpu.memory_space<hbm>> -> memref<2x4x128xi32, #tpu.memory_space<hbm>>
        %dma_wait3A_179 = arith.constant 0 : i32
        %dma_wait3A_180 = arith.constant 0 : i32
        %dma_wait3A_181 = arith.constant 0 : i32
        %dma_wait3A_182 = tpu.memref_slice %arg3[%add3A, %while3A_37, %dma_wait3A_179, %dma_wait3A_180, %dma_wait3A_181] : memref<32x37x2x4x128xi32, #tpu.memory_space<hbm>> -> memref<1x1x2x4x128xi32, #tpu.memory_space<hbm>>
        %dma_wait3A_183 = tpu.memref_squeeze %dma_wait3A_182 : memref<1x1x2x4x128xi32, #tpu.memory_space<hbm>> -> memref<2x4x128xi32, #tpu.memory_space<hbm>>
        tpu.wait_dma2 semaphore(%run_scoped3A : memref<!tpu.dma_semaphore, #tpu.memory_space<semaphore_mem>>) src(%dma_wait3A_183 : memref<2x4x128xi32, #tpu.memory_space<hbm>>) dst(%arg5 : memref<2x4x128xi32, #tpu.memory_space<vmem>>)
        tpu.yield
      }) : () -> ()
      %dma_start3A = arith.constant 0 : i32
      %dma_start3A_38 = arith.constant 0 : i32
      %dma_start3A_39 = arith.constant 0 : i32
      %dma_start3A_40 = tpu.memref_slice %arg5[%dma_start3A, %dma_start3A_38, %dma_start3A_39] : memref<2x4x128xi32, #tpu.memory_space<vmem>> -> memref<1x1x128xi32, #tpu.memory_space<vmem>>
      %dma_start3A_41 = tpu.memref_squeeze %dma_start3A_40 : memref<1x1x128xi32, #tpu.memory_space<vmem>> -> memref<128xi32, #tpu.memory_space<vmem>>
      %dma_start3A_42 = arith.constant 0 : i32
      %dma_start3A_43 = arith.constant 0 : i32
      %dma_start3A_44 = tpu.memref_slice %arg2[%dma_start3A_42, %dma_start3A_43] : memref<10240x128xf32, #tpu.memory_space<hbm>> -> memref<10240x128xf32, #tpu.memory_space<hbm>>
      tpu.enqueue_indirect_dma source(%dma_start3A_44 : memref<10240x128xf32, #tpu.memory_space<hbm>>) target(%arg6 : memref<128x128xf32, #tpu.memory_space<vmem>>) offsets(%dma_start3A_41 : memref<128xi32, #tpu.memory_space<vmem>>) semaphore(%arg9 : memref<!tpu.dma_semaphore, #tpu.memory_space<semaphore_mem>>)
      %dma_start3A_45 = arith.constant 0 : i32
      %dma_start3A_46 = arith.constant 1 : i32
      %dma_start3A_47 = arith.constant 0 : i32
      %dma_start3A_48 = tpu.memref_slice %arg5[%dma_start3A_45, %dma_start3A_46, %dma_start3A_47] : memref<2x4x128xi32, #tpu.memory_space<vmem>> -> memref<1x1x128xi32, #tpu.memory_space<vmem>>
      %dma_start3A_49 = tpu.memref_squeeze %dma_start3A_48 : memref<1x1x128xi32, #tpu.memory_space<vmem>> -> memref<128xi32, #tpu.memory_space<vmem>>
      %dma_start3A_50 = arith.constant 0 : i32
      %dma_start3A_51 = arith.constant 0 : i32
      %dma_start3A_52 = tpu.memref_slice %arg2[%dma_start3A_50, %dma_start3A_51] : memref<10240x128xf32, #tpu.memory_space<hbm>> -> memref<10240x128xf32, #tpu.memory_space<hbm>>
      tpu.enqueue_indirect_dma source(%dma_start3A_52 : memref<10240x128xf32, #tpu.memory_space<hbm>>) target(%arg7 : memref<128x128xf32, #tpu.memory_space<vmem>>) offsets(%dma_start3A_49 : memref<128xi32, #tpu.memory_space<vmem>>) semaphore(%arg10 : memref<!tpu.dma_semaphore, #tpu.memory_space<semaphore_mem>>)
      %dma_wait3A = arith.constant 0 : i32
      %dma_wait3A_53 = arith.constant 0 : i32
      %dma_wait3A_54 = arith.constant 0 : i32
      %dma_wait3A_55 = tpu.memref_slice %arg5[%dma_wait3A, %dma_wait3A_53, %dma_wait3A_54] : memref<2x4x128xi32, #tpu.memory_space<vmem>> -> memref<1x1x128xi32, #tpu.memory_space<vmem>>
      %dma_wait3A_56 = tpu.memref_squeeze %dma_wait3A_55 : memref<1x1x128xi32, #tpu.memory_space<vmem>> -> memref<128xi32, #tpu.memory_space<vmem>>
      %dma_wait3A_57 = arith.constant 0 : i32
      %dma_wait3A_58 = arith.constant 0 : i32
      %dma_wait3A_59 = tpu.memref_slice %arg2[%dma_wait3A_57, %dma_wait3A_58] : memref<10240x128xf32, #tpu.memory_space<hbm>> -> memref<10240x128xf32, #tpu.memory_space<hbm>>
      tpu.wait_indirect_dma semaphore(%arg9 : memref<!tpu.dma_semaphore, #tpu.memory_space<semaphore_mem>>) src(%dma_wait3A_59 : memref<10240x128xf32, #tpu.memory_space<hbm>>) dst(%arg6 : memref<128x128xf32, #tpu.memory_space<vmem>>)
      %dma_start3A_60 = arith.constant 1 : i32
      %dma_start3A_61 = arith.constant 0 : i32
      %dma_start3A_62 = arith.constant 0 : i32
      %dma_start3A_63 = tpu.memref_slice %arg5[%dma_start3A_60, %dma_start3A_61, %dma_start3A_62] : memref<2x4x128xi32, #tpu.memory_space<vmem>> -> memref<1x1x128xi32, #tpu.memory_space<vmem>>
      %dma_start3A_64 = tpu.memref_squeeze %dma_start3A_63 : memref<1x1x128xi32, #tpu.memory_space<vmem>> -> memref<128xi32, #tpu.memory_space<vmem>>
      %dma_start3A_65 = arith.constant 0 : i32
      %dma_start3A_66 = arith.constant 0 : i32
      %dma_start3A_67 = tpu.memref_slice %arg8[%dma_start3A_65, %dma_start3A_66] : memref<10240x128xf32, #tpu.memory_space<vmem_shared>> -> memref<10240x128xf32, #tpu.memory_space<vmem_shared>>
      tpu.enqueue_indirect_dma source(%arg6 : memref<128x128xf32, #tpu.memory_space<vmem>>) target(%dma_start3A_67 : memref<10240x128xf32, #tpu.memory_space<vmem_shared>>) offsets(%dma_start3A_64 : memref<128xi32, #tpu.memory_space<vmem>>) semaphore(%arg11 : memref<!tpu.dma_semaphore, #tpu.memory_space<semaphore_mem>>) {add = true}
      %dma_wait3A_68 = arith.constant 0 : i32
      %dma_wait3A_69 = arith.constant 1 : i32
      %dma_wait3A_70 = arith.constant 0 : i32
      %dma_wait3A_71 = tpu.memref_slice %arg5[%dma_wait3A_68, %dma_wait3A_69, %dma_wait3A_70] : memref<2x4x128xi32, #tpu.memory_space<vmem>> -> memref<1x1x128xi32, #tpu.memory_space<vmem>>
      %dma_wait3A_72 = tpu.memref_squeeze %dma_wait3A_71 : memref<1x1x128xi32, #tpu.memory_space<vmem>> -> memref<128xi32, #tpu.memory_space<vmem>>
      %dma_wait3A_73 = arith.constant 0 : i32
      %dma_wait3A_74 = arith.constant 0 : i32
      %dma_wait3A_75 = tpu.memref_slice %arg2[%dma_wait3A_73, %dma_wait3A_74] : memref<10240x128xf32, #tpu.memory_space<hbm>> -> memref<10240x128xf32, #tpu.memory_space<hbm>>
      tpu.wait_indirect_dma semaphore(%arg10 : memref<!tpu.dma_semaphore, #tpu.memory_space<semaphore_mem>>) src(%dma_wait3A_75 : memref<10240x128xf32, #tpu.memory_space<hbm>>) dst(%arg7 : memref<128x128xf32, #tpu.memory_space<vmem>>)
      %dma_start3A_76 = arith.constant 1 : i32
      %dma_start3A_77 = arith.constant 1 : i32
      %dma_start3A_78 = arith.constant 0 : i32
      %dma_start3A_79 = tpu.memref_slice %arg5[%dma_start3A_76, %dma_start3A_77, %dma_start3A_78] : memref<2x4x128xi32, #tpu.memory_space<vmem>> -> memref<1x1x128xi32, #tpu.memory_space<vmem>>
      %dma_start3A_80 = tpu.memref_squeeze %dma_start3A_79 : memref<1x1x128xi32, #tpu.memory_space<vmem>> -> memref<128xi32, #tpu.memory_space<vmem>>
      %dma_start3A_81 = arith.constant 0 : i32
      %dma_start3A_82 = arith.constant 0 : i32
      %dma_start3A_83 = tpu.memref_slice %arg8[%dma_start3A_81, %dma_start3A_82] : memref<10240x128xf32, #tpu.memory_space<vmem_shared>> -> memref<10240x128xf32, #tpu.memory_space<vmem_shared>>
      tpu.enqueue_indirect_dma source(%arg7 : memref<128x128xf32, #tpu.memory_space<vmem>>) target(%dma_start3A_83 : memref<10240x128xf32, #tpu.memory_space<vmem_shared>>) offsets(%dma_start3A_80 : memref<128xi32, #tpu.memory_space<vmem>>) semaphore(%arg12 : memref<!tpu.dma_semaphore, #tpu.memory_space<semaphore_mem>>) {add = true}
      %dma_wait3A_84 = arith.constant 1 : i32
      %dma_wait3A_85 = arith.constant 0 : i32
      %dma_wait3A_86 = arith.constant 0 : i32
      %dma_wait3A_87 = tpu.memref_slice %arg5[%dma_wait3A_84, %dma_wait3A_85, %dma_wait3A_86] : memref<2x4x128xi32, #tpu.memory_space<vmem>> -> memref<1x1x128xi32, #tpu.memory_space<vmem>>
      %dma_wait3A_88 = tpu.memref_squeeze %dma_wait3A_87 : memref<1x1x128xi32, #tpu.memory_space<vmem>> -> memref<128xi32, #tpu.memory_space<vmem>>
      %dma_wait3A_89 = arith.constant 0 : i32
      %dma_wait3A_90 = arith.constant 0 : i32
      %dma_wait3A_91 = tpu.memref_slice %arg8[%dma_wait3A_89, %dma_wait3A_90] : memref<10240x128xf32, #tpu.memory_space<vmem_shared>> -> memref<10240x128xf32, #tpu.memory_space<vmem_shared>>
      tpu.wait_indirect_dma semaphore(%arg11 : memref<!tpu.dma_semaphore, #tpu.memory_space<semaphore_mem>>) src(%arg6 : memref<128x128xf32, #tpu.memory_space<vmem>>) dst(%dma_wait3A_91 : memref<10240x128xf32, #tpu.memory_space<vmem_shared>>)
      %dma_wait3A_92 = arith.constant 1 : i32
      %dma_wait3A_93 = arith.constant 1 : i32
      %dma_wait3A_94 = arith.constant 0 : i32
      %dma_wait3A_95 = tpu.memref_slice %arg5[%dma_wait3A_92, %dma_wait3A_93, %dma_wait3A_94] : memref<2x4x128xi32, #tpu.memory_space<vmem>> -> memref<1x1x128xi32, #tpu.memory_space<vmem>>
      %dma_wait3A_96 = tpu.memref_squeeze %dma_wait3A_95 : memref<1x1x128xi32, #tpu.memory_space<vmem>> -> memref<128xi32, #tpu.memory_space<vmem>>
      %dma_wait3A_97 = arith.constant 0 : i32
      %dma_wait3A_98 = arith.constant 0 : i32
      %dma_wait3A_99 = tpu.memref_slice %arg8[%dma_wait3A_97, %dma_wait3A_98] : memref<10240x128xf32, #tpu.memory_space<vmem_shared>> -> memref<10240x128xf32, #tpu.memory_space<vmem_shared>>
      tpu.wait_indirect_dma semaphore(%arg12 : memref<!tpu.dma_semaphore, #tpu.memory_space<semaphore_mem>>) src(%arg7 : memref<128x128xf32, #tpu.memory_space<vmem>>) dst(%dma_wait3A_99 : memref<10240x128xf32, #tpu.memory_space<vmem_shared>>)
      %dma_start3A_100 = arith.constant 0 : i32
      %dma_start3A_101 = arith.constant 2 : i32
      %dma_start3A_102 = arith.constant 0 : i32
      %dma_start3A_103 = tpu.memref_slice %arg5[%dma_start3A_100, %dma_start3A_101, %dma_start3A_102] : memref<2x4x128xi32, #tpu.memory_space<vmem>> -> memref<1x1x128xi32, #tpu.memory_space<vmem>>
      %dma_start3A_104 = tpu.memref_squeeze %dma_start3A_103 : memref<1x1x128xi32, #tpu.memory_space<vmem>> -> memref<128xi32, #tpu.memory_space<vmem>>
      %dma_start3A_105 = arith.constant 0 : i32
      %dma_start3A_106 = arith.constant 0 : i32
      %dma_start3A_107 = tpu.memref_slice %arg2[%dma_start3A_105, %dma_start3A_106] : memref<10240x128xf32, #tpu.memory_space<hbm>> -> memref<10240x128xf32, #tpu.memory_space<hbm>>
      tpu.enqueue_indirect_dma source(%dma_start3A_107 : memref<10240x128xf32, #tpu.memory_space<hbm>>) target(%arg6 : memref<128x128xf32, #tpu.memory_space<vmem>>) offsets(%dma_start3A_104 : memref<128xi32, #tpu.memory_space<vmem>>) semaphore(%arg9 : memref<!tpu.dma_semaphore, #tpu.memory_space<semaphore_mem>>)
      %dma_start3A_108 = arith.constant 0 : i32
      %dma_start3A_109 = arith.constant 3 : i32
      %dma_start3A_110 = arith.constant 0 : i32
      %dma_start3A_111 = tpu.memref_slice %arg5[%dma_start3A_108, %dma_start3A_109, %dma_start3A_110] : memref<2x4x128xi32, #tpu.memory_space<vmem>> -> memref<1x1x128xi32, #tpu.memory_space<vmem>>
      %dma_start3A_112 = tpu.memref_squeeze %dma_start3A_111 : memref<1x1x128xi32, #tpu.memory_space<vmem>> -> memref<128xi32, #tpu.memory_space<vmem>>
      %dma_start3A_113 = arith.constant 0 : i32
      %dma_start3A_114 = arith.constant 0 : i32
      %dma_start3A_115 = tpu.memref_slice %arg2[%dma_start3A_113, %dma_start3A_114] : memref<10240x128xf32, #tpu.memory_space<hbm>> -> memref<10240x128xf32, #tpu.memory_space<hbm>>
      tpu.enqueue_indirect_dma source(%dma_start3A_115 : memref<10240x128xf32, #tpu.memory_space<hbm>>) target(%arg7 : memref<128x128xf32, #tpu.memory_space<vmem>>) offsets(%dma_start3A_112 : memref<128xi32, #tpu.memory_space<vmem>>) semaphore(%arg10 : memref<!tpu.dma_semaphore, #tpu.memory_space<semaphore_mem>>)
      %dma_wait3A_116 = arith.constant 0 : i32
      %dma_wait3A_117 = arith.constant 2 : i32
      %dma_wait3A_118 = arith.constant 0 : i32
      %dma_wait3A_119 = tpu.memref_slice %arg5[%dma_wait3A_116, %dma_wait3A_117, %dma_wait3A_118] : memref<2x4x128xi32, #tpu.memory_space<vmem>> -> memref<1x1x128xi32, #tpu.memory_space<vmem>>
      %dma_wait3A_120 = tpu.memref_squeeze %dma_wait3A_119 : memref<1x1x128xi32, #tpu.memory_space<vmem>> -> memref<128xi32, #tpu.memory_space<vmem>>
      %dma_wait3A_121 = arith.constant 0 : i32
      %dma_wait3A_122 = arith.constant 0 : i32
      %dma_wait3A_123 = tpu.memref_slice %arg2[%dma_wait3A_121, %dma_wait3A_122] : memref<10240x128xf32, #tpu.memory_space<hbm>> -> memref<10240x128xf32, #tpu.memory_space<hbm>>
      tpu.wait_indirect_dma semaphore(%arg9 : memref<!tpu.dma_semaphore, #tpu.memory_space<semaphore_mem>>) src(%dma_wait3A_123 : memref<10240x128xf32, #tpu.memory_space<hbm>>) dst(%arg6 : memref<128x128xf32, #tpu.memory_space<vmem>>)
      %dma_start3A_124 = arith.constant 1 : i32
      %dma_start3A_125 = arith.constant 2 : i32
      %dma_start3A_126 = arith.constant 0 : i32
      %dma_start3A_127 = tpu.memref_slice %arg5[%dma_start3A_124, %dma_start3A_125, %dma_start3A_126] : memref<2x4x128xi32, #tpu.memory_space<vmem>> -> memref<1x1x128xi32, #tpu.memory_space<vmem>>
      %dma_start3A_128 = tpu.memref_squeeze %dma_start3A_127 : memref<1x1x128xi32, #tpu.memory_space<vmem>> -> memref<128xi32, #tpu.memory_space<vmem>>
      %dma_start3A_129 = arith.constant 0 : i32
      %dma_start3A_130 = arith.constant 0 : i32
      %dma_start3A_131 = tpu.memref_slice %arg8[%dma_start3A_129, %dma_start3A_130] : memref<10240x128xf32, #tpu.memory_space<vmem_shared>> -> memref<10240x128xf32, #tpu.memory_space<vmem_shared>>
      tpu.enqueue_indirect_dma source(%arg6 : memref<128x128xf32, #tpu.memory_space<vmem>>) target(%dma_start3A_131 : memref<10240x128xf32, #tpu.memory_space<vmem_shared>>) offsets(%dma_start3A_128 : memref<128xi32, #tpu.memory_space<vmem>>) semaphore(%arg11 : memref<!tpu.dma_semaphore, #tpu.memory_space<semaphore_mem>>) {add = true}
      %dma_wait3A_132 = arith.constant 0 : i32
      %dma_wait3A_133 = arith.constant 3 : i32
      %dma_wait3A_134 = arith.constant 0 : i32
      %dma_wait3A_135 = tpu.memref_slice %arg5[%dma_wait3A_132, %dma_wait3A_133, %dma_wait3A_134] : memref<2x4x128xi32, #tpu.memory_space<vmem>> -> memref<1x1x128xi32, #tpu.memory_space<vmem>>
      %dma_wait3A_136 = tpu.memref_squeeze %dma_wait3A_135 : memref<1x1x128xi32, #tpu.memory_space<vmem>> -> memref<128xi32, #tpu.memory_space<vmem>>
      %dma_wait3A_137 = arith.constant 0 : i32
      %dma_wait3A_138 = arith.constant 0 : i32
      %dma_wait3A_139 = tpu.memref_slice %arg2[%dma_wait3A_137, %dma_wait3A_138] : memref<10240x128xf32, #tpu.memory_space<hbm>> -> memref<10240x128xf32, #tpu.memory_space<hbm>>
      tpu.wait_indirect_dma semaphore(%arg10 : memref<!tpu.dma_semaphore, #tpu.memory_space<semaphore_mem>>) src(%dma_wait3A_139 : memref<10240x128xf32, #tpu.memory_space<hbm>>) dst(%arg7 : memref<128x128xf32, #tpu.memory_space<vmem>>)
      %dma_start3A_140 = arith.constant 1 : i32
      %dma_start3A_141 = arith.constant 3 : i32
      %dma_start3A_142 = arith.constant 0 : i32
      %dma_start3A_143 = tpu.memref_slice %arg5[%dma_start3A_140, %dma_start3A_141, %dma_start3A_142] : memref<2x4x128xi32, #tpu.memory_space<vmem>> -> memref<1x1x128xi32, #tpu.memory_space<vmem>>
      %dma_start3A_144 = tpu.memref_squeeze %dma_start3A_143 : memref<1x1x128xi32, #tpu.memory_space<vmem>> -> memref<128xi32, #tpu.memory_space<vmem>>
      %dma_start3A_145 = arith.constant 0 : i32
      %dma_start3A_146 = arith.constant 0 : i32
      %dma_start3A_147 = tpu.memref_slice %arg8[%dma_start3A_145, %dma_start3A_146] : memref<10240x128xf32, #tpu.memory_space<vmem_shared>> -> memref<10240x128xf32, #tpu.memory_space<vmem_shared>>
      tpu.enqueue_indirect_dma source(%arg7 : memref<128x128xf32, #tpu.memory_space<vmem>>) target(%dma_start3A_147 : memref<10240x128xf32, #tpu.memory_space<vmem_shared>>) offsets(%dma_start3A_144 : memref<128xi32, #tpu.memory_space<vmem>>) semaphore(%arg12 : memref<!tpu.dma_semaphore, #tpu.memory_space<semaphore_mem>>) {add = true}
      %dma_wait3A_148 = arith.constant 1 : i32
      %dma_wait3A_149 = arith.constant 2 : i32
      %dma_wait3A_150 = arith.constant 0 : i32
      %dma_wait3A_151 = tpu.memref_slice %arg5[%dma_wait3A_148, %dma_wait3A_149, %dma_wait3A_150] : memref<2x4x128xi32, #tpu.memory_space<vmem>> -> memref<1x1x128xi32, #tpu.memory_space<vmem>>
      %dma_wait3A_152 = tpu.memref_squeeze %dma_wait3A_151 : memref<1x1x128xi32, #tpu.memory_space<vmem>> -> memref<128xi32, #tpu.memory_space<vmem>>
      %dma_wait3A_153 = arith.constant 0 : i32
      %dma_wait3A_154 = arith.constant 0 : i32
      %dma_wait3A_155 = tpu.memref_slice %arg8[%dma_wait3A_153, %dma_wait3A_154] : memref<10240x128xf32, #tpu.memory_space<vmem_shared>> -> memref<10240x128xf32, #tpu.memory_space<vmem_shared>>
      tpu.wait_indirect_dma semaphore(%arg11 : memref<!tpu.dma_semaphore, #tpu.memory_space<semaphore_mem>>) src(%arg6 : memref<128x128xf32, #tpu.memory_space<vmem>>) dst(%dma_wait3A_155 : memref<10240x128xf32, #tpu.memory_space<vmem_shared>>)
      %dma_wait3A_156 = arith.constant 1 : i32
      %dma_wait3A_157 = arith.constant 3 : i32
      %dma_wait3A_158 = arith.constant 0 : i32
      %dma_wait3A_159 = tpu.memref_slice %arg5[%dma_wait3A_156, %dma_wait3A_157, %dma_wait3A_158] : memref<2x4x128xi32, #tpu.memory_space<vmem>> -> memref<1x1x128xi32, #tpu.memory_space<vmem>>
      %dma_wait3A_160 = tpu.memref_squeeze %dma_wait3A_159 : memref<1x1x128xi32, #tpu.memory_space<vmem>> -> memref<128xi32, #tpu.memory_space<vmem>>
      %dma_wait3A_161 = arith.constant 0 : i32
      %dma_wait3A_162 = arith.constant 0 : i32
      %dma_wait3A_163 = tpu.memref_slice %arg8[%dma_wait3A_161, %dma_wait3A_162] : memref<10240x128xf32, #tpu.memory_space<vmem_shared>> -> memref<10240x128xf32, #tpu.memory_space<vmem_shared>>
      tpu.wait_indirect_dma semaphore(%arg12 : memref<!tpu.dma_semaphore, #tpu.memory_space<semaphore_mem>>) src(%arg7 : memref<128x128xf32, #tpu.memory_space<vmem>>) dst(%dma_wait3A_163 : memref<10240x128xf32, #tpu.memory_space<vmem_shared>>)
    }
    %while3A_35 = arith.constant 1 : i32
    scf.for %while3A_37 = %while3A_33 to %while3A_29 step %while3A_35  : i32 {
      "tpu.region"() ({
        %run_scoped3A = tpu.sem_alloc : memref<!tpu.dma_semaphore, #tpu.memory_space<semaphore_mem>>
        %dma_start3A_164 = arith.constant 0 : i32
        %dma_start3A_165 = arith.constant 0 : i32
        %dma_start3A_166 = arith.constant 0 : i32
        %dma_start3A_167 = tpu.memref_slice %arg3[%add3A, %while3A_37, %dma_start3A_164, %dma_start3A_165, %dma_start3A_166] : memref<32x37x2x4x128xi32, #tpu.memory_space<hbm>> -> memref<1x1x2x4x128xi32, #tpu.memory_space<hbm>>
        %dma_start3A_168 = tpu.memref_squeeze %dma_start3A_167 : memref<1x1x2x4x128xi32, #tpu.memory_space<hbm>> -> memref<2x4x128xi32, #tpu.memory_space<hbm>>
        %dma_start3A_169 = arith.constant 0 : i32
        %dma_start3A_170 = arith.constant 0 : i32
        %dma_start3A_171 = arith.constant 0 : i32
        %dma_start3A_172 = tpu.memref_slice %arg3[%add3A, %while3A_37, %dma_start3A_169, %dma_start3A_170, %dma_start3A_171] : memref<32x37x2x4x128xi32, #tpu.memory_space<hbm>> -> memref<1x1x2x4x128xi32, #tpu.memory_space<hbm>>
        %dma_start3A_173 = tpu.memref_squeeze %dma_start3A_172 : memref<1x1x2x4x128xi32, #tpu.memory_space<hbm>> -> memref<2x4x128xi32, #tpu.memory_space<hbm>>
        tpu.enqueue_dma source(%dma_start3A_173 : memref<2x4x128xi32, #tpu.memory_space<hbm>>) target(%arg5 : memref<2x4x128xi32, #tpu.memory_space<vmem>>) target_semaphore(%run_scoped3A : memref<!tpu.dma_semaphore, #tpu.memory_space<semaphore_mem>>)
        %dma_wait3A_174 = arith.constant 0 : i32
        %dma_wait3A_175 = arith.constant 0 : i32
        %dma_wait3A_176 = arith.constant 0 : i32
        %dma_wait3A_177 = tpu.memref_slice %arg3[%add3A, %while3A_37, %dma_wait3A_174, %dma_wait3A_175, %dma_wait3A_176] : memref<32x37x2x4x128xi32, #tpu.memory_space<hbm>> -> memref<1x1x2x4x128xi32, #tpu.memory_space<hbm>>
        %dma_wait3A_178 = tpu.memref_squeeze %dma_wait3A_177 : memref<1x1x2x4x128xi32, #tpu.memory_space<hbm>> -> memref<2x4x128xi32, #tpu.memory_space<hbm>>
        %dma_wait3A_179 = arith.constant 0 : i32
        %dma_wait3A_180 = arith.constant 0 : i32
        %dma_wait3A_181 = arith.constant 0 : i32
        %dma_wait3A_182 = tpu.memref_slice %arg3[%add3A, %while3A_37, %dma_wait3A_179, %dma_wait3A_180, %dma_wait3A_181] : memref<32x37x2x4x128xi32, #tpu.memory_space<hbm>> -> memref<1x1x2x4x128xi32, #tpu.memory_space<hbm>>
        %dma_wait3A_183 = tpu.memref_squeeze %dma_wait3A_182 : memref<1x1x2x4x128xi32, #tpu.memory_space<hbm>> -> memref<2x4x128xi32, #tpu.memory_space<hbm>>
        tpu.wait_dma2 semaphore(%run_scoped3A : memref<!tpu.dma_semaphore, #tpu.memory_space<semaphore_mem>>) src(%dma_wait3A_183 : memref<2x4x128xi32, #tpu.memory_space<hbm>>) dst(%arg5 : memref<2x4x128xi32, #tpu.memory_space<vmem>>)
        tpu.yield
      }) : () -> ()
      %dma_start3A = arith.constant 0 : i32
      %dma_start3A_38 = arith.constant 0 : i32
      %dma_start3A_39 = arith.constant 0 : i32
      %dma_start3A_40 = tpu.memref_slice %arg5[%dma_start3A, %dma_start3A_38, %dma_start3A_39] : memref<2x4x128xi32, #tpu.memory_space<vmem>> -> memref<1x1x128xi32, #tpu.memory_space<vmem>>
      %dma_start3A_41 = tpu.memref_squeeze %dma_start3A_40 : memref<1x1x128xi32, #tpu.memory_space<vmem>> -> memref<128xi32, #tpu.memory_space<vmem>>
      %dma_start3A_42 = arith.constant 0 : i32
      %dma_start3A_43 = arith.constant 0 : i32
      %dma_start3A_44 = tpu.memref_slice %arg2[%dma_start3A_42, %dma_start3A_43] : memref<10240x128xf32, #tpu.memory_space<hbm>> -> memref<10240x128xf32, #tpu.memory_space<hbm>>
      tpu.enqueue_indirect_dma source(%dma_start3A_44 : memref<10240x128xf32, #tpu.memory_space<hbm>>) target(%arg6 : memref<128x128xf32, #tpu.memory_space<vmem>>) offsets(%dma_start3A_41 : memref<128xi32, #tpu.memory_space<vmem>>) semaphore(%arg9 : memref<!tpu.dma_semaphore, #tpu.memory_space<semaphore_mem>>)
      %dma_start3A_45 = arith.constant 0 : i32
      %dma_start3A_46 = arith.constant 1 : i32
      %dma_start3A_47 = arith.constant 0 : i32
      %dma_start3A_48 = tpu.memref_slice %arg5[%dma_start3A_45, %dma_start3A_46, %dma_start3A_47] : memref<2x4x128xi32, #tpu.memory_space<vmem>> -> memref<1x1x128xi32, #tpu.memory_space<vmem>>
      %dma_start3A_49 = tpu.memref_squeeze %dma_start3A_48 : memref<1x1x128xi32, #tpu.memory_space<vmem>> -> memref<128xi32, #tpu.memory_space<vmem>>
      %dma_start3A_50 = arith.constant 0 : i32
      %dma_start3A_51 = arith.constant 0 : i32
      %dma_start3A_52 = tpu.memref_slice %arg2[%dma_start3A_50, %dma_start3A_51] : memref<10240x128xf32, #tpu.memory_space<hbm>> -> memref<10240x128xf32, #tpu.memory_space<hbm>>
      tpu.enqueue_indirect_dma source(%dma_start3A_52 : memref<10240x128xf32, #tpu.memory_space<hbm>>) target(%arg7 : memref<128x128xf32, #tpu.memory_space<vmem>>) offsets(%dma_start3A_49 : memref<128xi32, #tpu.memory_space<vmem>>) semaphore(%arg10 : memref<!tpu.dma_semaphore, #tpu.memory_space<semaphore_mem>>)
      %dma_wait3A = arith.constant 0 : i32
      %dma_wait3A_53 = arith.constant 0 : i32
      %dma_wait3A_54 = arith.constant 0 : i32
      %dma_wait3A_55 = tpu.memref_slice %arg5[%dma_wait3A, %dma_wait3A_53, %dma_wait3A_54] : memref<2x4x128xi32, #tpu.memory_space<vmem>> -> memref<1x1x128xi32, #tpu.memory_space<vmem>>
      %dma_wait3A_56 = tpu.memref_squeeze %dma_wait3A_55 : memref<1x1x128xi32, #tpu.memory_space<vmem>> -> memref<128xi32, #tpu.memory_space<vmem>>
      %dma_wait3A_57 = arith.constant 0 : i32
      %dma_wait3A_58 = arith.constant 0 : i32
      %dma_wait3A_59 = tpu.memref_slice %arg2[%dma_wait3A_57, %dma_wait3A_58] : memref<10240x128xf32, #tpu.memory_space<hbm>> -> memref<10240x128xf32, #tpu.memory_space<hbm>>
      tpu.wait_indirect_dma semaphore(%arg9 : memref<!tpu.dma_semaphore, #tpu.memory_space<semaphore_mem>>) src(%dma_wait3A_59 : memref<10240x128xf32, #tpu.memory_space<hbm>>) dst(%arg6 : memref<128x128xf32, #tpu.memory_space<vmem>>)
      %dma_start3A_60 = arith.constant 1 : i32
      %dma_start3A_61 = arith.constant 0 : i32
      %dma_start3A_62 = arith.constant 0 : i32
      %dma_start3A_63 = tpu.memref_slice %arg5[%dma_start3A_60, %dma_start3A_61, %dma_start3A_62] : memref<2x4x128xi32, #tpu.memory_space<vmem>> -> memref<1x1x128xi32, #tpu.memory_space<vmem>>
      %dma_start3A_64 = tpu.memref_squeeze %dma_start3A_63 : memref<1x1x128xi32, #tpu.memory_space<vmem>> -> memref<128xi32, #tpu.memory_space<vmem>>
      %dma_start3A_65 = arith.constant 0 : i32
      %dma_start3A_66 = arith.constant 0 : i32
      %dma_start3A_67 = tpu.memref_slice %arg8[%dma_start3A_65, %dma_start3A_66] : memref<10240x128xf32, #tpu.memory_space<vmem_shared>> -> memref<10240x128xf32, #tpu.memory_space<vmem_shared>>
      tpu.enqueue_indirect_dma source(%arg6 : memref<128x128xf32, #tpu.memory_space<vmem>>) target(%dma_start3A_67 : memref<10240x128xf32, #tpu.memory_space<vmem_shared>>) offsets(%dma_start3A_64 : memref<128xi32, #tpu.memory_space<vmem>>) semaphore(%arg11 : memref<!tpu.dma_semaphore, #tpu.memory_space<semaphore_mem>>) {add = true}
      %dma_wait3A_68 = arith.constant 0 : i32
      %dma_wait3A_69 = arith.constant 1 : i32
      %dma_wait3A_70 = arith.constant 0 : i32
      %dma_wait3A_71 = tpu.memref_slice %arg5[%dma_wait3A_68, %dma_wait3A_69, %dma_wait3A_70] : memref<2x4x128xi32, #tpu.memory_space<vmem>> -> memref<1x1x128xi32, #tpu.memory_space<vmem>>
      %dma_wait3A_72 = tpu.memref_squeeze %dma_wait3A_71 : memref<1x1x128xi32, #tpu.memory_space<vmem>> -> memref<128xi32, #tpu.memory_space<vmem>>
      %dma_wait3A_73 = arith.constant 0 : i32
      %dma_wait3A_74 = arith.constant 0 : i32
      %dma_wait3A_75 = tpu.memref_slice %arg2[%dma_wait3A_73, %dma_wait3A_74] : memref<10240x128xf32, #tpu.memory_space<hbm>> -> memref<10240x128xf32, #tpu.memory_space<hbm>>
      tpu.wait_indirect_dma semaphore(%arg10 : memref<!tpu.dma_semaphore, #tpu.memory_space<semaphore_mem>>) src(%dma_wait3A_75 : memref<10240x128xf32, #tpu.memory_space<hbm>>) dst(%arg7 : memref<128x128xf32, #tpu.memory_space<vmem>>)
      %dma_start3A_76 = arith.constant 1 : i32
      %dma_start3A_77 = arith.constant 1 : i32
      %dma_start3A_78 = arith.constant 0 : i32
      %dma_start3A_79 = tpu.memref_slice %arg5[%dma_start3A_76, %dma_start3A_77, %dma_start3A_78] : memref<2x4x128xi32, #tpu.memory_space<vmem>> -> memref<1x1x128xi32, #tpu.memory_space<vmem>>
      %dma_start3A_80 = tpu.memref_squeeze %dma_start3A_79 : memref<1x1x128xi32, #tpu.memory_space<vmem>> -> memref<128xi32, #tpu.memory_space<vmem>>
      %dma_start3A_81 = arith.constant 0 : i32
      %dma_start3A_82 = arith.constant 0 : i32
      %dma_start3A_83 = tpu.memref_slice %arg8[%dma_start3A_81, %dma_start3A_82] : memref<10240x128xf32, #tpu.memory_space<vmem_shared>> -> memref<10240x128xf32, #tpu.memory_space<vmem_shared>>
      tpu.enqueue_indirect_dma source(%arg7 : memref<128x128xf32, #tpu.memory_space<vmem>>) target(%dma_start3A_83 : memref<10240x128xf32, #tpu.memory_space<vmem_shared>>) offsets(%dma_start3A_80 : memref<128xi32, #tpu.memory_space<vmem>>) semaphore(%arg12 : memref<!tpu.dma_semaphore, #tpu.memory_space<semaphore_mem>>) {add = true}
      %dma_wait3A_84 = arith.constant 1 : i32
      %dma_wait3A_85 = arith.constant 0 : i32
      %dma_wait3A_86 = arith.constant 0 : i32
      %dma_wait3A_87 = tpu.memref_slice %arg5[%dma_wait3A_84, %dma_wait3A_85, %dma_wait3A_86] : memref<2x4x128xi32, #tpu.memory_space<vmem>> -> memref<1x1x128xi32, #tpu.memory_space<vmem>>
      %dma_wait3A_88 = tpu.memref_squeeze %dma_wait3A_87 : memref<1x1x128xi32, #tpu.memory_space<vmem>> -> memref<128xi32, #tpu.memory_space<vmem>>
      %dma_wait3A_89 = arith.constant 0 : i32
      %dma_wait3A_90 = arith.constant 0 : i32
      %dma_wait3A_91 = tpu.memref_slice %arg8[%dma_wait3A_89, %dma_wait3A_90] : memref<10240x128xf32, #tpu.memory_space<vmem_shared>> -> memref<10240x128xf32, #tpu.memory_space<vmem_shared>>
      tpu.wait_indirect_dma semaphore(%arg11 : memref<!tpu.dma_semaphore, #tpu.memory_space<semaphore_mem>>) src(%arg6 : memref<128x128xf32, #tpu.memory_space<vmem>>) dst(%dma_wait3A_91 : memref<10240x128xf32, #tpu.memory_space<vmem_shared>>)
      %dma_wait3A_92 = arith.constant 1 : i32
      %dma_wait3A_93 = arith.constant 1 : i32
      %dma_wait3A_94 = arith.constant 0 : i32
      %dma_wait3A_95 = tpu.memref_slice %arg5[%dma_wait3A_92, %dma_wait3A_93, %dma_wait3A_94] : memref<2x4x128xi32, #tpu.memory_space<vmem>> -> memref<1x1x128xi32, #tpu.memory_space<vmem>>
      %dma_wait3A_96 = tpu.memref_squeeze %dma_wait3A_95 : memref<1x1x128xi32, #tpu.memory_space<vmem>> -> memref<128xi32, #tpu.memory_space<vmem>>
      %dma_wait3A_97 = arith.constant 0 : i32
      %dma_wait3A_98 = arith.constant 0 : i32
      %dma_wait3A_99 = tpu.memref_slice %arg8[%dma_wait3A_97, %dma_wait3A_98] : memref<10240x128xf32, #tpu.memory_space<vmem_shared>> -> memref<10240x128xf32, #tpu.memory_space<vmem_shared>>
      tpu.wait_indirect_dma semaphore(%arg12 : memref<!tpu.dma_semaphore, #tpu.memory_space<semaphore_mem>>) src(%arg7 : memref<128x128xf32, #tpu.memory_space<vmem>>) dst(%dma_wait3A_99 : memref<10240x128xf32, #tpu.memory_space<vmem_shared>>)
      %dma_start3A_100 = arith.constant 0 : i32
      %dma_start3A_101 = arith.constant 2 : i32
      %dma_start3A_102 = arith.constant 0 : i32
      %dma_start3A_103 = tpu.memref_slice %arg5[%dma_start3A_100, %dma_start3A_101, %dma_start3A_102] : memref<2x4x128xi32, #tpu.memory_space<vmem>> -> memref<1x1x128xi32, #tpu.memory_space<vmem>>
      %dma_start3A_104 = tpu.memref_squeeze %dma_start3A_103 : memref<1x1x128xi32, #tpu.memory_space<vmem>> -> memref<128xi32, #tpu.memory_space<vmem>>
      %dma_start3A_105 = arith.constant 0 : i32
      %dma_start3A_106 = arith.constant 0 : i32
      %dma_start3A_107 = tpu.memref_slice %arg2[%dma_start3A_105, %dma_start3A_106] : memref<10240x128xf32, #tpu.memory_space<hbm>> -> memref<10240x128xf32, #tpu.memory_space<hbm>>
      tpu.enqueue_indirect_dma source(%dma_start3A_107 : memref<10240x128xf32, #tpu.memory_space<hbm>>) target(%arg6 : memref<128x128xf32, #tpu.memory_space<vmem>>) offsets(%dma_start3A_104 : memref<128xi32, #tpu.memory_space<vmem>>) semaphore(%arg9 : memref<!tpu.dma_semaphore, #tpu.memory_space<semaphore_mem>>)
      %dma_start3A_108 = arith.constant 0 : i32
      %dma_start3A_109 = arith.constant 3 : i32
      %dma_start3A_110 = arith.constant 0 : i32
      %dma_start3A_111 = tpu.memref_slice %arg5[%dma_start3A_108, %dma_start3A_109, %dma_start3A_110] : memref<2x4x128xi32, #tpu.memory_space<vmem>> -> memref<1x1x128xi32, #tpu.memory_space<vmem>>
      %dma_start3A_112 = tpu.memref_squeeze %dma_start3A_111 : memref<1x1x128xi32, #tpu.memory_space<vmem>> -> memref<128xi32, #tpu.memory_space<vmem>>
      %dma_start3A_113 = arith.constant 0 : i32
      %dma_start3A_114 = arith.constant 0 : i32
      %dma_start3A_115 = tpu.memref_slice %arg2[%dma_start3A_113, %dma_start3A_114] : memref<10240x128xf32, #tpu.memory_space<hbm>> -> memref<10240x128xf32, #tpu.memory_space<hbm>>
      tpu.enqueue_indirect_dma source(%dma_start3A_115 : memref<10240x128xf32, #tpu.memory_space<hbm>>) target(%arg7 : memref<128x128xf32, #tpu.memory_space<vmem>>) offsets(%dma_start3A_112 : memref<128xi32, #tpu.memory_space<vmem>>) semaphore(%arg10 : memref<!tpu.dma_semaphore, #tpu.memory_space<semaphore_mem>>)
      %dma_wait3A_116 = arith.constant 0 : i32
      %dma_wait3A_117 = arith.constant 2 : i32
      %dma_wait3A_118 = arith.constant 0 : i32
      %dma_wait3A_119 = tpu.memref_slice %arg5[%dma_wait3A_116, %dma_wait3A_117, %dma_wait3A_118] : memref<2x4x128xi32, #tpu.memory_space<vmem>> -> memref<1x1x128xi32, #tpu.memory_space<vmem>>
      %dma_wait3A_120 = tpu.memref_squeeze %dma_wait3A_119 : memref<1x1x128xi32, #tpu.memory_space<vmem>> -> memref<128xi32, #tpu.memory_space<vmem>>
      %dma_wait3A_121 = arith.constant 0 : i32
      %dma_wait3A_122 = arith.constant 0 : i32
      %dma_wait3A_123 = tpu.memref_slice %arg2[%dma_wait3A_121, %dma_wait3A_122] : memref<10240x128xf32, #tpu.memory_space<hbm>> -> memref<10240x128xf32, #tpu.memory_space<hbm>>
      tpu.wait_indirect_dma semaphore(%arg9 : memref<!tpu.dma_semaphore, #tpu.memory_space<semaphore_mem>>) src(%dma_wait3A_123 : memref<10240x128xf32, #tpu.memory_space<hbm>>) dst(%arg6 : memref<128x128xf32, #tpu.memory_space<vmem>>)
      %dma_start3A_124 = arith.constant 1 : i32
      %dma_start3A_125 = arith.constant 2 : i32
      %dma_start3A_126 = arith.constant 0 : i32
      %dma_start3A_127 = tpu.memref_slice %arg5[%dma_start3A_124, %dma_start3A_125, %dma_start3A_126] : memref<2x4x128xi32, #tpu.memory_space<vmem>> -> memref<1x1x128xi32, #tpu.memory_space<vmem>>
      %dma_start3A_128 = tpu.memref_squeeze %dma_start3A_127 : memref<1x1x128xi32, #tpu.memory_space<vmem>> -> memref<128xi32, #tpu.memory_space<vmem>>
      %dma_start3A_129 = arith.constant 0 : i32
      %dma_start3A_130 = arith.constant 0 : i32
      %dma_start3A_131 = tpu.memref_slice %arg8[%dma_start3A_129, %dma_start3A_130] : memref<10240x128xf32, #tpu.memory_space<vmem_shared>> -> memref<10240x128xf32, #tpu.memory_space<vmem_shared>>
      tpu.enqueue_indirect_dma source(%arg6 : memref<128x128xf32, #tpu.memory_space<vmem>>) target(%dma_start3A_131 : memref<10240x128xf32, #tpu.memory_space<vmem_shared>>) offsets(%dma_start3A_128 : memref<128xi32, #tpu.memory_space<vmem>>) semaphore(%arg11 : memref<!tpu.dma_semaphore, #tpu.memory_space<semaphore_mem>>) {add = true}
      %dma_wait3A_132 = arith.constant 0 : i32
      %dma_wait3A_133 = arith.constant 3 : i32
      %dma_wait3A_134 = arith.constant 0 : i32
      %dma_wait3A_135 = tpu.memref_slice %arg5[%dma_wait3A_132, %dma_wait3A_133, %dma_wait3A_134] : memref<2x4x128xi32, #tpu.memory_space<vmem>> -> memref<1x1x128xi32, #tpu.memory_space<vmem>>
      %dma_wait3A_136 = tpu.memref_squeeze %dma_wait3A_135 : memref<1x1x128xi32, #tpu.memory_space<vmem>> -> memref<128xi32, #tpu.memory_space<vmem>>
      %dma_wait3A_137 = arith.constant 0 : i32
      %dma_wait3A_138 = arith.constant 0 : i32
      %dma_wait3A_139 = tpu.memref_slice %arg2[%dma_wait3A_137, %dma_wait3A_138] : memref<10240x128xf32, #tpu.memory_space<hbm>> -> memref<10240x128xf32, #tpu.memory_space<hbm>>
      tpu.wait_indirect_dma semaphore(%arg10 : memref<!tpu.dma_semaphore, #tpu.memory_space<semaphore_mem>>) src(%dma_wait3A_139 : memref<10240x128xf32, #tpu.memory_space<hbm>>) dst(%arg7 : memref<128x128xf32, #tpu.memory_space<vmem>>)
      %dma_start3A_140 = arith.constant 1 : i32
      %dma_start3A_141 = arith.constant 3 : i32
      %dma_start3A_142 = arith.constant 0 : i32
      %dma_start3A_143 = tpu.memref_slice %arg5[%dma_start3A_140, %dma_start3A_141, %dma_start3A_142] : memref<2x4x128xi32, #tpu.memory_space<vmem>> -> memref<1x1x128xi32, #tpu.memory_space<vmem>>
      %dma_start3A_144 = tpu.memref_squeeze %dma_start3A_143 : memref<1x1x128xi32, #tpu.memory_space<vmem>> -> memref<128xi32, #tpu.memory_space<vmem>>
      %dma_start3A_145 = arith.constant 0 : i32
      %dma_start3A_146 = arith.constant 0 : i32
      %dma_start3A_147 = tpu.memref_slice %arg8[%dma_start3A_145, %dma_start3A_146] : memref<10240x128xf32, #tpu.memory_space<vmem_shared>> -> memref<10240x128xf32, #tpu.memory_space<vmem_shared>>
      tpu.enqueue_indirect_dma source(%arg7 : memref<128x128xf32, #tpu.memory_space<vmem>>) target(%dma_start3A_147 : memref<10240x128xf32, #tpu.memory_space<vmem_shared>>) offsets(%dma_start3A_144 : memref<128xi32, #tpu.memory_space<vmem>>) semaphore(%arg12 : memref<!tpu.dma_semaphore, #tpu.memory_space<semaphore_mem>>) {add = true}
      %dma_wait3A_148 = arith.constant 1 : i32
      %dma_wait3A_149 = arith.constant 2 : i32
      %dma_wait3A_150 = arith.constant 0 : i32
      %dma_wait3A_151 = tpu.memref_slice %arg5[%dma_wait3A_148, %dma_wait3A_149, %dma_wait3A_150] : memref<2x4x128xi32, #tpu.memory_space<vmem>> -> memref<1x1x128xi32, #tpu.memory_space<vmem>>
      %dma_wait3A_152 = tpu.memref_squeeze %dma_wait3A_151 : memref<1x1x128xi32, #tpu.memory_space<vmem>> -> memref<128xi32, #tpu.memory_space<vmem>>
      %dma_wait3A_153 = arith.constant 0 : i32
      %dma_wait3A_154 = arith.constant 0 : i32
      %dma_wait3A_155 = tpu.memref_slice %arg8[%dma_wait3A_153, %dma_wait3A_154] : memref<10240x128xf32, #tpu.memory_space<vmem_shared>> -> memref<10240x128xf32, #tpu.memory_space<vmem_shared>>
      tpu.wait_indirect_dma semaphore(%arg11 : memref<!tpu.dma_semaphore, #tpu.memory_space<semaphore_mem>>) src(%arg6 : memref<128x128xf32, #tpu.memory_space<vmem>>) dst(%dma_wait3A_155 : memref<10240x128xf32, #tpu.memory_space<vmem_shared>>)
      %dma_wait3A_156 = arith.constant 1 : i32
      %dma_wait3A_157 = arith.constant 3 : i32
      %dma_wait3A_158 = arith.constant 0 : i32
      %dma_wait3A_159 = tpu.memref_slice %arg5[%dma_wait3A_156, %dma_wait3A_157, %dma_wait3A_158] : memref<2x4x128xi32, #tpu.memory_space<vmem>> -> memref<1x1x128xi32, #tpu.memory_space<vmem>>
      %dma_wait3A_160 = tpu.memref_squeeze %dma_wait3A_159 : memref<1x1x128xi32, #tpu.memory_space<vmem>> -> memref<128xi32, #tpu.memory_space<vmem>>
      %dma_wait3A_161 = arith.constant 0 : i32
      %dma_wait3A_162 = arith.constant 0 : i32
      %dma_wait3A_163 = tpu.memref_slice %arg8[%dma_wait3A_161, %dma_wait3A_162] : memref<10240x128xf32, #tpu.memory_space<vmem_shared>> -> memref<10240x128xf32, #tpu.memory_space<vmem_shared>>
      tpu.wait_indirect_dma semaphore(%arg12 : memref<!tpu.dma_semaphore, #tpu.memory_space<semaphore_mem>>) src(%arg7 : memref<128x128xf32, #tpu.memory_space<vmem>>) dst(%dma_wait3A_163 : memref<10240x128xf32, #tpu.memory_space<vmem_shared>>)
    }
    %barrier3A_36 = arith.constant 0 : index
    tpu.barrier barrier_id(%barrier3A_36)
    "tpu.region"() ({
      %run_scoped3A = tpu.sem_alloc : memref<!tpu.dma_semaphore, #tpu.memory_space<semaphore_mem>>
      %dma_start3A = arith.constant 0 : i32
      %dma_start3A_37 = tpu.memref_slice %arg4[%arg0, %mul3A_2, %dma_start3A] : memref<2x10240x128xf32, #tpu.memory_space<hbm>> -> memref<1x640x128xf32, #tpu.memory_space<hbm>>
      %dma_start3A_38 = tpu.memref_squeeze %dma_start3A_37 : memref<1x640x128xf32, #tpu.memory_space<hbm>> -> memref<640x128xf32, #tpu.memory_space<hbm>>
      %dma_start3A_39 = arith.constant 0 : i32
      %dma_start3A_40 = tpu.memref_slice %arg8[%mul3A_2, %dma_start3A_39] : memref<10240x128xf32, #tpu.memory_space<vmem_shared>> -> memref<640x128xf32, #tpu.memory_space<vmem_shared>>
      tpu.enqueue_dma source(%dma_start3A_40 : memref<640x128xf32, #tpu.memory_space<vmem_shared>>) target(%dma_start3A_38 : memref<640x128xf32, #tpu.memory_space<hbm>>) target_semaphore(%run_scoped3A : memref<!tpu.dma_semaphore, #tpu.memory_space<semaphore_mem>>)
      %dma_wait3A = arith.constant 0 : i32
      %dma_wait3A_41 = tpu.memref_slice %arg4[%arg0, %mul3A_2, %dma_wait3A] : memref<2x10240x128xf32, #tpu.memory_space<hbm>> -> memref<1x640x128xf32, #tpu.memory_space<hbm>>
      %dma_wait3A_42 = tpu.memref_squeeze %dma_wait3A_41 : memref<1x640x128xf32, #tpu.memory_space<hbm>> -> memref<640x128xf32, #tpu.memory_space<hbm>>
      %dma_wait3A_43 = arith.constant 0 : i32
      %dma_wait3A_44 = tpu.memref_slice %arg8[%mul3A_2, %dma_wait3A_43] : memref<10240x128xf32, #tpu.memory_space<vmem_shared>> -> memref<640x128xf32, #tpu.memory_space<vmem_shared>>
      tpu.wait_dma2 semaphore(%run_scoped3A : memref<!tpu.dma_semaphore, #tpu.memory_space<semaphore_mem>>) src(%dma_wait3A_44 : memref<640x128xf32, #tpu.memory_space<vmem_shared>>) dst(%dma_wait3A_42 : memref<640x128xf32, #tpu.memory_space<hbm>>)
      tpu.yield
    }) : () -> ()
    return
  }
}

#map = affine_map<(d0, d1) -> (0, 0)>
#map1 = affine_map<(d0, d1) -> (0, 0, 0, 0, 0)>
#map2 = affine_map<(d0, d1) -> (0, 0, 0)>
module attributes {stable_mosaic.version = 14 : i64} {
  func.func @prop_kernel(%arg0: i32, %arg1: i32, %arg2: memref<10240x128xf32, #tpu.memory_space<hbm>>, %arg3: memref<32x37x2x4x128xi32, #tpu.memory_space<hbm>>, %arg4: memref<2x10240x128xf32, #tpu.memory_space<hbm>>, %arg5: memref<2x4x128xi32, #tpu.memory_space<vmem>>, %arg6: memref<128x128xf32, #tpu.memory_space<vmem>>, %arg7: memref<128x128xf32, #tpu.memory_space<vmem>>, %arg8: memref<10240x128xf32, #tpu.memory_space<vmem_shared>>, %arg9: memref<!tpu.dma_semaphore, #tpu.memory_space<semaphore_mem>>, %arg10: memref<!tpu.dma_semaphore, #tpu.memory_space<semaphore_mem>>, %arg11: memref<!tpu.dma_semaphore, #tpu.memory_space<semaphore_mem>>, %arg12: memref<!tpu.dma_semaphore, #tpu.memory_space<semaphore_mem>>) attributes {dimension_semantics = [#tpu.dimension_semantics<core_parallel>, #tpu.dimension_semantics<subcore_parallel>], iteration_bounds = array<i64: 2, 16>, scalar_prefetch = 0 : i64, scratch_operands = 8 : i64, tpu.core_type = #tpu.core_type<sc_vector_subcore>, window_params = [{transform_indices = #map}, {transform_indices = #map1}, {transform_indices = #map2}]} {
    %mul3A = arith.constant 16 : i32
    %mul3A_0 = arith.muli %arg0, %mul3A : i32
    %add3A = arith.addi %mul3A_0, %arg1 : i32
    %mul3A_1 = arith.constant 640 : i32
    %mul3A_2 = arith.muli %arg1, %mul3A_1 : i32
    %broadcast_in_dim3A = arith.constant 0.000000e+00 : f32
    %broadcast_in_dim3A_3 = vector.broadcast %broadcast_in_dim3A : f32 to vector<16xf32>
    %while3A = arith.constant 0 : i32
    %while3A_4 = arith.constant 0 : i32
    %while3A_5 = arith.constant 128 : i32
    %while3A_6 = arith.subi %while3A_5, %while3A_4 : i32
    %while3A_7 = arith.addi %while3A_4, %while3A_6 : i32
    %while3A_8 = arith.constant 1 : i32
    %while3A_9 = arith.divsi %while3A_6, %while3A_8 : i32
    %while3A_10 = arith.muli %while3A_9, %while3A_8 : i32
    %while3A_11 = arith.addi %while3A_4, %while3A_10 : i32
    %while3A_12 = arith.constant 1 : i32
    scf.for %while3A_37 = %while3A_4 to %while3A_11 step %while3A_12  : i32 {
      %swap3A = arith.index_cast %while3A_37 : i32 to index
      %swap3A_38 = arith.constant 0 : index
      %swap3A_39 = tpu.vector_load %arg6[%swap3A, %swap3A_38] {strides = array<i32>} : memref<128x128xf32, #tpu.memory_space<vmem>>, vector<1x16xf32>,
      %swap3A_40 = vector.shape_cast %swap3A_39 : vector<1x16xf32> to vector<16xf32>
      %swap3A_41 = vector.shape_cast %broadcast_in_dim3A_3 : vector<16xf32> to vector<1x16xf32>
      tpu.vector_store %arg6[%swap3A, %swap3A_38], %swap3A_41 {strides = array<i32>} : memref<128x128xf32, #tpu.memory_space<vmem>>, vector<1x16xf32>,
      %swap3A_42 = arith.index_cast %while3A_37 : i32 to index
      %swap3A_43 = arith.constant 16 : index
      %swap3A_44 = tpu.vector_load %arg6[%swap3A_42, %swap3A_43] {strides = array<i32>} : memref<128x128xf32, #tpu.memory_space<vmem>>, vector<1x16xf32>,
      %swap3A_45 = vector.shape_cast %swap3A_44 : vector<1x16xf32> to vector<16xf32>
      %swap3A_46 = vector.shape_cast %broadcast_in_dim3A_3 : vector<16xf32> to vector<1x16xf32>
      tpu.vector_store %arg6[%swap3A_42, %swap3A_43], %swap3A_46 {strides = array<i32>} : memref<128x128xf32, #tpu.memory_space<vmem>>, vector<1x16xf32>,
      %swap3A_47 = arith.index_cast %while3A_37 : i32 to index
      %swap3A_48 = arith.constant 32 : index
      %swap3A_49 = tpu.vector_load %arg6[%swap3A_47, %swap3A_48] {strides = array<i32>} : memref<128x128xf32, #tpu.memory_space<vmem>>, vector<1x16xf32>,
      %swap3A_50 = vector.shape_cast %swap3A_49 : vector<1x16xf32> to vector<16xf32>
      %swap3A_51 = vector.shape_cast %broadcast_in_dim3A_3 : vector<16xf32> to vector<1x16xf32>
      tpu.vector_store %arg6[%swap3A_47, %swap3A_48], %swap3A_51 {strides = array<i32>} : memref<128x128xf32, #tpu.memory_space<vmem>>, vector<1x16xf32>,
      %swap3A_52 = arith.index_cast %while3A_37 : i32 to index
      %swap3A_53 = arith.constant 48 : index
      %swap3A_54 = tpu.vector_load %arg6[%swap3A_52, %swap3A_53] {strides = array<i32>} : memref<128x128xf32, #tpu.memory_space<vmem>>, vector<1x16xf32>,
      %swap3A_55 = vector.shape_cast %swap3A_54 : vector<1x16xf32> to vector<16xf32>
      %swap3A_56 = vector.shape_cast %broadcast_in_dim3A_3 : vector<16xf32> to vector<1x16xf32>
      tpu.vector_store %arg6[%swap3A_52, %swap3A_53], %swap3A_56 {strides = array<i32>} : memref<128x128xf32, #tpu.memory_space<vmem>>, vector<1x16xf32>,
      %swap3A_57 = arith.index_cast %while3A_37 : i32 to index
      %swap3A_58 = arith.constant 64 : index
      %swap3A_59 = tpu.vector_load %arg6[%swap3A_57, %swap3A_58] {strides = array<i32>} : memref<128x128xf32, #tpu.memory_space<vmem>>, vector<1x16xf32>,
      %swap3A_60 = vector.shape_cast %swap3A_59 : vector<1x16xf32> to vector<16xf32>
      %swap3A_61 = vector.shape_cast %broadcast_in_dim3A_3 : vector<16xf32> to vector<1x16xf32>
      tpu.vector_store %arg6[%swap3A_57, %swap3A_58], %swap3A_61 {strides = array<i32>} : memref<128x128xf32, #tpu.memory_space<vmem>>, vector<1x16xf32>,
      %swap3A_62 = arith.index_cast %while3A_37 : i32 to index
      %swap3A_63 = arith.constant 80 : index
      %swap3A_64 = tpu.vector_load %arg6[%swap3A_62, %swap3A_63] {strides = array<i32>} : memref<128x128xf32, #tpu.memory_space<vmem>>, vector<1x16xf32>,
      %swap3A_65 = vector.shape_cast %swap3A_64 : vector<1x16xf32> to vector<16xf32>
      %swap3A_66 = vector.shape_cast %broadcast_in_dim3A_3 : vector<16xf32> to vector<1x16xf32>
      tpu.vector_store %arg6[%swap3A_62, %swap3A_63], %swap3A_66 {strides = array<i32>} : memref<128x128xf32, #tpu.memory_space<vmem>>, vector<1x16xf32>,
      %swap3A_67 = arith.index_cast %while3A_37 : i32 to index
      %swap3A_68 = arith.constant 96 : index
      %swap3A_69 = tpu.vector_load %arg6[%swap3A_67, %swap3A_68] {strides = array<i32>} : memref<128x128xf32, #tpu.memory_space<vmem>>, vector<1x16xf32>,
      %swap3A_70 = vector.shape_cast %swap3A_69 : vector<1x16xf32> to vector<16xf32>
      %swap3A_71 = vector.shape_cast %broadcast_in_dim3A_3 : vector<16xf32> to vector<1x16xf32>
      tpu.vector_store %arg6[%swap3A_67, %swap3A_68], %swap3A_71 {strides = array<i32>} : memref<128x128xf32, #tpu.memory_space<vmem>>, vector<1x16xf32>,
      %swap3A_72 = arith.index_cast %while3A_37 : i32 to index
      %swap3A_73 = arith.constant 112 : index
      %swap3A_74 = tpu.vector_load %arg6[%swap3A_72, %swap3A_73] {strides = array<i32>} : memref<128x128xf32, #tpu.memory_space<vmem>>, vector<1x16xf32>,
      %swap3A_75 = vector.shape_cast %swap3A_74 : vector<1x16xf32> to vector<16xf32>
      %swap3A_76 = vector.shape_cast %broadcast_in_dim3A_3 : vector<16xf32> to vector<1x16xf32>
      tpu.vector_store %arg6[%swap3A_72, %swap3A_73], %swap3A_76 {strides = array<i32>} : memref<128x128xf32, #tpu.memory_space<vmem>>, vector<1x16xf32>,
    }
    %while3A_13 = arith.constant 1 : i32
    scf.for %while3A_37 = %while3A_11 to %while3A_7 step %while3A_13  : i32 {
      %swap3A = arith.index_cast %while3A_37 : i32 to index
      %swap3A_38 = arith.constant 0 : index
      %swap3A_39 = tpu.vector_load %arg6[%swap3A, %swap3A_38] {strides = array<i32>} : memref<128x128xf32, #tpu.memory_space<vmem>>, vector<1x16xf32>,
      %swap3A_40 = vector.shape_cast %swap3A_39 : vector<1x16xf32> to vector<16xf32>
      %swap3A_41 = vector.shape_cast %broadcast_in_dim3A_3 : vector<16xf32> to vector<1x16xf32>
      tpu.vector_store %arg6[%swap3A, %swap3A_38], %swap3A_41 {strides = array<i32>} : memref<128x128xf32, #tpu.memory_space<vmem>>, vector<1x16xf32>,
      %swap3A_42 = arith.index_cast %while3A_37 : i32 to index
      %swap3A_43 = arith.constant 16 : index
      %swap3A_44 = tpu.vector_load %arg6[%swap3A_42, %swap3A_43] {strides = array<i32>} : memref<128x128xf32, #tpu.memory_space<vmem>>, vector<1x16xf32>,
      %swap3A_45 = vector.shape_cast %swap3A_44 : vector<1x16xf32> to vector<16xf32>
      %swap3A_46 = vector.shape_cast %broadcast_in_dim3A_3 : vector<16xf32> to vector<1x16xf32>
      tpu.vector_store %arg6[%swap3A_42, %swap3A_43], %swap3A_46 {strides = array<i32>} : memref<128x128xf32, #tpu.memory_space<vmem>>, vector<1x16xf32>,
      %swap3A_47 = arith.index_cast %while3A_37 : i32 to index
      %swap3A_48 = arith.constant 32 : index
      %swap3A_49 = tpu.vector_load %arg6[%swap3A_47, %swap3A_48] {strides = array<i32>} : memref<128x128xf32, #tpu.memory_space<vmem>>, vector<1x16xf32>,
      %swap3A_50 = vector.shape_cast %swap3A_49 : vector<1x16xf32> to vector<16xf32>
      %swap3A_51 = vector.shape_cast %broadcast_in_dim3A_3 : vector<16xf32> to vector<1x16xf32>
      tpu.vector_store %arg6[%swap3A_47, %swap3A_48], %swap3A_51 {strides = array<i32>} : memref<128x128xf32, #tpu.memory_space<vmem>>, vector<1x16xf32>,
      %swap3A_52 = arith.index_cast %while3A_37 : i32 to index
      %swap3A_53 = arith.constant 48 : index
      %swap3A_54 = tpu.vector_load %arg6[%swap3A_52, %swap3A_53] {strides = array<i32>} : memref<128x128xf32, #tpu.memory_space<vmem>>, vector<1x16xf32>,
      %swap3A_55 = vector.shape_cast %swap3A_54 : vector<1x16xf32> to vector<16xf32>
      %swap3A_56 = vector.shape_cast %broadcast_in_dim3A_3 : vector<16xf32> to vector<1x16xf32>
      tpu.vector_store %arg6[%swap3A_52, %swap3A_53], %swap3A_56 {strides = array<i32>} : memref<128x128xf32, #tpu.memory_space<vmem>>, vector<1x16xf32>,
      %swap3A_57 = arith.index_cast %while3A_37 : i32 to index
      %swap3A_58 = arith.constant 64 : index
      %swap3A_59 = tpu.vector_load %arg6[%swap3A_57, %swap3A_58] {strides = array<i32>} : memref<128x128xf32, #tpu.memory_space<vmem>>, vector<1x16xf32>,
      %swap3A_60 = vector.shape_cast %swap3A_59 : vector<1x16xf32> to vector<16xf32>
      %swap3A_61 = vector.shape_cast %broadcast_in_dim3A_3 : vector<16xf32> to vector<1x16xf32>
      tpu.vector_store %arg6[%swap3A_57, %swap3A_58], %swap3A_61 {strides = array<i32>} : memref<128x128xf32, #tpu.memory_space<vmem>>, vector<1x16xf32>,
      %swap3A_62 = arith.index_cast %while3A_37 : i32 to index
      %swap3A_63 = arith.constant 80 : index
      %swap3A_64 = tpu.vector_load %arg6[%swap3A_62, %swap3A_63] {strides = array<i32>} : memref<128x128xf32, #tpu.memory_space<vmem>>, vector<1x16xf32>,
      %swap3A_65 = vector.shape_cast %swap3A_64 : vector<1x16xf32> to vector<16xf32>
      %swap3A_66 = vector.shape_cast %broadcast_in_dim3A_3 : vector<16xf32> to vector<1x16xf32>
      tpu.vector_store %arg6[%swap3A_62, %swap3A_63], %swap3A_66 {strides = array<i32>} : memref<128x128xf32, #tpu.memory_space<vmem>>, vector<1x16xf32>,
      %swap3A_67 = arith.index_cast %while3A_37 : i32 to index
      %swap3A_68 = arith.constant 96 : index
      %swap3A_69 = tpu.vector_load %arg6[%swap3A_67, %swap3A_68] {strides = array<i32>} : memref<128x128xf32, #tpu.memory_space<vmem>>, vector<1x16xf32>,
      %swap3A_70 = vector.shape_cast %swap3A_69 : vector<1x16xf32> to vector<16xf32>
      %swap3A_71 = vector.shape_cast %broadcast_in_dim3A_3 : vector<16xf32> to vector<1x16xf32>
      tpu.vector_store %arg6[%swap3A_67, %swap3A_68], %swap3A_71 {strides = array<i32>} : memref<128x128xf32, #tpu.memory_space<vmem>>, vector<1x16xf32>,
      %swap3A_72 = arith.index_cast %while3A_37 : i32 to index
      %swap3A_73 = arith.constant 112 : index
      %swap3A_74 = tpu.vector_load %arg6[%swap3A_72, %swap3A_73] {strides = array<i32>} : memref<128x128xf32, #tpu.memory_space<vmem>>, vector<1x16xf32>,
      %swap3A_75 = vector.shape_cast %swap3A_74 : vector<1x16xf32> to vector<16xf32>
      %swap3A_76 = vector.shape_cast %broadcast_in_dim3A_3 : vector<16xf32> to vector<1x16xf32>
      tpu.vector_store %arg6[%swap3A_72, %swap3A_73], %swap3A_76 {strides = array<i32>} : memref<128x128xf32, #tpu.memory_space<vmem>>, vector<1x16xf32>,
    }
    %add3A_14 = arith.constant 0 : i32
    %add3A_15 = arith.addi %mul3A_2, %add3A_14 : i32
    "tpu.region"() ({
      %run_scoped3A = tpu.sem_alloc : memref<!tpu.dma_semaphore, #tpu.memory_space<semaphore_mem>>
      %dma_start3A = arith.constant 0 : i32
      %dma_start3A_37 = tpu.memref_slice %arg8[%add3A_15, %dma_start3A] : memref<10240x128xf32, #tpu.memory_space<vmem_shared>> -> memref<128x128xf32, #tpu.memory_space<vmem_shared>>
      %dma_start3A_38 = arith.constant 0 : i32
      %dma_start3A_39 = tpu.memref_slice %arg8[%add3A_15, %dma_start3A_38] : memref<10240x128xf32, #tpu.memory_space<vmem_shared>> -> memref<128x128xf32, #tpu.memory_space<vmem_shared>>
      tpu.enqueue_dma source(%arg6 : memref<128x128xf32, #tpu.memory_space<vmem>>) target(%dma_start3A_39 : memref<128x128xf32, #tpu.memory_space<vmem_shared>>) target_semaphore(%run_scoped3A : memref<!tpu.dma_semaphore, #tpu.memory_space<semaphore_mem>>)
      %dma_wait3A = arith.constant 0 : i32
      %dma_wait3A_40 = tpu.memref_slice %arg8[%add3A_15, %dma_wait3A] : memref<10240x128xf32, #tpu.memory_space<vmem_shared>> -> memref<128x128xf32, #tpu.memory_space<vmem_shared>>
      %dma_wait3A_41 = arith.constant 0 : i32
      %dma_wait3A_42 = tpu.memref_slice %arg8[%add3A_15, %dma_wait3A_41] : memref<10240x128xf32, #tpu.memory_space<vmem_shared>> -> memref<128x128xf32, #tpu.memory_space<vmem_shared>>
      tpu.wait_dma2 semaphore(%run_scoped3A : memref<!tpu.dma_semaphore, #tpu.memory_space<semaphore_mem>>) src(%arg6 : memref<128x128xf32, #tpu.memory_space<vmem>>) dst(%dma_wait3A_42 : memref<128x128xf32, #tpu.memory_space<vmem_shared>>)
      tpu.yield
    }) : () -> ()
    %add3A_16 = arith.constant 128 : i32
    %add3A_17 = arith.addi %mul3A_2, %add3A_16 : i32
    "tpu.region"() ({
      %run_scoped3A = tpu.sem_alloc : memref<!tpu.dma_semaphore, #tpu.memory_space<semaphore_mem>>
      %dma_start3A = arith.constant 0 : i32
      %dma_start3A_37 = tpu.memref_slice %arg8[%add3A_17, %dma_start3A] : memref<10240x128xf32, #tpu.memory_space<vmem_shared>> -> memref<128x128xf32, #tpu.memory_space<vmem_shared>>
      %dma_start3A_38 = arith.constant 0 : i32
      %dma_start3A_39 = tpu.memref_slice %arg8[%add3A_17, %dma_start3A_38] : memref<10240x128xf32, #tpu.memory_space<vmem_shared>> -> memref<128x128xf32, #tpu.memory_space<vmem_shared>>
      tpu.enqueue_dma source(%arg6 : memref<128x128xf32, #tpu.memory_space<vmem>>) target(%dma_start3A_39 : memref<128x128xf32, #tpu.memory_space<vmem_shared>>) target_semaphore(%run_scoped3A : memref<!tpu.dma_semaphore, #tpu.memory_space<semaphore_mem>>)
      %dma_wait3A = arith.constant 0 : i32
      %dma_wait3A_40 = tpu.memref_slice %arg8[%add3A_17, %dma_wait3A] : memref<10240x128xf32, #tpu.memory_space<vmem_shared>> -> memref<128x128xf32, #tpu.memory_space<vmem_shared>>
      %dma_wait3A_41 = arith.constant 0 : i32
      %dma_wait3A_42 = tpu.memref_slice %arg8[%add3A_17, %dma_wait3A_41] : memref<10240x128xf32, #tpu.memory_space<vmem_shared>> -> memref<128x128xf32, #tpu.memory_space<vmem_shared>>
      tpu.wait_dma2 semaphore(%run_scoped3A : memref<!tpu.dma_semaphore, #tpu.memory_space<semaphore_mem>>) src(%arg6 : memref<128x128xf32, #tpu.memory_space<vmem>>) dst(%dma_wait3A_42 : memref<128x128xf32, #tpu.memory_space<vmem_shared>>)
      tpu.yield
    }) : () -> ()
    %add3A_18 = arith.constant 256 : i32
    %add3A_19 = arith.addi %mul3A_2, %add3A_18 : i32
    "tpu.region"() ({
      %run_scoped3A = tpu.sem_alloc : memref<!tpu.dma_semaphore, #tpu.memory_space<semaphore_mem>>
      %dma_start3A = arith.constant 0 : i32
      %dma_start3A_37 = tpu.memref_slice %arg8[%add3A_19, %dma_start3A] : memref<10240x128xf32, #tpu.memory_space<vmem_shared>> -> memref<128x128xf32, #tpu.memory_space<vmem_shared>>
      %dma_start3A_38 = arith.constant 0 : i32
      %dma_start3A_39 = tpu.memref_slice %arg8[%add3A_19, %dma_start3A_38] : memref<10240x128xf32, #tpu.memory_space<vmem_shared>> -> memref<128x128xf32, #tpu.memory_space<vmem_shared>>
      tpu.enqueue_dma source(%arg6 : memref<128x128xf32, #tpu.memory_space<vmem>>) target(%dma_start3A_39 : memref<128x128xf32, #tpu.memory_space<vmem_shared>>) target_semaphore(%run_scoped3A : memref<!tpu.dma_semaphore, #tpu.memory_space<semaphore_mem>>)
      %dma_wait3A = arith.constant 0 : i32
      %dma_wait3A_40 = tpu.memref_slice %arg8[%add3A_19, %dma_wait3A] : memref<10240x128xf32, #tpu.memory_space<vmem_shared>> -> memref<128x128xf32, #tpu.memory_space<vmem_shared>>
      %dma_wait3A_41 = arith.constant 0 : i32
      %dma_wait3A_42 = tpu.memref_slice %arg8[%add3A_19, %dma_wait3A_41] : memref<10240x128xf32, #tpu.memory_space<vmem_shared>> -> memref<128x128xf32, #tpu.memory_space<vmem_shared>>
      tpu.wait_dma2 semaphore(%run_scoped3A : memref<!tpu.dma_semaphore, #tpu.memory_space<semaphore_mem>>) src(%arg6 : memref<128x128xf32, #tpu.memory_space<vmem>>) dst(%dma_wait3A_42 : memref<128x128xf32, #tpu.memory_space<vmem_shared>>)
      tpu.yield
    }) : () -> ()
    %add3A_20 = arith.constant 384 : i32
    %add3A_21 = arith.addi %mul3A_2, %add3A_20 : i32
    "tpu.region"() ({
      %run_scoped3A = tpu.sem_alloc : memref<!tpu.dma_semaphore, #tpu.memory_space<semaphore_mem>>
      %dma_start3A = arith.constant 0 : i32
      %dma_start3A_37 = tpu.memref_slice %arg8[%add3A_21, %dma_start3A] : memref<10240x128xf32, #tpu.memory_space<vmem_shared>> -> memref<128x128xf32, #tpu.memory_space<vmem_shared>>
      %dma_start3A_38 = arith.constant 0 : i32
      %dma_start3A_39 = tpu.memref_slice %arg8[%add3A_21, %dma_start3A_38] : memref<10240x128xf32, #tpu.memory_space<vmem_shared>> -> memref<128x128xf32, #tpu.memory_space<vmem_shared>>
      tpu.enqueue_dma source(%arg6 : memref<128x128xf32, #tpu.memory_space<vmem>>) target(%dma_start3A_39 : memref<128x128xf32, #tpu.memory_space<vmem_shared>>) target_semaphore(%run_scoped3A : memref<!tpu.dma_semaphore, #tpu.memory_space<semaphore_mem>>)
      %dma_wait3A = arith.constant 0 : i32
      %dma_wait3A_40 = tpu.memref_slice %arg8[%add3A_21, %dma_wait3A] : memref<10240x128xf32, #tpu.memory_space<vmem_shared>> -> memref<128x128xf32, #tpu.memory_space<vmem_shared>>
      %dma_wait3A_41 = arith.constant 0 : i32
      %dma_wait3A_42 = tpu.memref_slice %arg8[%add3A_21, %dma_wait3A_41] : memref<10240x128xf32, #tpu.memory_space<vmem_shared>> -> memref<128x128xf32, #tpu.memory_space<vmem_shared>>
      tpu.wait_dma2 semaphore(%run_scoped3A : memref<!tpu.dma_semaphore, #tpu.memory_space<semaphore_mem>>) src(%arg6 : memref<128x128xf32, #tpu.memory_space<vmem>>) dst(%dma_wait3A_42 : memref<128x128xf32, #tpu.memory_space<vmem_shared>>)
      tpu.yield
    }) : () -> ()
    %add3A_22 = arith.constant 512 : i32
    %add3A_23 = arith.addi %mul3A_2, %add3A_22 : i32
    "tpu.region"() ({
      %run_scoped3A = tpu.sem_alloc : memref<!tpu.dma_semaphore, #tpu.memory_space<semaphore_mem>>
      %dma_start3A = arith.constant 0 : i32
      %dma_start3A_37 = tpu.memref_slice %arg8[%add3A_23, %dma_start3A] : memref<10240x128xf32, #tpu.memory_space<vmem_shared>> -> memref<128x128xf32, #tpu.memory_space<vmem_shared>>
      %dma_start3A_38 = arith.constant 0 : i32
      %dma_start3A_39 = tpu.memref_slice %arg8[%add3A_23, %dma_start3A_38] : memref<10240x128xf32, #tpu.memory_space<vmem_shared>> -> memref<128x128xf32, #tpu.memory_space<vmem_shared>>
      tpu.enqueue_dma source(%arg6 : memref<128x128xf32, #tpu.memory_space<vmem>>) target(%dma_start3A_39 : memref<128x128xf32, #tpu.memory_space<vmem_shared>>) target_semaphore(%run_scoped3A : memref<!tpu.dma_semaphore, #tpu.memory_space<semaphore_mem>>)
      %dma_wait3A = arith.constant 0 : i32
      %dma_wait3A_40 = tpu.memref_slice %arg8[%add3A_23, %dma_wait3A] : memref<10240x128xf32, #tpu.memory_space<vmem_shared>> -> memref<128x128xf32, #tpu.memory_space<vmem_shared>>
      %dma_wait3A_41 = arith.constant 0 : i32
      %dma_wait3A_42 = tpu.memref_slice %arg8[%add3A_23, %dma_wait3A_41] : memref<10240x128xf32, #tpu.memory_space<vmem_shared>> -> memref<128x128xf32, #tpu.memory_space<vmem_shared>>
      tpu.wait_dma2 semaphore(%run_scoped3A : memref<!tpu.dma_semaphore, #tpu.memory_space<semaphore_mem>>) src(%arg6 : memref<128x128xf32, #tpu.memory_space<vmem>>) dst(%dma_wait3A_42 : memref<128x128xf32, #tpu.memory_space<vmem_shared>>)
      tpu.yield
    }) : () -> ()
    %barrier3A = arith.constant 0 : index
    tpu.barrier barrier_id(%barrier3A)
    %eq3A = arith.constant 0 : i32
    %eq3A_24 = arith.cmpi eq, %arg0, %eq3A : i32
    %jit3A = arith.constant 37 : i32
    %jit3A_25 = arith.constant 3 : i32
    %select_n3A = arith.select %eq3A_24, %jit3A, %jit3A_25 : i32
    %while3A_26 = arith.constant 0 : i32
    %while3A_27 = arith.constant 0 : i32
    %while3A_28 = arith.subi %select_n3A, %while3A_27 : i32
    %while3A_29 = arith.addi %while3A_27, %while3A_28 : i32
    %while3A_30 = arith.constant 1 : i32
    %while3A_31 = arith.divsi %while3A_28, %while3A_30 : i32
    %while3A_32 = arith.muli %while3A_31, %while3A_30 : i32
    %while3A_33 = arith.addi %while3A_27, %while3A_32 : i32
    %while3A_34 = arith.constant 1 : i32
    scf.for %while3A_37 = %while3A_27 to %while3A_33 step %while3A_34  : i32 {
      "tpu.region"() ({
        %run_scoped3A = tpu.sem_alloc : memref<!tpu.dma_semaphore, #tpu.memory_space<semaphore_mem>>
        %dma_start3A_164 = arith.constant 0 : i32
        %dma_start3A_165 = arith.constant 0 : i32
        %dma_start3A_166 = arith.constant 0 : i32
        %dma_start3A_167 = tpu.memref_slice %arg3[%add3A, %while3A_37, %dma_start3A_164, %dma_start3A_165, %dma_start3A_166] : memref<32x37x2x4x128xi32, #tpu.memory_space<hbm>> -> memref<1x1x2x4x128xi32, #tpu.memory_space<hbm>>
        %dma_start3A_168 = tpu.memref_squeeze %dma_start3A_167 : memref<1x1x2x4x128xi32, #tpu.memory_space<hbm>> -> memref<2x4x128xi32, #tpu.memory_space<hbm>>
        %dma_start3A_169 = arith.constant 0 : i32
        %dma_start3A_170 = arith.constant 0 : i32
        %dma_start3A_171 = arith.constant 0 : i32
        %dma_start3A_172 = tpu.memref_slice %arg3[%add3A, %while3A_37, %dma_start3A_169, %dma_start3A_170, %dma_start3A_171] : memref<32x37x2x4x128xi32, #tpu.memory_space<hbm>> -> memref<1x1x2x4x128xi32, #tpu.memory_space<hbm>>
        %dma_start3A_173 = tpu.memref_squeeze %dma_start3A_172 : memref<1x1x2x4x128xi32, #tpu.memory_space<hbm>> -> memref<2x4x128xi32, #tpu.memory_space<hbm>>
        tpu.enqueue_dma source(%dma_start3A_173 : memref<2x4x128xi32, #tpu.memory_space<hbm>>) target(%arg5 : memref<2x4x128xi32, #tpu.memory_space<vmem>>) target_semaphore(%run_scoped3A : memref<!tpu.dma_semaphore, #tpu.memory_space<semaphore_mem>>)
        %dma_wait3A_174 = arith.constant 0 : i32
        %dma_wait3A_175 = arith.constant 0 : i32
        %dma_wait3A_176 = arith.constant 0 : i32
        %dma_wait3A_177 = tpu.memref_slice %arg3[%add3A, %while3A_37, %dma_wait3A_174, %dma_wait3A_175, %dma_wait3A_176] : memref<32x37x2x4x128xi32, #tpu.memory_space<hbm>> -> memref<1x1x2x4x128xi32, #tpu.memory_space<hbm>>
        %dma_wait3A_178 = tpu.memref_squeeze %dma_wait3A_177 : memref<1x1x2x4x128xi32, #tpu.memory_space<hbm>> -> memref<2x4x128xi32, #tpu.memory_space<hbm>>
        %dma_wait3A_179 = arith.constant 0 : i32
        %dma_wait3A_180 = arith.constant 0 : i32
        %dma_wait3A_181 = arith.constant 0 : i32
        %dma_wait3A_182 = tpu.memref_slice %arg3[%add3A, %while3A_37, %dma_wait3A_179, %dma_wait3A_180, %dma_wait3A_181] : memref<32x37x2x4x128xi32, #tpu.memory_space<hbm>> -> memref<1x1x2x4x128xi32, #tpu.memory_space<hbm>>
        %dma_wait3A_183 = tpu.memref_squeeze %dma_wait3A_182 : memref<1x1x2x4x128xi32, #tpu.memory_space<hbm>> -> memref<2x4x128xi32, #tpu.memory_space<hbm>>
        tpu.wait_dma2 semaphore(%run_scoped3A : memref<!tpu.dma_semaphore, #tpu.memory_space<semaphore_mem>>) src(%dma_wait3A_183 : memref<2x4x128xi32, #tpu.memory_space<hbm>>) dst(%arg5 : memref<2x4x128xi32, #tpu.memory_space<vmem>>)
        tpu.yield
      }) : () -> ()
      %dma_start3A = arith.constant 0 : i32
      %dma_start3A_38 = arith.constant 0 : i32
      %dma_start3A_39 = arith.constant 0 : i32
      %dma_start3A_40 = tpu.memref_slice %arg5[%dma_start3A, %dma_start3A_38, %dma_start3A_39] : memref<2x4x128xi32, #tpu.memory_space<vmem>> -> memref<1x1x128xi32, #tpu.memory_space<vmem>>
      %dma_start3A_41 = tpu.memref_squeeze %dma_start3A_40 : memref<1x1x128xi32, #tpu.memory_space<vmem>> -> memref<128xi32, #tpu.memory_space<vmem>>
      %dma_start3A_42 = arith.constant 0 : i32
      %dma_start3A_43 = arith.constant 0 : i32
      %dma_start3A_44 = tpu.memref_slice %arg2[%dma_start3A_42, %dma_start3A_43] : memref<10240x128xf32, #tpu.memory_space<hbm>> -> memref<10240x128xf32, #tpu.memory_space<hbm>>
      tpu.enqueue_indirect_dma source(%dma_start3A_44 : memref<10240x128xf32, #tpu.memory_space<hbm>>) target(%arg6 : memref<128x128xf32, #tpu.memory_space<vmem>>) offsets(%dma_start3A_41 : memref<128xi32, #tpu.memory_space<vmem>>) semaphore(%arg9 : memref<!tpu.dma_semaphore, #tpu.memory_space<semaphore_mem>>)
      %dma_start3A_45 = arith.constant 0 : i32
      %dma_start3A_46 = arith.constant 1 : i32
      %dma_start3A_47 = arith.constant 0 : i32
      %dma_start3A_48 = tpu.memref_slice %arg5[%dma_start3A_45, %dma_start3A_46, %dma_start3A_47] : memref<2x4x128xi32, #tpu.memory_space<vmem>> -> memref<1x1x128xi32, #tpu.memory_space<vmem>>
      %dma_start3A_49 = tpu.memref_squeeze %dma_start3A_48 : memref<1x1x128xi32, #tpu.memory_space<vmem>> -> memref<128xi32, #tpu.memory_space<vmem>>
      %dma_start3A_50 = arith.constant 0 : i32
      %dma_start3A_51 = arith.constant 0 : i32
      %dma_start3A_52 = tpu.memref_slice %arg2[%dma_start3A_50, %dma_start3A_51] : memref<10240x128xf32, #tpu.memory_space<hbm>> -> memref<10240x128xf32, #tpu.memory_space<hbm>>
      tpu.enqueue_indirect_dma source(%dma_start3A_52 : memref<10240x128xf32, #tpu.memory_space<hbm>>) target(%arg7 : memref<128x128xf32, #tpu.memory_space<vmem>>) offsets(%dma_start3A_49 : memref<128xi32, #tpu.memory_space<vmem>>) semaphore(%arg10 : memref<!tpu.dma_semaphore, #tpu.memory_space<semaphore_mem>>)
      %dma_wait3A = arith.constant 0 : i32
      %dma_wait3A_53 = arith.constant 0 : i32
      %dma_wait3A_54 = arith.constant 0 : i32
      %dma_wait3A_55 = tpu.memref_slice %arg5[%dma_wait3A, %dma_wait3A_53, %dma_wait3A_54] : memref<2x4x128xi32, #tpu.memory_space<vmem>> -> memref<1x1x128xi32, #tpu.memory_space<vmem>>
      %dma_wait3A_56 = tpu.memref_squeeze %dma_wait3A_55 : memref<1x1x128xi32, #tpu.memory_space<vmem>> -> memref<128xi32, #tpu.memory_space<vmem>>
      %dma_wait3A_57 = arith.constant 0 : i32
      %dma_wait3A_58 = arith.constant 0 : i32
      %dma_wait3A_59 = tpu.memref_slice %arg2[%dma_wait3A_57, %dma_wait3A_58] : memref<10240x128xf32, #tpu.memory_space<hbm>> -> memref<10240x128xf32, #tpu.memory_space<hbm>>
      tpu.wait_indirect_dma semaphore(%arg9 : memref<!tpu.dma_semaphore, #tpu.memory_space<semaphore_mem>>) src(%dma_wait3A_59 : memref<10240x128xf32, #tpu.memory_space<hbm>>) dst(%arg6 : memref<128x128xf32, #tpu.memory_space<vmem>>)
      %dma_start3A_60 = arith.constant 1 : i32
      %dma_start3A_61 = arith.constant 0 : i32
      %dma_start3A_62 = arith.constant 0 : i32
      %dma_start3A_63 = tpu.memref_slice %arg5[%dma_start3A_60, %dma_start3A_61, %dma_start3A_62] : memref<2x4x128xi32, #tpu.memory_space<vmem>> -> memref<1x1x128xi32, #tpu.memory_space<vmem>>
      %dma_start3A_64 = tpu.memref_squeeze %dma_start3A_63 : memref<1x1x128xi32, #tpu.memory_space<vmem>> -> memref<128xi32, #tpu.memory_space<vmem>>
      %dma_start3A_65 = arith.constant 0 : i32
      %dma_start3A_66 = arith.constant 0 : i32
      %dma_start3A_67 = tpu.memref_slice %arg8[%dma_start3A_65, %dma_start3A_66] : memref<10240x128xf32, #tpu.memory_space<vmem_shared>> -> memref<10240x128xf32, #tpu.memory_space<vmem_shared>>
      tpu.enqueue_indirect_dma source(%arg6 : memref<128x128xf32, #tpu.memory_space<vmem>>) target(%dma_start3A_67 : memref<10240x128xf32, #tpu.memory_space<vmem_shared>>) offsets(%dma_start3A_64 : memref<128xi32, #tpu.memory_space<vmem>>) semaphore(%arg11 : memref<!tpu.dma_semaphore, #tpu.memory_space<semaphore_mem>>) {add = true}
      %dma_wait3A_68 = arith.constant 0 : i32
      %dma_wait3A_69 = arith.constant 1 : i32
      %dma_wait3A_70 = arith.constant 0 : i32
      %dma_wait3A_71 = tpu.memref_slice %arg5[%dma_wait3A_68, %dma_wait3A_69, %dma_wait3A_70] : memref<2x4x128xi32, #tpu.memory_space<vmem>> -> memref<1x1x128xi32, #tpu.memory_space<vmem>>
      %dma_wait3A_72 = tpu.memref_squeeze %dma_wait3A_71 : memref<1x1x128xi32, #tpu.memory_space<vmem>> -> memref<128xi32, #tpu.memory_space<vmem>>
      %dma_wait3A_73 = arith.constant 0 : i32
      %dma_wait3A_74 = arith.constant 0 : i32
      %dma_wait3A_75 = tpu.memref_slice %arg2[%dma_wait3A_73, %dma_wait3A_74] : memref<10240x128xf32, #tpu.memory_space<hbm>> -> memref<10240x128xf32, #tpu.memory_space<hbm>>
      tpu.wait_indirect_dma semaphore(%arg10 : memref<!tpu.dma_semaphore, #tpu.memory_space<semaphore_mem>>) src(%dma_wait3A_75 : memref<10240x128xf32, #tpu.memory_space<hbm>>) dst(%arg7 : memref<128x128xf32, #tpu.memory_space<vmem>>)
      %dma_start3A_76 = arith.constant 1 : i32
      %dma_start3A_77 = arith.constant 1 : i32
      %dma_start3A_78 = arith.constant 0 : i32
      %dma_start3A_79 = tpu.memref_slice %arg5[%dma_start3A_76, %dma_start3A_77, %dma_start3A_78] : memref<2x4x128xi32, #tpu.memory_space<vmem>> -> memref<1x1x128xi32, #tpu.memory_space<vmem>>
      %dma_start3A_80 = tpu.memref_squeeze %dma_start3A_79 : memref<1x1x128xi32, #tpu.memory_space<vmem>> -> memref<128xi32, #tpu.memory_space<vmem>>
      %dma_start3A_81 = arith.constant 0 : i32
      %dma_start3A_82 = arith.constant 0 : i32
      %dma_start3A_83 = tpu.memref_slice %arg8[%dma_start3A_81, %dma_start3A_82] : memref<10240x128xf32, #tpu.memory_space<vmem_shared>> -> memref<10240x128xf32, #tpu.memory_space<vmem_shared>>
      tpu.enqueue_indirect_dma source(%arg7 : memref<128x128xf32, #tpu.memory_space<vmem>>) target(%dma_start3A_83 : memref<10240x128xf32, #tpu.memory_space<vmem_shared>>) offsets(%dma_start3A_80 : memref<128xi32, #tpu.memory_space<vmem>>) semaphore(%arg12 : memref<!tpu.dma_semaphore, #tpu.memory_space<semaphore_mem>>) {add = true}
      %dma_wait3A_84 = arith.constant 1 : i32
      %dma_wait3A_85 = arith.constant 0 : i32
      %dma_wait3A_86 = arith.constant 0 : i32
      %dma_wait3A_87 = tpu.memref_slice %arg5[%dma_wait3A_84, %dma_wait3A_85, %dma_wait3A_86] : memref<2x4x128xi32, #tpu.memory_space<vmem>> -> memref<1x1x128xi32, #tpu.memory_space<vmem>>
      %dma_wait3A_88 = tpu.memref_squeeze %dma_wait3A_87 : memref<1x1x128xi32, #tpu.memory_space<vmem>> -> memref<128xi32, #tpu.memory_space<vmem>>
      %dma_wait3A_89 = arith.constant 0 : i32
      %dma_wait3A_90 = arith.constant 0 : i32
      %dma_wait3A_91 = tpu.memref_slice %arg8[%dma_wait3A_89, %dma_wait3A_90] : memref<10240x128xf32, #tpu.memory_space<vmem_shared>> -> memref<10240x128xf32, #tpu.memory_space<vmem_shared>>
      tpu.wait_indirect_dma semaphore(%arg11 : memref<!tpu.dma_semaphore, #tpu.memory_space<semaphore_mem>>) src(%arg6 : memref<128x128xf32, #tpu.memory_space<vmem>>) dst(%dma_wait3A_91 : memref<10240x128xf32, #tpu.memory_space<vmem_shared>>)
      %dma_wait3A_92 = arith.constant 1 : i32
      %dma_wait3A_93 = arith.constant 1 : i32
      %dma_wait3A_94 = arith.constant 0 : i32
      %dma_wait3A_95 = tpu.memref_slice %arg5[%dma_wait3A_92, %dma_wait3A_93, %dma_wait3A_94] : memref<2x4x128xi32, #tpu.memory_space<vmem>> -> memref<1x1x128xi32, #tpu.memory_space<vmem>>
      %dma_wait3A_96 = tpu.memref_squeeze %dma_wait3A_95 : memref<1x1x128xi32, #tpu.memory_space<vmem>> -> memref<128xi32, #tpu.memory_space<vmem>>
      %dma_wait3A_97 = arith.constant 0 : i32
      %dma_wait3A_98 = arith.constant 0 : i32
      %dma_wait3A_99 = tpu.memref_slice %arg8[%dma_wait3A_97, %dma_wait3A_98] : memref<10240x128xf32, #tpu.memory_space<vmem_shared>> -> memref<10240x128xf32, #tpu.memory_space<vmem_shared>>
      tpu.wait_indirect_dma semaphore(%arg12 : memref<!tpu.dma_semaphore, #tpu.memory_space<semaphore_mem>>) src(%arg7 : memref<128x128xf32, #tpu.memory_space<vmem>>) dst(%dma_wait3A_99 : memref<10240x128xf32, #tpu.memory_space<vmem_shared>>)
      %dma_start3A_100 = arith.constant 0 : i32
      %dma_start3A_101 = arith.constant 2 : i32
      %dma_start3A_102 = arith.constant 0 : i32
      %dma_start3A_103 = tpu.memref_slice %arg5[%dma_start3A_100, %dma_start3A_101, %dma_start3A_102] : memref<2x4x128xi32, #tpu.memory_space<vmem>> -> memref<1x1x128xi32, #tpu.memory_space<vmem>>
      %dma_start3A_104 = tpu.memref_squeeze %dma_start3A_103 : memref<1x1x128xi32, #tpu.memory_space<vmem>> -> memref<128xi32, #tpu.memory_space<vmem>>
      %dma_start3A_105 = arith.constant 0 : i32
      %dma_start3A_106 = arith.constant 0 : i32
      %dma_start3A_107 = tpu.memref_slice %arg2[%dma_start3A_105, %dma_start3A_106] : memref<10240x128xf32, #tpu.memory_space<hbm>> -> memref<10240x128xf32, #tpu.memory_space<hbm>>
      tpu.enqueue_indirect_dma source(%dma_start3A_107 : memref<10240x128xf32, #tpu.memory_space<hbm>>) target(%arg6 : memref<128x128xf32, #tpu.memory_space<vmem>>) offsets(%dma_start3A_104 : memref<128xi32, #tpu.memory_space<vmem>>) semaphore(%arg9 : memref<!tpu.dma_semaphore, #tpu.memory_space<semaphore_mem>>)
      %dma_start3A_108 = arith.constant 0 : i32
      %dma_start3A_109 = arith.constant 3 : i32
      %dma_start3A_110 = arith.constant 0 : i32
      %dma_start3A_111 = tpu.memref_slice %arg5[%dma_start3A_108, %dma_start3A_109, %dma_start3A_110] : memref<2x4x128xi32, #tpu.memory_space<vmem>> -> memref<1x1x128xi32, #tpu.memory_space<vmem>>
      %dma_start3A_112 = tpu.memref_squeeze %dma_start3A_111 : memref<1x1x128xi32, #tpu.memory_space<vmem>> -> memref<128xi32, #tpu.memory_space<vmem>>
      %dma_start3A_113 = arith.constant 0 : i32
      %dma_start3A_114 = arith.constant 0 : i32
      %dma_start3A_115 = tpu.memref_slice %arg2[%dma_start3A_113, %dma_start3A_114] : memref<10240x128xf32, #tpu.memory_space<hbm>> -> memref<10240x128xf32, #tpu.memory_space<hbm>>
      tpu.enqueue_indirect_dma source(%dma_start3A_115 : memref<10240x128xf32, #tpu.memory_space<hbm>>) target(%arg7 : memref<128x128xf32, #tpu.memory_space<vmem>>) offsets(%dma_start3A_112 : memref<128xi32, #tpu.memory_space<vmem>>) semaphore(%arg10 : memref<!tpu.dma_semaphore, #tpu.memory_space<semaphore_mem>>)
      %dma_wait3A_116 = arith.constant 0 : i32
      %dma_wait3A_117 = arith.constant 2 : i32
      %dma_wait3A_118 = arith.constant 0 : i32
      %dma_wait3A_119 = tpu.memref_slice %arg5[%dma_wait3A_116, %dma_wait3A_117, %dma_wait3A_118] : memref<2x4x128xi32, #tpu.memory_space<vmem>> -> memref<1x1x128xi32, #tpu.memory_space<vmem>>
      %dma_wait3A_120 = tpu.memref_squeeze %dma_wait3A_119 : memref<1x1x128xi32, #tpu.memory_space<vmem>> -> memref<128xi32, #tpu.memory_space<vmem>>
      %dma_wait3A_121 = arith.constant 0 : i32
      %dma_wait3A_122 = arith.constant 0 : i32
      %dma_wait3A_123 = tpu.memref_slice %arg2[%dma_wait3A_121, %dma_wait3A_122] : memref<10240x128xf32, #tpu.memory_space<hbm>> -> memref<10240x128xf32, #tpu.memory_space<hbm>>
      tpu.wait_indirect_dma semaphore(%arg9 : memref<!tpu.dma_semaphore, #tpu.memory_space<semaphore_mem>>) src(%dma_wait3A_123 : memref<10240x128xf32, #tpu.memory_space<hbm>>) dst(%arg6 : memref<128x128xf32, #tpu.memory_space<vmem>>)
      %dma_start3A_124 = arith.constant 1 : i32
      %dma_start3A_125 = arith.constant 2 : i32
      %dma_start3A_126 = arith.constant 0 : i32
      %dma_start3A_127 = tpu.memref_slice %arg5[%dma_start3A_124, %dma_start3A_125, %dma_start3A_126] : memref<2x4x128xi32, #tpu.memory_space<vmem>> -> memref<1x1x128xi32, #tpu.memory_space<vmem>>
      %dma_start3A_128 = tpu.memref_squeeze %dma_start3A_127 : memref<1x1x128xi32, #tpu.memory_space<vmem>> -> memref<128xi32, #tpu.memory_space<vmem>>
      %dma_start3A_129 = arith.constant 0 : i32
      %dma_start3A_130 = arith.constant 0 : i32
      %dma_start3A_131 = tpu.memref_slice %arg8[%dma_start3A_129, %dma_start3A_130] : memref<10240x128xf32, #tpu.memory_space<vmem_shared>> -> memref<10240x128xf32, #tpu.memory_space<vmem_shared>>
      tpu.enqueue_indirect_dma source(%arg6 : memref<128x128xf32, #tpu.memory_space<vmem>>) target(%dma_start3A_131 : memref<10240x128xf32, #tpu.memory_space<vmem_shared>>) offsets(%dma_start3A_128 : memref<128xi32, #tpu.memory_space<vmem>>) semaphore(%arg11 : memref<!tpu.dma_semaphore, #tpu.memory_space<semaphore_mem>>) {add = true}
      %dma_wait3A_132 = arith.constant 0 : i32
      %dma_wait3A_133 = arith.constant 3 : i32
      %dma_wait3A_134 = arith.constant 0 : i32
      %dma_wait3A_135 = tpu.memref_slice %arg5[%dma_wait3A_132, %dma_wait3A_133, %dma_wait3A_134] : memref<2x4x128xi32, #tpu.memory_space<vmem>> -> memref<1x1x128xi32, #tpu.memory_space<vmem>>
      %dma_wait3A_136 = tpu.memref_squeeze %dma_wait3A_135 : memref<1x1x128xi32, #tpu.memory_space<vmem>> -> memref<128xi32, #tpu.memory_space<vmem>>
      %dma_wait3A_137 = arith.constant 0 : i32
      %dma_wait3A_138 = arith.constant 0 : i32
      %dma_wait3A_139 = tpu.memref_slice %arg2[%dma_wait3A_137, %dma_wait3A_138] : memref<10240x128xf32, #tpu.memory_space<hbm>> -> memref<10240x128xf32, #tpu.memory_space<hbm>>
      tpu.wait_indirect_dma semaphore(%arg10 : memref<!tpu.dma_semaphore, #tpu.memory_space<semaphore_mem>>) src(%dma_wait3A_139 : memref<10240x128xf32, #tpu.memory_space<hbm>>) dst(%arg7 : memref<128x128xf32, #tpu.memory_space<vmem>>)
      %dma_start3A_140 = arith.constant 1 : i32
      %dma_start3A_141 = arith.constant 3 : i32
      %dma_start3A_142 = arith.constant 0 : i32
      %dma_start3A_143 = tpu.memref_slice %arg5[%dma_start3A_140, %dma_start3A_141, %dma_start3A_142] : memref<2x4x128xi32, #tpu.memory_space<vmem>> -> memref<1x1x128xi32, #tpu.memory_space<vmem>>
      %dma_start3A_144 = tpu.memref_squeeze %dma_start3A_143 : memref<1x1x128xi32, #tpu.memory_space<vmem>> -> memref<128xi32, #tpu.memory_space<vmem>>
      %dma_start3A_145 = arith.constant 0 : i32
      %dma_start3A_146 = arith.constant 0 : i32
      %dma_start3A_147 = tpu.memref_slice %arg8[%dma_start3A_145, %dma_start3A_146] : memref<10240x128xf32, #tpu.memory_space<vmem_shared>> -> memref<10240x128xf32, #tpu.memory_space<vmem_shared>>
      tpu.enqueue_indirect_dma source(%arg7 : memref<128x128xf32, #tpu.memory_space<vmem>>) target(%dma_start3A_147 : memref<10240x128xf32, #tpu.memory_space<vmem_shared>>) offsets(%dma_start3A_144 : memref<128xi32, #tpu.memory_space<vmem>>) semaphore(%arg12 : memref<!tpu.dma_semaphore, #tpu.memory_space<semaphore_mem>>) {add = true}
      %dma_wait3A_148 = arith.constant 1 : i32
      %dma_wait3A_149 = arith.constant 2 : i32
      %dma_wait3A_150 = arith.constant 0 : i32
      %dma_wait3A_151 = tpu.memref_slice %arg5[%dma_wait3A_148, %dma_wait3A_149, %dma_wait3A_150] : memref<2x4x128xi32, #tpu.memory_space<vmem>> -> memref<1x1x128xi32, #tpu.memory_space<vmem>>
      %dma_wait3A_152 = tpu.memref_squeeze %dma_wait3A_151 : memref<1x1x128xi32, #tpu.memory_space<vmem>> -> memref<128xi32, #tpu.memory_space<vmem>>
      %dma_wait3A_153 = arith.constant 0 : i32
      %dma_wait3A_154 = arith.constant 0 : i32
      %dma_wait3A_155 = tpu.memref_slice %arg8[%dma_wait3A_153, %dma_wait3A_154] : memref<10240x128xf32, #tpu.memory_space<vmem_shared>> -> memref<10240x128xf32, #tpu.memory_space<vmem_shared>>
      tpu.wait_indirect_dma semaphore(%arg11 : memref<!tpu.dma_semaphore, #tpu.memory_space<semaphore_mem>>) src(%arg6 : memref<128x128xf32, #tpu.memory_space<vmem>>) dst(%dma_wait3A_155 : memref<10240x128xf32, #tpu.memory_space<vmem_shared>>)
      %dma_wait3A_156 = arith.constant 1 : i32
      %dma_wait3A_157 = arith.constant 3 : i32
      %dma_wait3A_158 = arith.constant 0 : i32
      %dma_wait3A_159 = tpu.memref_slice %arg5[%dma_wait3A_156, %dma_wait3A_157, %dma_wait3A_158] : memref<2x4x128xi32, #tpu.memory_space<vmem>> -> memref<1x1x128xi32, #tpu.memory_space<vmem>>
      %dma_wait3A_160 = tpu.memref_squeeze %dma_wait3A_159 : memref<1x1x128xi32, #tpu.memory_space<vmem>> -> memref<128xi32, #tpu.memory_space<vmem>>
      %dma_wait3A_161 = arith.constant 0 : i32
      %dma_wait3A_162 = arith.constant 0 : i32
      %dma_wait3A_163 = tpu.memref_slice %arg8[%dma_wait3A_161, %dma_wait3A_162] : memref<10240x128xf32, #tpu.memory_space<vmem_shared>> -> memref<10240x128xf32, #tpu.memory_space<vmem_shared>>
      tpu.wait_indirect_dma semaphore(%arg12 : memref<!tpu.dma_semaphore, #tpu.memory_space<semaphore_mem>>) src(%arg7 : memref<128x128xf32, #tpu.memory_space<vmem>>) dst(%dma_wait3A_163 : memref<10240x128xf32, #tpu.memory_space<vmem_shared>>)
    }
    %while3A_35 = arith.constant 1 : i32
    scf.for %while3A_37 = %while3A_33 to %while3A_29 step %while3A_35  : i32 {
      "tpu.region"() ({
        %run_scoped3A = tpu.sem_alloc : memref<!tpu.dma_semaphore, #tpu.memory_space<semaphore_mem>>
        %dma_start3A_164 = arith.constant 0 : i32
        %dma_start3A_165 = arith.constant 0 : i32
        %dma_start3A_166 = arith.constant 0 : i32
        %dma_start3A_167 = tpu.memref_slice %arg3[%add3A, %while3A_37, %dma_start3A_164, %dma_start3A_165, %dma_start3A_166] : memref<32x37x2x4x128xi32, #tpu.memory_space<hbm>> -> memref<1x1x2x4x128xi32, #tpu.memory_space<hbm>>
        %dma_start3A_168 = tpu.memref_squeeze %dma_start3A_167 : memref<1x1x2x4x128xi32, #tpu.memory_space<hbm>> -> memref<2x4x128xi32, #tpu.memory_space<hbm>>
        %dma_start3A_169 = arith.constant 0 : i32
        %dma_start3A_170 = arith.constant 0 : i32
        %dma_start3A_171 = arith.constant 0 : i32
        %dma_start3A_172 = tpu.memref_slice %arg3[%add3A, %while3A_37, %dma_start3A_169, %dma_start3A_170, %dma_start3A_171] : memref<32x37x2x4x128xi32, #tpu.memory_space<hbm>> -> memref<1x1x2x4x128xi32, #tpu.memory_space<hbm>>
        %dma_start3A_173 = tpu.memref_squeeze %dma_start3A_172 : memref<1x1x2x4x128xi32, #tpu.memory_space<hbm>> -> memref<2x4x128xi32, #tpu.memory_space<hbm>>
        tpu.enqueue_dma source(%dma_start3A_173 : memref<2x4x128xi32, #tpu.memory_space<hbm>>) target(%arg5 : memref<2x4x128xi32, #tpu.memory_space<vmem>>) target_semaphore(%run_scoped3A : memref<!tpu.dma_semaphore, #tpu.memory_space<semaphore_mem>>)
        %dma_wait3A_174 = arith.constant 0 : i32
        %dma_wait3A_175 = arith.constant 0 : i32
        %dma_wait3A_176 = arith.constant 0 : i32
        %dma_wait3A_177 = tpu.memref_slice %arg3[%add3A, %while3A_37, %dma_wait3A_174, %dma_wait3A_175, %dma_wait3A_176] : memref<32x37x2x4x128xi32, #tpu.memory_space<hbm>> -> memref<1x1x2x4x128xi32, #tpu.memory_space<hbm>>
        %dma_wait3A_178 = tpu.memref_squeeze %dma_wait3A_177 : memref<1x1x2x4x128xi32, #tpu.memory_space<hbm>> -> memref<2x4x128xi32, #tpu.memory_space<hbm>>
        %dma_wait3A_179 = arith.constant 0 : i32
        %dma_wait3A_180 = arith.constant 0 : i32
        %dma_wait3A_181 = arith.constant 0 : i32
        %dma_wait3A_182 = tpu.memref_slice %arg3[%add3A, %while3A_37, %dma_wait3A_179, %dma_wait3A_180, %dma_wait3A_181] : memref<32x37x2x4x128xi32, #tpu.memory_space<hbm>> -> memref<1x1x2x4x128xi32, #tpu.memory_space<hbm>>
        %dma_wait3A_183 = tpu.memref_squeeze %dma_wait3A_182 : memref<1x1x2x4x128xi32, #tpu.memory_space<hbm>> -> memref<2x4x128xi32, #tpu.memory_space<hbm>>
        tpu.wait_dma2 semaphore(%run_scoped3A : memref<!tpu.dma_semaphore, #tpu.memory_space<semaphore_mem>>) src(%dma_wait3A_183 : memref<2x4x128xi32, #tpu.memory_space<hbm>>) dst(%arg5 : memref<2x4x128xi32, #tpu.memory_space<vmem>>)
        tpu.yield
      }) : () -> ()
      %dma_start3A = arith.constant 0 : i32
      %dma_start3A_38 = arith.constant 0 : i32
      %dma_start3A_39 = arith.constant 0 : i32
      %dma_start3A_40 = tpu.memref_slice %arg5[%dma_start3A, %dma_start3A_38, %dma_start3A_39] : memref<2x4x128xi32, #tpu.memory_space<vmem>> -> memref<1x1x128xi32, #tpu.memory_space<vmem>>
      %dma_start3A_41 = tpu.memref_squeeze %dma_start3A_40 : memref<1x1x128xi32, #tpu.memory_space<vmem>> -> memref<128xi32, #tpu.memory_space<vmem>>
      %dma_start3A_42 = arith.constant 0 : i32
      %dma_start3A_43 = arith.constant 0 : i32
      %dma_start3A_44 = tpu.memref_slice %arg2[%dma_start3A_42, %dma_start3A_43] : memref<10240x128xf32, #tpu.memory_space<hbm>> -> memref<10240x128xf32, #tpu.memory_space<hbm>>
      tpu.enqueue_indirect_dma source(%dma_start3A_44 : memref<10240x128xf32, #tpu.memory_space<hbm>>) target(%arg6 : memref<128x128xf32, #tpu.memory_space<vmem>>) offsets(%dma_start3A_41 : memref<128xi32, #tpu.memory_space<vmem>>) semaphore(%arg9 : memref<!tpu.dma_semaphore, #tpu.memory_space<semaphore_mem>>)
      %dma_start3A_45 = arith.constant 0 : i32
      %dma_start3A_46 = arith.constant 1 : i32
      %dma_start3A_47 = arith.constant 0 : i32
      %dma_start3A_48 = tpu.memref_slice %arg5[%dma_start3A_45, %dma_start3A_46, %dma_start3A_47] : memref<2x4x128xi32, #tpu.memory_space<vmem>> -> memref<1x1x128xi32, #tpu.memory_space<vmem>>
      %dma_start3A_49 = tpu.memref_squeeze %dma_start3A_48 : memref<1x1x128xi32, #tpu.memory_space<vmem>> -> memref<128xi32, #tpu.memory_space<vmem>>
      %dma_start3A_50 = arith.constant 0 : i32
      %dma_start3A_51 = arith.constant 0 : i32
      %dma_start3A_52 = tpu.memref_slice %arg2[%dma_start3A_50, %dma_start3A_51] : memref<10240x128xf32, #tpu.memory_space<hbm>> -> memref<10240x128xf32, #tpu.memory_space<hbm>>
      tpu.enqueue_indirect_dma source(%dma_start3A_52 : memref<10240x128xf32, #tpu.memory_space<hbm>>) target(%arg7 : memref<128x128xf32, #tpu.memory_space<vmem>>) offsets(%dma_start3A_49 : memref<128xi32, #tpu.memory_space<vmem>>) semaphore(%arg10 : memref<!tpu.dma_semaphore, #tpu.memory_space<semaphore_mem>>)
      %dma_wait3A = arith.constant 0 : i32
      %dma_wait3A_53 = arith.constant 0 : i32
      %dma_wait3A_54 = arith.constant 0 : i32
      %dma_wait3A_55 = tpu.memref_slice %arg5[%dma_wait3A, %dma_wait3A_53, %dma_wait3A_54] : memref<2x4x128xi32, #tpu.memory_space<vmem>> -> memref<1x1x128xi32, #tpu.memory_space<vmem>>
      %dma_wait3A_56 = tpu.memref_squeeze %dma_wait3A_55 : memref<1x1x128xi32, #tpu.memory_space<vmem>> -> memref<128xi32, #tpu.memory_space<vmem>>
      %dma_wait3A_57 = arith.constant 0 : i32
      %dma_wait3A_58 = arith.constant 0 : i32
      %dma_wait3A_59 = tpu.memref_slice %arg2[%dma_wait3A_57, %dma_wait3A_58] : memref<10240x128xf32, #tpu.memory_space<hbm>> -> memref<10240x128xf32, #tpu.memory_space<hbm>>
      tpu.wait_indirect_dma semaphore(%arg9 : memref<!tpu.dma_semaphore, #tpu.memory_space<semaphore_mem>>) src(%dma_wait3A_59 : memref<10240x128xf32, #tpu.memory_space<hbm>>) dst(%arg6 : memref<128x128xf32, #tpu.memory_space<vmem>>)
      %dma_start3A_60 = arith.constant 1 : i32
      %dma_start3A_61 = arith.constant 0 : i32
      %dma_start3A_62 = arith.constant 0 : i32
      %dma_start3A_63 = tpu.memref_slice %arg5[%dma_start3A_60, %dma_start3A_61, %dma_start3A_62] : memref<2x4x128xi32, #tpu.memory_space<vmem>> -> memref<1x1x128xi32, #tpu.memory_space<vmem>>
      %dma_start3A_64 = tpu.memref_squeeze %dma_start3A_63 : memref<1x1x128xi32, #tpu.memory_space<vmem>> -> memref<128xi32, #tpu.memory_space<vmem>>
      %dma_start3A_65 = arith.constant 0 : i32
      %dma_start3A_66 = arith.constant 0 : i32
      %dma_start3A_67 = tpu.memref_slice %arg8[%dma_start3A_65, %dma_start3A_66] : memref<10240x128xf32, #tpu.memory_space<vmem_shared>> -> memref<10240x128xf32, #tpu.memory_space<vmem_shared>>
      tpu.enqueue_indirect_dma source(%arg6 : memref<128x128xf32, #tpu.memory_space<vmem>>) target(%dma_start3A_67 : memref<10240x128xf32, #tpu.memory_space<vmem_shared>>) offsets(%dma_start3A_64 : memref<128xi32, #tpu.memory_space<vmem>>) semaphore(%arg11 : memref<!tpu.dma_semaphore, #tpu.memory_space<semaphore_mem>>) {add = true}
      %dma_wait3A_68 = arith.constant 0 : i32
      %dma_wait3A_69 = arith.constant 1 : i32
      %dma_wait3A_70 = arith.constant 0 : i32
      %dma_wait3A_71 = tpu.memref_slice %arg5[%dma_wait3A_68, %dma_wait3A_69, %dma_wait3A_70] : memref<2x4x128xi32, #tpu.memory_space<vmem>> -> memref<1x1x128xi32, #tpu.memory_space<vmem>>
      %dma_wait3A_72 = tpu.memref_squeeze %dma_wait3A_71 : memref<1x1x128xi32, #tpu.memory_space<vmem>> -> memref<128xi32, #tpu.memory_space<vmem>>
      %dma_wait3A_73 = arith.constant 0 : i32
      %dma_wait3A_74 = arith.constant 0 : i32
      %dma_wait3A_75 = tpu.memref_slice %arg2[%dma_wait3A_73, %dma_wait3A_74] : memref<10240x128xf32, #tpu.memory_space<hbm>> -> memref<10240x128xf32, #tpu.memory_space<hbm>>
      tpu.wait_indirect_dma semaphore(%arg10 : memref<!tpu.dma_semaphore, #tpu.memory_space<semaphore_mem>>) src(%dma_wait3A_75 : memref<10240x128xf32, #tpu.memory_space<hbm>>) dst(%arg7 : memref<128x128xf32, #tpu.memory_space<vmem>>)
      %dma_start3A_76 = arith.constant 1 : i32
      %dma_start3A_77 = arith.constant 1 : i32
      %dma_start3A_78 = arith.constant 0 : i32
      %dma_start3A_79 = tpu.memref_slice %arg5[%dma_start3A_76, %dma_start3A_77, %dma_start3A_78] : memref<2x4x128xi32, #tpu.memory_space<vmem>> -> memref<1x1x128xi32, #tpu.memory_space<vmem>>
      %dma_start3A_80 = tpu.memref_squeeze %dma_start3A_79 : memref<1x1x128xi32, #tpu.memory_space<vmem>> -> memref<128xi32, #tpu.memory_space<vmem>>
      %dma_start3A_81 = arith.constant 0 : i32
      %dma_start3A_82 = arith.constant 0 : i32
      %dma_start3A_83 = tpu.memref_slice %arg8[%dma_start3A_81, %dma_start3A_82] : memref<10240x128xf32, #tpu.memory_space<vmem_shared>> -> memref<10240x128xf32, #tpu.memory_space<vmem_shared>>
      tpu.enqueue_indirect_dma source(%arg7 : memref<128x128xf32, #tpu.memory_space<vmem>>) target(%dma_start3A_83 : memref<10240x128xf32, #tpu.memory_space<vmem_shared>>) offsets(%dma_start3A_80 : memref<128xi32, #tpu.memory_space<vmem>>) semaphore(%arg12 : memref<!tpu.dma_semaphore, #tpu.memory_space<semaphore_mem>>) {add = true}
      %dma_wait3A_84 = arith.constant 1 : i32
      %dma_wait3A_85 = arith.constant 0 : i32
      %dma_wait3A_86 = arith.constant 0 : i32
      %dma_wait3A_87 = tpu.memref_slice %arg5[%dma_wait3A_84, %dma_wait3A_85, %dma_wait3A_86] : memref<2x4x128xi32, #tpu.memory_space<vmem>> -> memref<1x1x128xi32, #tpu.memory_space<vmem>>
      %dma_wait3A_88 = tpu.memref_squeeze %dma_wait3A_87 : memref<1x1x128xi32, #tpu.memory_space<vmem>> -> memref<128xi32, #tpu.memory_space<vmem>>
      %dma_wait3A_89 = arith.constant 0 : i32
      %dma_wait3A_90 = arith.constant 0 : i32
      %dma_wait3A_91 = tpu.memref_slice %arg8[%dma_wait3A_89, %dma_wait3A_90] : memref<10240x128xf32, #tpu.memory_space<vmem_shared>> -> memref<10240x128xf32, #tpu.memory_space<vmem_shared>>
      tpu.wait_indirect_dma semaphore(%arg11 : memref<!tpu.dma_semaphore, #tpu.memory_space<semaphore_mem>>) src(%arg6 : memref<128x128xf32, #tpu.memory_space<vmem>>) dst(%dma_wait3A_91 : memref<10240x128xf32, #tpu.memory_space<vmem_shared>>)
      %dma_wait3A_92 = arith.constant 1 : i32
      %dma_wait3A_93 = arith.constant 1 : i32
      %dma_wait3A_94 = arith.constant 0 : i32
      %dma_wait3A_95 = tpu.memref_slice %arg5[%dma_wait3A_92, %dma_wait3A_93, %dma_wait3A_94] : memref<2x4x128xi32, #tpu.memory_space<vmem>> -> memref<1x1x128xi32, #tpu.memory_space<vmem>>
      %dma_wait3A_96 = tpu.memref_squeeze %dma_wait3A_95 : memref<1x1x128xi32, #tpu.memory_space<vmem>> -> memref<128xi32, #tpu.memory_space<vmem>>
      %dma_wait3A_97 = arith.constant 0 : i32
      %dma_wait3A_98 = arith.constant 0 : i32
      %dma_wait3A_99 = tpu.memref_slice %arg8[%dma_wait3A_97, %dma_wait3A_98] : memref<10240x128xf32, #tpu.memory_space<vmem_shared>> -> memref<10240x128xf32, #tpu.memory_space<vmem_shared>>
      tpu.wait_indirect_dma semaphore(%arg12 : memref<!tpu.dma_semaphore, #tpu.memory_space<semaphore_mem>>) src(%arg7 : memref<128x128xf32, #tpu.memory_space<vmem>>) dst(%dma_wait3A_99 : memref<10240x128xf32, #tpu.memory_space<vmem_shared>>)
      %dma_start3A_100 = arith.constant 0 : i32
      %dma_start3A_101 = arith.constant 2 : i32
      %dma_start3A_102 = arith.constant 0 : i32
      %dma_start3A_103 = tpu.memref_slice %arg5[%dma_start3A_100, %dma_start3A_101, %dma_start3A_102] : memref<2x4x128xi32, #tpu.memory_space<vmem>> -> memref<1x1x128xi32, #tpu.memory_space<vmem>>
      %dma_start3A_104 = tpu.memref_squeeze %dma_start3A_103 : memref<1x1x128xi32, #tpu.memory_space<vmem>> -> memref<128xi32, #tpu.memory_space<vmem>>
      %dma_start3A_105 = arith.constant 0 : i32
      %dma_start3A_106 = arith.constant 0 : i32
      %dma_start3A_107 = tpu.memref_slice %arg2[%dma_start3A_105, %dma_start3A_106] : memref<10240x128xf32, #tpu.memory_space<hbm>> -> memref<10240x128xf32, #tpu.memory_space<hbm>>
      tpu.enqueue_indirect_dma source(%dma_start3A_107 : memref<10240x128xf32, #tpu.memory_space<hbm>>) target(%arg6 : memref<128x128xf32, #tpu.memory_space<vmem>>) offsets(%dma_start3A_104 : memref<128xi32, #tpu.memory_space<vmem>>) semaphore(%arg9 : memref<!tpu.dma_semaphore, #tpu.memory_space<semaphore_mem>>)
      %dma_start3A_108 = arith.constant 0 : i32
      %dma_start3A_109 = arith.constant 3 : i32
      %dma_start3A_110 = arith.constant 0 : i32
      %dma_start3A_111 = tpu.memref_slice %arg5[%dma_start3A_108, %dma_start3A_109, %dma_start3A_110] : memref<2x4x128xi32, #tpu.memory_space<vmem>> -> memref<1x1x128xi32, #tpu.memory_space<vmem>>
      %dma_start3A_112 = tpu.memref_squeeze %dma_start3A_111 : memref<1x1x128xi32, #tpu.memory_space<vmem>> -> memref<128xi32, #tpu.memory_space<vmem>>
      %dma_start3A_113 = arith.constant 0 : i32
      %dma_start3A_114 = arith.constant 0 : i32
      %dma_start3A_115 = tpu.memref_slice %arg2[%dma_start3A_113, %dma_start3A_114] : memref<10240x128xf32, #tpu.memory_space<hbm>> -> memref<10240x128xf32, #tpu.memory_space<hbm>>
      tpu.enqueue_indirect_dma source(%dma_start3A_115 : memref<10240x128xf32, #tpu.memory_space<hbm>>) target(%arg7 : memref<128x128xf32, #tpu.memory_space<vmem>>) offsets(%dma_start3A_112 : memref<128xi32, #tpu.memory_space<vmem>>) semaphore(%arg10 : memref<!tpu.dma_semaphore, #tpu.memory_space<semaphore_mem>>)
      %dma_wait3A_116 = arith.constant 0 : i32
      %dma_wait3A_117 = arith.constant 2 : i32
      %dma_wait3A_118 = arith.constant 0 : i32
      %dma_wait3A_119 = tpu.memref_slice %arg5[%dma_wait3A_116, %dma_wait3A_117, %dma_wait3A_118] : memref<2x4x128xi32, #tpu.memory_space<vmem>> -> memref<1x1x128xi32, #tpu.memory_space<vmem>>
      %dma_wait3A_120 = tpu.memref_squeeze %dma_wait3A_119 : memref<1x1x128xi32, #tpu.memory_space<vmem>> -> memref<128xi32, #tpu.memory_space<vmem>>
      %dma_wait3A_121 = arith.constant 0 : i32
      %dma_wait3A_122 = arith.constant 0 : i32
      %dma_wait3A_123 = tpu.memref_slice %arg2[%dma_wait3A_121, %dma_wait3A_122] : memref<10240x128xf32, #tpu.memory_space<hbm>> -> memref<10240x128xf32, #tpu.memory_space<hbm>>
      tpu.wait_indirect_dma semaphore(%arg9 : memref<!tpu.dma_semaphore, #tpu.memory_space<semaphore_mem>>) src(%dma_wait3A_123 : memref<10240x128xf32, #tpu.memory_space<hbm>>) dst(%arg6 : memref<128x128xf32, #tpu.memory_space<vmem>>)
      %dma_start3A_124 = arith.constant 1 : i32
      %dma_start3A_125 = arith.constant 2 : i32
      %dma_start3A_126 = arith.constant 0 : i32
      %dma_start3A_127 = tpu.memref_slice %arg5[%dma_start3A_124, %dma_start3A_125, %dma_start3A_126] : memref<2x4x128xi32, #tpu.memory_space<vmem>> -> memref<1x1x128xi32, #tpu.memory_space<vmem>>
      %dma_start3A_128 = tpu.memref_squeeze %dma_start3A_127 : memref<1x1x128xi32, #tpu.memory_space<vmem>> -> memref<128xi32, #tpu.memory_space<vmem>>
      %dma_start3A_129 = arith.constant 0 : i32
      %dma_start3A_130 = arith.constant 0 : i32
      %dma_start3A_131 = tpu.memref_slice %arg8[%dma_start3A_129, %dma_start3A_130] : memref<10240x128xf32, #tpu.memory_space<vmem_shared>> -> memref<10240x128xf32, #tpu.memory_space<vmem_shared>>
      tpu.enqueue_indirect_dma source(%arg6 : memref<128x128xf32, #tpu.memory_space<vmem>>) target(%dma_start3A_131 : memref<10240x128xf32, #tpu.memory_space<vmem_shared>>) offsets(%dma_start3A_128 : memref<128xi32, #tpu.memory_space<vmem>>) semaphore(%arg11 : memref<!tpu.dma_semaphore, #tpu.memory_space<semaphore_mem>>) {add = true}
      %dma_wait3A_132 = arith.constant 0 : i32
      %dma_wait3A_133 = arith.constant 3 : i32
      %dma_wait3A_134 = arith.constant 0 : i32
      %dma_wait3A_135 = tpu.memref_slice %arg5[%dma_wait3A_132, %dma_wait3A_133, %dma_wait3A_134] : memref<2x4x128xi32, #tpu.memory_space<vmem>> -> memref<1x1x128xi32, #tpu.memory_space<vmem>>
      %dma_wait3A_136 = tpu.memref_squeeze %dma_wait3A_135 : memref<1x1x128xi32, #tpu.memory_space<vmem>> -> memref<128xi32, #tpu.memory_space<vmem>>
      %dma_wait3A_137 = arith.constant 0 : i32
      %dma_wait3A_138 = arith.constant 0 : i32
      %dma_wait3A_139 = tpu.memref_slice %arg2[%dma_wait3A_137, %dma_wait3A_138] : memref<10240x128xf32, #tpu.memory_space<hbm>> -> memref<10240x128xf32, #tpu.memory_space<hbm>>
      tpu.wait_indirect_dma semaphore(%arg10 : memref<!tpu.dma_semaphore, #tpu.memory_space<semaphore_mem>>) src(%dma_wait3A_139 : memref<10240x128xf32, #tpu.memory_space<hbm>>) dst(%arg7 : memref<128x128xf32, #tpu.memory_space<vmem>>)
      %dma_start3A_140 = arith.constant 1 : i32
      %dma_start3A_141 = arith.constant 3 : i32
      %dma_start3A_142 = arith.constant 0 : i32
      %dma_start3A_143 = tpu.memref_slice %arg5[%dma_start3A_140, %dma_start3A_141, %dma_start3A_142] : memref<2x4x128xi32, #tpu.memory_space<vmem>> -> memref<1x1x128xi32, #tpu.memory_space<vmem>>
      %dma_start3A_144 = tpu.memref_squeeze %dma_start3A_143 : memref<1x1x128xi32, #tpu.memory_space<vmem>> -> memref<128xi32, #tpu.memory_space<vmem>>
      %dma_start3A_145 = arith.constant 0 : i32
      %dma_start3A_146 = arith.constant 0 : i32
      %dma_start3A_147 = tpu.memref_slice %arg8[%dma_start3A_145, %dma_start3A_146] : memref<10240x128xf32, #tpu.memory_space<vmem_shared>> -> memref<10240x128xf32, #tpu.memory_space<vmem_shared>>
      tpu.enqueue_indirect_dma source(%arg7 : memref<128x128xf32, #tpu.memory_space<vmem>>) target(%dma_start3A_147 : memref<10240x128xf32, #tpu.memory_space<vmem_shared>>) offsets(%dma_start3A_144 : memref<128xi32, #tpu.memory_space<vmem>>) semaphore(%arg12 : memref<!tpu.dma_semaphore, #tpu.memory_space<semaphore_mem>>) {add = true}
      %dma_wait3A_148 = arith.constant 1 : i32
      %dma_wait3A_149 = arith.constant 2 : i32
      %dma_wait3A_150 = arith.constant 0 : i32
      %dma_wait3A_151 = tpu.memref_slice %arg5[%dma_wait3A_148, %dma_wait3A_149, %dma_wait3A_150] : memref<2x4x128xi32, #tpu.memory_space<vmem>> -> memref<1x1x128xi32, #tpu.memory_space<vmem>>
      %dma_wait3A_152 = tpu.memref_squeeze %dma_wait3A_151 : memref<1x1x128xi32, #tpu.memory_space<vmem>> -> memref<128xi32, #tpu.memory_space<vmem>>
      %dma_wait3A_153 = arith.constant 0 : i32
      %dma_wait3A_154 = arith.constant 0 : i32
      %dma_wait3A_155 = tpu.memref_slice %arg8[%dma_wait3A_153, %dma_wait3A_154] : memref<10240x128xf32, #tpu.memory_space<vmem_shared>> -> memref<10240x128xf32, #tpu.memory_space<vmem_shared>>
      tpu.wait_indirect_dma semaphore(%arg11 : memref<!tpu.dma_semaphore, #tpu.memory_space<semaphore_mem>>) src(%arg6 : memref<128x128xf32, #tpu.memory_space<vmem>>) dst(%dma_wait3A_155 : memref<10240x128xf32, #tpu.memory_space<vmem_shared>>)
      %dma_wait3A_156 = arith.constant 1 : i32
      %dma_wait3A_157 = arith.constant 3 : i32
      %dma_wait3A_158 = arith.constant 0 : i32
      %dma_wait3A_159 = tpu.memref_slice %arg5[%dma_wait3A_156, %dma_wait3A_157, %dma_wait3A_158] : memref<2x4x128xi32, #tpu.memory_space<vmem>> -> memref<1x1x128xi32, #tpu.memory_space<vmem>>
      %dma_wait3A_160 = tpu.memref_squeeze %dma_wait3A_159 : memref<1x1x128xi32, #tpu.memory_space<vmem>> -> memref<128xi32, #tpu.memory_space<vmem>>
      %dma_wait3A_161 = arith.constant 0 : i32
      %dma_wait3A_162 = arith.constant 0 : i32
      %dma_wait3A_163 = tpu.memref_slice %arg8[%dma_wait3A_161, %dma_wait3A_162] : memref<10240x128xf32, #tpu.memory_space<vmem_shared>> -> memref<10240x128xf32, #tpu.memory_space<vmem_shared>>
      tpu.wait_indirect_dma semaphore(%arg12 : memref<!tpu.dma_semaphore, #tpu.memory_space<semaphore_mem>>) src(%arg7 : memref<128x128xf32, #tpu.memory_space<vmem>>) dst(%dma_wait3A_163 : memref<10240x128xf32, #tpu.memory_space<vmem_shared>>)
    }
    %barrier3A_36 = arith.constant 0 : index
    tpu.barrier barrier_id(%barrier3A_36)
    "tpu.region"() ({
      %run_scoped3A = tpu.sem_alloc : memref<!tpu.dma_semaphore, #tpu.memory_space<semaphore_mem>>
      %dma_start3A = arith.constant 0 : i32
      %dma_start3A_37 = tpu.memref_slice %arg4[%arg0, %mul3A_2, %dma_start3A] : memref<2x10240x128xf32, #tpu.memory_space<hbm>> -> memref<1x640x128xf32, #tpu.memory_space<hbm>>
      %dma_start3A_38 = tpu.memref_squeeze %dma_start3A_37 : memref<1x640x128xf32, #tpu.memory_space<hbm>> -> memref<640x128xf32, #tpu.memory_space<hbm>>
      %dma_start3A_39 = arith.constant 0 : i32
      %dma_start3A_40 = tpu.memref_slice %arg8[%mul3A_2, %dma_start3A_39] : memref<10240x128xf32, #tpu.memory_space<vmem_shared>> -> memref<640x128xf32, #tpu.memory_space<vmem_shared>>
      tpu.enqueue_dma source(%dma_start3A_40 : memref<640x128xf32, #tpu.memory_space<vmem_shared>>) target(%dma_start3A_38 : memref<640x128xf32, #tpu.memory_space<hbm>>) target_semaphore(%run_scoped3A : memref<!tpu.dma_semaphore, #tpu.memory_space<semaphore_mem>>)
      %dma_wait3A = arith.constant 0 : i32
      %dma_wait3A_41 = tpu.memref_slice %arg4[%arg0, %mul3A_2, %dma_wait3A] : memref<2x10240x128xf32, #tpu.memory_space<hbm>> -> memref<1x640x128xf32, #tpu.memory_space<hbm>>
      %dma_wait3A_42 = tpu.memref_squeeze %dma_wait3A_41 : memref<1x640x128xf32, #tpu.memory_space<hbm>> -> memref<640x128xf32, #tpu.memory_space<hbm>>
      %dma_wait3A_43 = arith.constant 0 : i32
      %dma_wait3A_44 = tpu.memref_slice %arg8[%mul3A_2, %dma_wait3A_43] : memref<10240x128xf32, #tpu.memory_space<vmem_shared>> -> memref<640x128xf32, #tpu.memory_space<vmem_shared>>
      tpu.wait_dma2 semaphore(%run_scoped3A : memref<!tpu.dma_semaphore, #tpu.memory_space<semaphore_mem>>) src(%dma_wait3A_44 : memref<640x128xf32, #tpu.memory_space<vmem_shared>>) dst(%dma_wait3A_42 : memref<640x128xf32, #tpu.memory_space<hbm>>)
      tpu.yield
    }) : () -> ()
    return
  }
}

module attributes {stable_mosaic.version = 14 : i64} {
  func.func @body(%arg0: i32, %arg1: memref<1280x128xf32, #tpu.memory_space<vmem>>, %arg2: memref<128x128xf32, #tpu.memory_space<vmem>>, %arg3: memref<2x1280x128xf32, #tpu.memory_space<vmem>>, %arg4: memref<1280x128xf32, #tpu.memory_space<vmem>>, %arg5: memref<1280x128xf32, #tpu.memory_space<vmem>>, %arg6: memref<1280x128xf32, #tpu.memory_space<vmem>>) attributes {dimension_semantics = [#tpu.dimension_semantics<arbitrary>], iteration_bounds = array<i64: 8>, scalar_prefetch = 0 : i64, scratch_operands = 0 : i64, tpu.core_type = #tpu.core_type<tc>, window_params = [{transform_indices = @transform_0, window_bounds = array<i64: 1280, 128>}, {pipeline_mode = #tpu.pipeline_mode<synchronous>, transform_indices = @transform_1, window_bounds = array<i64: 128, 128>}, {transform_indices = @transform_2, window_bounds = array<i64: 2, 1280, 128>}, {transform_indices = @transform_3, window_bounds = array<i64: 1280, 128>}, {transform_indices = @transform_4, window_bounds = array<i64: 1280, 128>}, {transform_indices = @transform_5, window_bounds = array<i64: 1280, 128>}]} {
    %get3A = arith.constant 0 : index
    %get3A_0 = arith.constant 0 : index
    %get3A_1 = arith.constant 0 : index
    %get3A_2 = vector.load %arg3[%get3A, %get3A_0, %get3A_1] : memref<2x1280x128xf32, #tpu.memory_space<vmem>>, vector<1x1280x1xf32>
    %get3A_3 = vector.shape_cast %get3A_2 : vector<1x1280x1xf32> to vector<1280x1xf32>
    %get3A_4 = arith.constant 1 : index
    %get3A_5 = arith.constant 0 : index
    %get3A_6 = arith.constant 0 : index
    %get3A_7 = vector.load %arg3[%get3A_4, %get3A_5, %get3A_6] : memref<2x1280x128xf32, #tpu.memory_space<vmem>>, vector<1x1280x1xf32>
    %get3A_8 = vector.shape_cast %get3A_7 : vector<1x1280x1xf32> to vector<1280x1xf32>
    %add3A = arith.addf %get3A_3, %get3A_8 : vector<1280x1xf32>
    %add3A_9 = arith.constant 1.000000e+00 : f32
    %add3A_10 = vector.broadcast %add3A_9 : f32 to vector<1280x1xf32>
    %add3A_11 = arith.addf %add3A, %add3A_10 : vector<1280x1xf32>
    %rsqrt3A = math.rsqrt %add3A_11 : vector<1280x1xf32>
    %broadcast_in_dim3A = vector.shape_cast %rsqrt3A : vector<1280x1xf32> to vector<1280x1xf32>
    %broadcast_in_dim3A_12 = vector.broadcast %broadcast_in_dim3A : vector<1280x1xf32> to vector<1280x128xf32>
    %get3A_13 = arith.constant 0 : index
    %get3A_14 = arith.constant 0 : index
    %get3A_15 = vector.load %arg1[%get3A_13, %get3A_14] : memref<1280x128xf32, #tpu.memory_space<vmem>>, vector<1280x128xf32>
    %get3A_16 = arith.constant 0 : index
    %get3A_17 = arith.constant 0 : index
    %get3A_18 = vector.load %arg2[%get3A_16, %get3A_17] : memref<128x128xf32, #tpu.memory_space<vmem>>, vector<128x128xf32>
    %dot_general3A = arith.constant dense<0.000000e+00> : vector<1280x128xf32>
    %dot_general3A_19 = tpu.matmul %get3A_15, %get3A_18, %dot_general3A {dimension_numbers = #tpu.dot_dimension_numbers<[1], [0], [0], [1], [0, 0, 1, 1], [], []>, transpose_lhs_hint = false} : vector<1280x128xf32>, vector<128x128xf32>, vector<1280x128xf32> -> vector<1280x128xf32>
    %swap3A = arith.constant 0 : index
    %swap3A_20 = arith.constant 0 : index
    %swap3A_21 = vector.load %arg5[%swap3A, %swap3A_20] : memref<1280x128xf32, #tpu.memory_space<vmem>>, vector<1280x128xf32>
    tpu.vector_store %arg5[%swap3A, %swap3A_20], %dot_general3A_19 {strides = array<i32>} : memref<1280x128xf32, #tpu.memory_space<vmem>>, vector<1280x128xf32>,
    %swap3A_22 = arith.constant 0 : index
    %swap3A_23 = arith.constant 0 : index
    %swap3A_24 = vector.load %arg6[%swap3A_22, %swap3A_23] : memref<1280x128xf32, #tpu.memory_space<vmem>>, vector<1280x128xf32>
    tpu.vector_store %arg6[%swap3A_22, %swap3A_23], %broadcast_in_dim3A_12 {strides = array<i32>} : memref<1280x128xf32, #tpu.memory_space<vmem>>, vector<1280x128xf32>,
    %mul3A = arith.mulf %broadcast_in_dim3A_12, %dot_general3A_19 : vector<1280x128xf32>
    %swap3A_25 = arith.constant 0 : index
    %swap3A_26 = arith.constant 0 : index
    %swap3A_27 = vector.load %arg4[%swap3A_25, %swap3A_26] : memref<1280x128xf32, #tpu.memory_space<vmem>>, vector<1280x128xf32>
    tpu.vector_store %arg4[%swap3A_25, %swap3A_26], %mul3A {strides = array<i32>} : memref<1280x128xf32, #tpu.memory_space<vmem>>, vector<1280x128xf32>,
    return
  }
  func.func @transform_0(%arg0: i32) -> (i32, i32) {
    %c0_i32 = arith.constant 0 : i32
    %c0_i32_0 = arith.constant 0 : i32
    return %arg0, %c0_i32 : i32, i32
  }
  func.func @transform_1(%arg0: i32) -> (i32, i32) {
    %c0_i32 = arith.constant 0 : i32
    %c0_i32_0 = arith.constant 0 : i32
    %c0_i32_1 = arith.constant 0 : i32
    return %c0_i32, %c0_i32_0 : i32, i32
  }
  func.func @transform_2(%arg0: i32) -> (i32, i32, i32) {
    %c0_i32 = arith.constant 0 : i32
    %c0_i32_0 = arith.constant 0 : i32
    %c0_i32_1 = arith.constant 0 : i32
    return %c0_i32, %arg0, %c0_i32_0 : i32, i32, i32
  }
  func.func @transform_3(%arg0: i32) -> (i32, i32) {
    %c0_i32 = arith.constant 0 : i32
    %c0_i32_0 = arith.constant 0 : i32
    return %arg0, %c0_i32 : i32, i32
  }
  func.func @transform_4(%arg0: i32) -> (i32, i32) {
    %c0_i32 = arith.constant 0 : i32
    %c0_i32_0 = arith.constant 0 : i32
    return %arg0, %c0_i32 : i32, i32
  }
  func.func @transform_5(%arg0: i32) -> (i32, i32) {
    %c0_i32 = arith.constant 0 : i32
    %c0_i32_0 = arith.constant 0 : i32
    return %arg0, %c0_i32 : i32, i32
  }
}

module attributes {stable_mosaic.version = 14 : i64} {
  func.func @body(%arg0: i32, %arg1: memref<2x1280x128xf32, #tpu.memory_space<vmem>>, %arg2: memref<1280x128xf32, #tpu.memory_space<vmem>>, %arg3: memref<1280x128xf32, #tpu.memory_space<vmem>>, %arg4: memref<1x128xf32, #tpu.memory_space<vmem>>, %arg5: memref<128x128xf32, #tpu.memory_space<vmem>>, %arg6: memref<1280x128xf32, #tpu.memory_space<vmem>>, %arg7: memref<1280x128xf32, #tpu.memory_space<vmem>>) attributes {dimension_semantics = [#tpu.dimension_semantics<arbitrary>], iteration_bounds = array<i64: 8>, scalar_prefetch = 0 : i64, scratch_operands = 0 : i64, tpu.core_type = #tpu.core_type<tc>, window_params = [{transform_indices = @transform_0, window_bounds = array<i64: 2, 1280, 128>}, {transform_indices = @transform_1, window_bounds = array<i64: 1280, 128>}, {transform_indices = @transform_2, window_bounds = array<i64: 1280, 128>}, {pipeline_mode = #tpu.pipeline_mode<synchronous>, transform_indices = @transform_3, window_bounds = array<i64: 1, 128>}, {pipeline_mode = #tpu.pipeline_mode<synchronous>, transform_indices = @transform_4, window_bounds = array<i64: 128, 128>}, {transform_indices = @transform_5, window_bounds = array<i64: 1280, 128>}, {transform_indices = @transform_6, window_bounds = array<i64: 1280, 128>}]} {
    %get3A = arith.constant 0 : index
    %get3A_0 = arith.constant 0 : index
    %get3A_1 = vector.load %arg3[%get3A, %get3A_0] : memref<1280x128xf32, #tpu.memory_space<vmem>>, vector<1280x128xf32>
    %get3A_2 = arith.constant 0 : index
    %get3A_3 = arith.constant 0 : index
    %get3A_4 = arith.constant 0 : index
    %get3A_5 = vector.load %arg1[%get3A_2, %get3A_3, %get3A_4] : memref<2x1280x128xf32, #tpu.memory_space<vmem>>, vector<1x1280x128xf32>
    %get3A_6 = vector.shape_cast %get3A_5 : vector<1x1280x128xf32> to vector<1280x128xf32>
    %get3A_7 = arith.constant 1 : index
    %get3A_8 = arith.constant 0 : index
    %get3A_9 = arith.constant 0 : index
    %get3A_10 = vector.load %arg1[%get3A_7, %get3A_8, %get3A_9] : memref<2x1280x128xf32, #tpu.memory_space<vmem>>, vector<1x1280x128xf32>
    %get3A_11 = vector.shape_cast %get3A_10 : vector<1x1280x128xf32> to vector<1280x128xf32>
    %add3A = arith.addf %get3A_6, %get3A_11 : vector<1280x128xf32>
    %mul3A = arith.mulf %get3A_1, %add3A : vector<1280x128xf32>
    %mul3A_12 = arith.mulf %get3A_1, %get3A_1 : vector<1280x128xf32>
    %get3A_13 = arith.constant 0 : index
    %get3A_14 = arith.constant 0 : index
    %get3A_15 = vector.load %arg2[%get3A_13, %get3A_14] : memref<1280x128xf32, #tpu.memory_space<vmem>>, vector<1280x128xf32>
    %mul3A_16 = arith.mulf %mul3A_12, %get3A_15 : vector<1280x128xf32>
    %add3A_17 = arith.addf %mul3A, %mul3A_16 : vector<1280x128xf32>
    %get3A_18 = arith.constant 0 : index
    %get3A_19 = arith.constant 0 : index
    %get3A_20 = vector.load %arg4[%get3A_18, %get3A_19] : memref<1x128xf32, #tpu.memory_space<vmem>>, vector<1x128xf32>
    %add3A_21 = vector.broadcast %get3A_20 : vector<1x128xf32> to vector<1280x128xf32>
    %add3A_22 = arith.addf %add3A_17, %add3A_21 : vector<1280x128xf32>
    %max3A = arith.constant 0.000000e+00 : f32
    %max3A_23 = vector.broadcast %max3A : f32 to vector<1280x128xf32>
    %max3A_24 = arith.maximumf %add3A_22, %max3A_23 : vector<1280x128xf32>
    %get3A_25 = arith.constant 0 : index
    %get3A_26 = arith.constant 0 : index
    %get3A_27 = vector.load %arg5[%get3A_25, %get3A_26] : memref<128x128xf32, #tpu.memory_space<vmem>>, vector<128x128xf32>
    %dot_general3A = arith.constant dense<0.000000e+00> : vector<1280x128xf32>
    %dot_general3A_28 = tpu.matmul %max3A_24, %get3A_27, %dot_general3A {dimension_numbers = #tpu.dot_dimension_numbers<[1], [0], [0], [1], [0, 0, 1, 1], [], []>, transpose_lhs_hint = false} : vector<1280x128xf32>, vector<128x128xf32>, vector<1280x128xf32> -> vector<1280x128xf32>
    %swap3A = arith.constant 0 : index
    %swap3A_29 = arith.constant 0 : index
    %swap3A_30 = vector.load %arg7[%swap3A, %swap3A_29] : memref<1280x128xf32, #tpu.memory_space<vmem>>, vector<1280x128xf32>
    tpu.vector_store %arg7[%swap3A, %swap3A_29], %dot_general3A_28 {strides = array<i32>} : memref<1280x128xf32, #tpu.memory_space<vmem>>, vector<1280x128xf32>,
    %mul3A_31 = arith.mulf %get3A_1, %dot_general3A_28 : vector<1280x128xf32>
    %swap3A_32 = arith.constant 0 : index
    %swap3A_33 = arith.constant 0 : index
    %swap3A_34 = vector.load %arg6[%swap3A_32, %swap3A_33] : memref<1280x128xf32, #tpu.memory_space<vmem>>, vector<1280x128xf32>
    tpu.vector_store %arg6[%swap3A_32, %swap3A_33], %mul3A_31 {strides = array<i32>} : memref<1280x128xf32, #tpu.memory_space<vmem>>, vector<1280x128xf32>,
    return
  }
  func.func @transform_0(%arg0: i32) -> (i32, i32, i32) {
    %c0_i32 = arith.constant 0 : i32
    %c0_i32_0 = arith.constant 0 : i32
    %c0_i32_1 = arith.constant 0 : i32
    return %c0_i32, %arg0, %c0_i32_0 : i32, i32, i32
  }
  func.func @transform_1(%arg0: i32) -> (i32, i32) {
    %c0_i32 = arith.constant 0 : i32
    %c0_i32_0 = arith.constant 0 : i32
    return %arg0, %c0_i32 : i32, i32
  }
  func.func @transform_2(%arg0: i32) -> (i32, i32) {
    %c0_i32 = arith.constant 0 : i32
    %c0_i32_0 = arith.constant 0 : i32
    return %arg0, %c0_i32 : i32, i32
  }
  func.func @transform_3(%arg0: i32) -> (i32, i32) {
    %c0_i32 = arith.constant 0 : i32
    %c0_i32_0 = arith.constant 0 : i32
    %c0_i32_1 = arith.constant 0 : i32
    return %c0_i32, %c0_i32_0 : i32, i32
  }
  func.func @transform_4(%arg0: i32) -> (i32, i32) {
    %c0_i32 = arith.constant 0 : i32
    %c0_i32_0 = arith.constant 0 : i32
    %c0_i32_1 = arith.constant 0 : i32
    return %c0_i32, %c0_i32_0 : i32, i32
  }
  func.func @transform_5(%arg0: i32) -> (i32, i32) {
    %c0_i32 = arith.constant 0 : i32
    %c0_i32_0 = arith.constant 0 : i32
    return %arg0, %c0_i32 : i32, i32
  }
  func.func @transform_6(%arg0: i32) -> (i32, i32) {
    %c0_i32 = arith.constant 0 : i32
    %c0_i32_0 = arith.constant 0 : i32
    return %arg0, %c0_i32 : i32, i32
  }
}

module attributes {stable_mosaic.version = 14 : i64} {
  func.func @body(%arg0: i32, %arg1: memref<2x1280x128xf32, #tpu.memory_space<vmem>>, %arg2: memref<1280x128xf32, #tpu.memory_space<vmem>>, %arg3: memref<1280x128xf32, #tpu.memory_space<vmem>>, %arg4: memref<1x128xf32, #tpu.memory_space<vmem>>, %arg5: memref<1280x128xf32, #tpu.memory_space<vmem>>) attributes {dimension_semantics = [#tpu.dimension_semantics<arbitrary>], iteration_bounds = array<i64: 8>, scalar_prefetch = 0 : i64, scratch_operands = 0 : i64, tpu.core_type = #tpu.core_type<tc>, window_params = [{transform_indices = @transform_0, window_bounds = array<i64: 2, 1280, 128>}, {transform_indices = @transform_1, window_bounds = array<i64: 1280, 128>}, {transform_indices = @transform_2, window_bounds = array<i64: 1280, 128>}, {pipeline_mode = #tpu.pipeline_mode<synchronous>, transform_indices = @transform_3, window_bounds = array<i64: 1, 128>}, {transform_indices = @transform_4, window_bounds = array<i64: 1280, 128>}]} {
    %get3A = arith.constant 0 : index
    %get3A_0 = arith.constant 0 : index
    %get3A_1 = vector.load %arg3[%get3A, %get3A_0] : memref<1280x128xf32, #tpu.memory_space<vmem>>, vector<1280x128xf32>
    %get3A_2 = arith.constant 0 : index
    %get3A_3 = arith.constant 0 : index
    %get3A_4 = arith.constant 0 : index
    %get3A_5 = vector.load %arg1[%get3A_2, %get3A_3, %get3A_4] : memref<2x1280x128xf32, #tpu.memory_space<vmem>>, vector<1x1280x128xf32>
    %get3A_6 = vector.shape_cast %get3A_5 : vector<1x1280x128xf32> to vector<1280x128xf32>
    %get3A_7 = arith.constant 1 : index
    %get3A_8 = arith.constant 0 : index
    %get3A_9 = arith.constant 0 : index
    %get3A_10 = vector.load %arg1[%get3A_7, %get3A_8, %get3A_9] : memref<2x1280x128xf32, #tpu.memory_space<vmem>>, vector<1x1280x128xf32>
    %get3A_11 = vector.shape_cast %get3A_10 : vector<1x1280x128xf32> to vector<1280x128xf32>
    %add3A = arith.addf %get3A_6, %get3A_11 : vector<1280x128xf32>
    %mul3A = arith.mulf %get3A_1, %add3A : vector<1280x128xf32>
    %mul3A_12 = arith.mulf %get3A_1, %get3A_1 : vector<1280x128xf32>
    %get3A_13 = arith.constant 0 : index
    %get3A_14 = arith.constant 0 : index
    %get3A_15 = vector.load %arg2[%get3A_13, %get3A_14] : memref<1280x128xf32, #tpu.memory_space<vmem>>, vector<1280x128xf32>
    %mul3A_16 = arith.mulf %mul3A_12, %get3A_15 : vector<1280x128xf32>
    %add3A_17 = arith.addf %mul3A, %mul3A_16 : vector<1280x128xf32>
    %get3A_18 = arith.constant 0 : index
    %get3A_19 = arith.constant 0 : index
    %get3A_20 = vector.load %arg4[%get3A_18, %get3A_19] : memref<1x128xf32, #tpu.memory_space<vmem>>, vector<1x128xf32>
    %add3A_21 = vector.broadcast %get3A_20 : vector<1x128xf32> to vector<1280x128xf32>
    %add3A_22 = arith.addf %add3A_17, %add3A_21 : vector<1280x128xf32>
    %swap3A = arith.constant 0 : index
    %swap3A_23 = arith.constant 0 : index
    %swap3A_24 = vector.load %arg5[%swap3A, %swap3A_23] : memref<1280x128xf32, #tpu.memory_space<vmem>>, vector<1280x128xf32>
    tpu.vector_store %arg5[%swap3A, %swap3A_23], %add3A_22 {strides = array<i32>} : memref<1280x128xf32, #tpu.memory_space<vmem>>, vector<1280x128xf32>,
    return
  }
  func.func @transform_0(%arg0: i32) -> (i32, i32, i32) {
    %c0_i32 = arith.constant 0 : i32
    %c0_i32_0 = arith.constant 0 : i32
    %c0_i32_1 = arith.constant 0 : i32
    return %c0_i32, %arg0, %c0_i32_0 : i32, i32, i32
  }
  func.func @transform_1(%arg0: i32) -> (i32, i32) {
    %c0_i32 = arith.constant 0 : i32
    %c0_i32_0 = arith.constant 0 : i32
    return %arg0, %c0_i32 : i32, i32
  }
  func.func @transform_2(%arg0: i32) -> (i32, i32) {
    %c0_i32 = arith.constant 0 : i32
    %c0_i32_0 = arith.constant 0 : i32
    return %arg0, %c0_i32 : i32, i32
  }
  func.func @transform_3(%arg0: i32) -> (i32, i32) {
    %c0_i32 = arith.constant 0 : i32
    %c0_i32_0 = arith.constant 0 : i32
    %c0_i32_1 = arith.constant 0 : i32
    return %c0_i32, %c0_i32_0 : i32, i32
  }
  func.func @transform_4(%arg0: i32) -> (i32, i32) {
    %c0_i32 = arith.constant 0 : i32
    %c0_i32_0 = arith.constant 0 : i32
    return %arg0, %c0_i32 : i32, i32
  }
}

</mosaic_0001>

<sc_bundles>
// kernel: kernel.11.cloned.1.call-start
scs
__scs_entry_jumppad:
0x0: {  	(pc) =	sbr.rel $0x88, $3  }
0x1: {  	(tag) =	ssettag $0x0;
	lr =	simm.s32 $0x1  }
0x2: {  	[smem:$0x3F9B] =	sst lr;
	_ =	strace $0xD0000000  }
0x3: {  	_ = 	snop  }
0x4: {  	_ = 	snop  }
0x5: {  	_ = 	snop  }
0x6: {  	_ = 	snop  }
0x7: {  	_ = 	snop  }
__scs_overlays_trampoline_lowered:
0x8: {  	[smem:$0x3FAA] =	sst s0  }
0x9: {  	[smem:$0x3FAB] =	sst s1  }
0xa: {  	[smem:$0x3FAC] =	sst s2  }
0xb: {  	[smem:$0x3FAD] =	sst s3  }
0xc: {  	[smem:$0x3FAE] =	sst s4  }
0xd: {  	[smem:$0x3FAF] =	sst s5  }
0xe: {  	[smem:$0x3FB0] =	sst s6  }
0xf: {  	[smem:$0x3FB1] =	sst s7  }
0x10: {  	[smem:$0x3FB2] =	sst s8  }
0x11: {  	[smem:$0x3FB3] =	sst s9;
	s0 =	simm.s32 @!p0 $0x0  }
0x12: {  	s1 =	sld [smem:$0x3F99];
	s0 =	simm.s32 @p0 $0x1  }
0x13: {  	[smem:$0x3FB4] =	sst s0;
	s0 =	simm.s32 @!p1 $0x0  }
0x14: {  	s2 =	sld [smem:$0x3F98];
	s0 =	simm.s32 @p1 $0x1  }
0x15: {  	[smem:$0x3FB5] =	sst s0;
	s0 =	simm.s32 @!p2 $0x0  }
0x16: {  	s3 =	sld [smem:$0x3FDB];
	s0 =	simm.s32 @p2 $0x1  }
0x17: {  	s4 =	simm.s32 $0x1BF5;
	[smem:$0x3FB7] =	sst s0  }
0x18: {  	s0 =	sld [smem:$0x3F9A];
	_ =	swait.ge [sflag:s4], $0x0  }
0x19: {  	s7 =	sld [smem:$0x3F9B]  }
0x1a: {  	s8 =	sadd.s32 $0xFFFFE003, lr  }
0x1b: {  	s9 =	sadd.s32 $0xFFFFFEF7, lr;
	s5 =	simm.s32 $0xFFFFFFFF;
	p2 =	slt.u32 s8, $0xFFFFF086  }
0x1c: {  	p1 =	slt.u32 s9, $0xF7A;
	s5 =	simm.s32 @!p2 $0x0  }
0x1d: {  	s5 =	simm.s32 @p1 $0x1;
	p0 =	seq.s32 s7, s2  }
0x1e: {  	s7 =	smul.u32 @!p0 $0xF7A, s2;
	p2 =	seq.s32 @!p0 s5, $0x0  }
0x1f: {  	s9 =	smul.u32 $0xF7A, s1;
	s8 =	simm.s32 @!p0 $0x1BF5;
	p2 =	por !p2, p0  }
0x20: {  	[sflag:s8] =	ssyncset.s32 @!p0 $0xFFFFF086;
	s6 =	sadd.s32 @!p0 s3, s7;
	s7 =	simm.s32 @!p0 $0x108  }
0x21: {  	s3 =	sadd.s32 s3, s9;
	s6 =	sadd.s32 @!p0 $0x88, s6;
	s7 =	simm.s32 @p2 $0x1082  }
0x22: {  	[simem:s7], [sflag:s8] =	dma.local @!p0 [hbm:s6], $0xF7A  }
0x23: {  	s9 =	sor.u32 $0xD0000000, s2;
	s6 =	simm.s32 $0x108;
	_ =	swait.ge @!p0 [sflag:s8], $0x0  }
0x24: {  	s3 =	sadd.s32 $0x88, s3;
	s6 =	simm.s32 @!p1 $0x1082;
	[sflag:s4] =	ssyncset.s32 $0xFFFFF086  }
0x25: {  	[simem:s6], [sflag:s4] =	dma.local [hbm:s3], $0xF7A  }
0x26: {  	[smem:$0x3F9B] =	sst s1;
	(tag) =	ssettag s2;
	_ =	strace s9  }
0x27: {  	s1 =	sld [smem:$0x3FAB]  }
0x28: {  	s2 =	sld [smem:$0x3FAC]  }
0x29: {  	s4 =	sld [smem:$0x3FAE]  }
0x2a: {  	p0 =	seq.s32 s5, $0x0;
	s5 =	sld [smem:$0x3FAF]  }
0x2b: {  	s6 =	sld [smem:$0x3FB0]  }
0x2c: {  	s7 =	sld [smem:$0x3FB1]  }
0x2d: {  	s3 =	simm.s32 $0x108;
	s8 =	sld [smem:$0x3FB2]  }
0x2e: {  	s3 =	simm.s32 @!p0 $0x1082;
	s9 =	sld [smem:$0x3FB3]  }
0x2f: {  	lr =	sadd.s32 s0, s3;
	s0 =	sld [smem:$0x3FAA]  }
0x30: {  	s3 =	sld [smem:$0x3FAD]  }
0x31: {  	[smem:$0x3FB6] =	sst s10  }
0x32: {  	s10 =	sld [smem:$0x3FB4];
	_ =	sdelay $0x3  }
0x33: {  	p0 =	seq.s32 s10, $0x1;
	s10 =	sld [smem:$0x3FB6];
	_ =	sdelay $0x3  }
0x34: {  	[smem:$0x3FB6] =	sst s10  }
0x35: {  	s10 =	sld [smem:$0x3FB5];
	_ =	sdelay $0x3  }
0x36: {  	p1 =	seq.s32 s10, $0x1;
	s10 =	sld [smem:$0x3FB6];
	_ =	sdelay $0x3  }
0x37: {  	[smem:$0x3FB6] =	sst s10  }
0x38: {  	s10 =	sld [smem:$0x3FB7]  }
0x39: {  	_ = 	snop;
	(pc) =	sbr.ind lr, $3  }
0x3a: {  	_ = 	snop  }
0x3b: {  	_ = 	snop  }
0x3c: {  	p2 =	seq.s32 s10, $0x1;
	s10 =	sld [smem:$0x3FB6]  }
0x3d: {  	_ =	shalt  }
0x3e: {  	_ =	shalt  }
0x3f: {  	_ =	shalt  }
0x40: {  	_ =	shalt  }
0x41: {  	_ =	shalt  }
0x42: {  	_ =	shalt  }
0x43: {  	_ =	shalt  }
0x44: {  	_ =	shalt  }
0x45: {  	_ =	shalt  }
0x46: {  	_ =	shalt  }
0x47: {  	_ =	shalt  }
0x48: {  	_ =	shalt  }
0x49: {  	_ =	shalt  }
0x4a: {  	_ =	shalt  }
0x4b: {  	_ =	shalt  }
0x4c: {  	_ =	shalt  }
0x4d: {  	_ =	shalt  }
0x4e: {  	_ =	shalt  }
0x4f: {  	_ =	shalt  }
0x50: {  	_ =	shalt  }
0x51: {  	_ =	shalt  }
0x52: {  	_ =	shalt  }
0x53: {  	_ =	shalt  }
0x54: {  	_ =	shalt  }
0x55: {  	_ =	shalt  }
0x56: {  	_ =	shalt  }
0x57: {  	_ =	shalt  }
0x58: {  	_ =	shalt  }
0x59: {  	_ =	shalt  }
0x5a: {  	_ =	shalt  }
0x5b: {  	_ =	shalt  }
0x5c: {  	_ =	shalt  }
0x5d: {  	_ =	shalt  }
0x5e: {  	_ =	shalt  }
0x5f: {  	_ =	shalt  }
0x60: {  	_ =	shalt  }
0x61: {  	_ =	shalt  }
0x62: {  	_ =	shalt  }
0x63: {  	_ =	shalt  }
0x64: {  	_ =	shalt  }
0x65: {  	_ =	shalt  }
0x66: {  	_ =	shalt  }
0x67: {  	_ =	shalt  }
0x68: {  	_ =	shalt  }
0x69: {  	_ =	shalt  }
0x6a: {  	_ =	shalt  }
0x6b: {  	_ =	shalt  }
0x6c: {  	_ =	shalt  }
0x6d: {  	_ =	shalt  }
0x6e: {  	_ =	shalt  }
0x6f: {  	_ =	shalt  }
0x70: {  	_ =	shalt  }
0x71: {  	_ =	shalt  }
0x72: {  	_ =	shalt  }
0x73: {  	_ =	shalt  }
0x74: {  	_ =	shalt  }
0x75: {  	_ =	shalt  }
0x76: {  	_ =	shalt  }
0x77: {  	_ =	shalt  }
0x78: {  	_ =	shalt  }
0x79: {  	_ =	shalt  }
0x7a: {  	_ =	shalt  }
0x7b: {  	_ =	shalt  }
0x7c: {  	_ =	shalt  }
0x7d: {  	_ =	shalt  }
0x7e: {  	_ =	shalt  }
0x7f: {  	_ =	shalt  }
0x80: {  	_ =	shalt  }
0x81: {  	_ =	shalt  }
0x82: {  	_ =	shalt  }
0x83: {  	_ =	shalt  }
0x84: {  	_ =	shalt  }
0x85: {  	_ =	shalt  }
0x86: {  	_ =	shalt  }
0x87: {  	_ =	shalt  }
.Lfunc_end0:
.L_simem_size_0:
called_computation.1_lowered:
.L_overlay_start_0:
0x88: {  	s2 =	sld [smem:$0x3FD9]  }
0x89: {  	s3 =	sld [smem:$0x3FFE];
	_ =	sdelay $0x1  }
0x8a: {  	s1 =	srdreg.scid  }
0x8b: {  	s0 =	sand.u32 $0x1, s1  }
0x8c: {  	s17 =	sshll.u32 s0, $0xA;
	s2 =	sadd.s32 s3, s2  }
0x8d: {  	s2 =	sadd.s32 s2, s17  }
0x8e: {  	[smem:$0x3FC2] =	sst s2  }
0x8f: {  	_ = 	snop  }
0x90: {  	s2 =	sld [smem:$0x3FD0];
	(tm) =	ssettm $0x1  }
0x91: {  	s18 =	sld [smem:$0x3FFB];
	_ =	sdelay $0x3  }
0x92: {  	_ =	strace s18  }
0x93: {  	s3 =	sld [smem:$0x3FFC];
	_ =	sdelay $0x3  }
0x94: {  	_ =	strace s3  }
0x95: {  	s3 =	sld [smem:$0x3FFD];
	_ =	sdelay $0x3  }
0x96: {  	_ =	strace s3  }
0x97: {  	_ =	strace $0x8FFFFFFF  }
0x98: {  	s19 =	sld [smem:$0x3FDB];
	_ =	sdelay $0x1  }
0x99: {  	s4 =	simm.s32 $_scs_section_size  }
0x9a: {  	s5 =	simm.s32 $_size__tile_overlayer_lowered;
	s6 =	simm.s32 $_tile_overlayer_lowered  }
0x9b: {  	s22 =	simm.s32 $0x1BFF;
	s21 =	sshll.u32 s6, $0x1;
	s3 =	sadd.s32 s4, s19  }
0x9c: {  	s7 =	simm.s32 $0x0;
	s20 =	sshll.u32 s5, $0x1;
	s5 =	sadd.s32 s21, s3  }
0x9d: {  	[timem:s7], [sflag:s22] =	dma.local [hbm:s5], s20  }
0x9e: {  	_ =	swait.ge [sflag:s22], s20  }
0x9f: {  	s4 =	ssub.s32 $0x0, s20;
	[sflag:s22] =	ssyncset.done $0x0  }
0xa0: {  	[sflag:s22] =	ssyncadd.s32 s4;
	_ =	sdelay $0x1  }
0xa1: {  	s23 =	simm.s32 $0x1B8B  }
0xa2: {  	_ =	swait.ge [sflag:s23], $0x1  }
0xa3: {  	[sflag:s23] =	ssyncset.done $0x0  }
0xa4: {  	s25 =	simm.s32 $0x1B8E;
	s24 =	sld [smem:$0x3FFE];
	[sflag:s23] =	ssyncadd.s32 $0xFFFFFFFF  }
0xa5: {  	s26 =	simm.s32 $execute0_lowered;
	[smem:$0x3FD2] =	sst s25  }
0xa6: {  	s5 =	sshll.u32 s26, $0x1;
	_ =	strace $0x80000049;
	[dreg:$0x1] =	wrdreg $0xFFFFFFFF  }
0xa7: {  	s28 =	simm.s32 $_size_execute0_lowered;
	s3 =	sadd.s32 s3, s5;
	[dreg:$0x0] =	wrdreg $0x0  }
0xa8: {  	s5 =	sshll.u32 s28, $0x1;
	[dreg:$0x2] =	wrdreg s3  }
0xa9: {  	[dreg:$0x3] =	wrdreg s5  }
0xaa: {  	[dreg:$0x4] =	wrdreg $0xC0  }
0xab: {  	_ =	task [dreg:s7], $0x5FFFF  }
0xac: {  	[dreg:$0x1] =	wrdreg $0xFFFFFFFF  }
0xad: {  	[dreg:$0x0] =	wrdreg $0x60  }
0xae: {  	[dreg:$0x2] =	wrdreg s24  }
0xaf: {  	[dreg:$0x3] =	wrdreg s2  }
0xb0: {  	[dreg:$0x4] =	wrdreg $0x84000  }
0xb1: {  	[dreg:$0x5] =	wrdreg $0x9  }
0xb2: {  	_ =	task.clear_ibuf [dreg:s7], $0x6FFFF;
	_ =	strace $0x90000049  }
0xb3: {  	s29 =	simm.s32 $0x9;
	_ =	strace $0x8000004B  }
0xb4: {  	_ =	swait.ge [sflag:s29], $0x1  }
0xb5: {  	[sflag:s29] =	ssyncadd.s32 $0xFFFFFFFF  }
0xb6: {  	_ =	strace $0x9000004B  }
0xb7: {  	_ =	sfence  }
0xb8: {  	s30 =	sld [smem:$0x0];
	_ =	sdelay $0x2  }
0xb9: {  	s31 =	sshll.u32 s1, $0xD;
	s1 =	sshrl.u32 s1, $0x2  }
0xba: {  	s3 =	sand.u32 $0x4000, s31;
	s1 =	sadd.s32 s1, s30  }
0xbb: {  	s0 =	sor.u32 s3, s0;
	s1 =	sshll.u32 s1, $0x11  }
0xbc: {  	s0 =	sor.u32 s1, s0  }
0xbd: {  	s0 =	sadd.s32 $0x8F2B, s0  }
0xbe: {  	[sflag:s0] =	ssyncadd.remote.s32 $0x1  }
0xbf: {  	_ =	sfence.sel $0xFFFF  }
0xc0: {  	[dreg:$0x0] =	wrdreg $0xFFFFFFFF;
	(pc) =	sbr.abs _section_cstart, $3  }
0xc1: {  	[dreg:$0x1] =	wrdreg $0xFFFFFFFF  }
0xc2: {  	_ =	task.clear_ibuf [dreg:s7], $0x2FFFF;
	_ =	strace $0x9FFFFFFF  }
0xc3: {  	(tm) =	ssettm $0x7FFFFFFF  }
tec
execute0_lowered:
.L_overlay_start_1:
0x0: {  	(tag) =	ssettag $0x1  }
0x1: {  	s5 =	rddreg [dreg:$0x0]  }
0x2: {  	s13 =	rddreg [dreg:$0x1]  }
0x3: {  	s2 =	rddreg [dreg:$0x2]  }
0x4: {  	s0 =	srdreg.scid;
	s1 =	rddreg [dreg:$0x3];
	s3 =	simm.s32 $0x0  }
0x5: {  	s15 =	simm.s32 $0x5;
	s16 =	simm.s32 $0x80;
	s17 =	simm.s32 $0x4400  }
0x6: {  	s18 =	simm.s32 $0x1;
	s19 =	simm.s32 $0x200;
	s20 =	simm.s32 $0x2  }
0x7: {  	s21 =	simm.s32 $0x280;
	s22 =	simm.s32 $0x3;
	s9 =	sand.u32 $0x1, s0  }
0x8: {  	s23 =	simm.s32 $0x4;
	s0 =	stileid.u32;
	s4 =	smul.u32 $0x140000, s9  }
0x9: {  	s24 =	simm.s32 $0x100;
	s25 =	simm.s32 $0x180;
	s6 =	smul.u32 $0x14000, s0  }
0xa: {  	s26 =	simm.s32 $0x300;
	s28 =	simm.s32 $0x380;
	s7 =	smul.u32 $0x50000, s0  }
0xb: {  	s29 =	simm.s32 $0x0;
	[smem:$0x7FF] =	sst s3;
	s10 =	smul.u32 $0x94000, s9  }
0xc: {  	_ =	strace $0x8000004A;
	s30 =	ssub.s32 $0x2, s9;
	s14 =	smul.u32 $0x9400, s0  }
0xd: {  	p0 =	seq.s32 s9, $0x0;
	s9 =	simm.s32 $0x25;
	s31 =	sshrl.u32 s30, $0x1  }
0xe: {  	s9 =	simm.s32 @!p0 $0x3;
	s4 =	sadd.s32 s6, s4;
	s7 =	sshrl.u32 s7, $0x2  }
0xf: {  	s12 =	ssub.s32 s30, s31;
	s14 =	sadd.s32 s14, s10;
	s6 =	sshrl.u32 s4, $0x3  }
0x10: {  	s4 =	sadd.s32 $0x2000, s5;
	s14 =	sshrl.u32 s14, $0x3;
	s12 =	smax.u32 s12, $0x1  }
0x11: {  	s11 =	sadd.s32 s6, s5;
	s5 =	sadd.s32 s7, s2;
	s13 =	sadd.s32 s14, s13  }
0x12: {  	s14 =	simm.s32 $0x400;
	s6 =	sadd.s32 $0x4000, s5;
	s7 =	sadd.s32 $0x8000, s5  }
0x13: {  	v0 =	vimm.f32 $0.0e+00;
	s8 =	sadd.s32 $0xC000, s5;
	s10 =	sadd.s32 $0x10000, s5;
	s11 =	sadd.s32 $0x2A000, s11  }
.LBB2_1:
0x14: {  	s30 =	simm.s32 $0x0;
	s31 =	simm.s32 $0x200  }
.LBB2_2:
0x15: {  	p0 =	sne.s32 s31, $0xFE00;
	[tilespmem:s30+$0x470] =	vst v0  }
0x16: {  	[tilespmem:s30+$0x400] =	vst v0  }
0x17: {  	[tilespmem:s30+$0x410] =	vst v0  }
.Ltmp0:
0x18: {  	[tilespmem:s30+$0x420] =	vst v0;
	(pc) =	sbr.rel @p0 .LBB2_2-.Ltmp0, $4  }
0x19: {  	[tilespmem:s30+$0x430] =	vst v0  }
0x1a: {  	[tilespmem:s30+$0x440] =	vst v0  }
0x1b: {  	[tilespmem:s30+$0x450] =	vst v0  }
0x1c: {  	[tilespmem:s30+$0x460] =	vst v0;
	s30 =	sshra.s32 s31, $0x2;
	s31 =	sadd.s32 $0x200, s31  }
0x1d: {  	[tilespmem:s30+$0x470] =	vst v0  }
0x1e: {  	[tilespmem:s30+$0x400] =	vst v0  }
0x1f: {  	[tilespmem:s30+$0x410] =	vst v0  }
0x20: {  	[tilespmem:s30+$0x420] =	vst v0  }
0x21: {  	[tilespmem:s30+$0x430] =	vst v0  }
0x22: {  	[tilespmem:s30+$0x440] =	vst v0  }
0x23: {  	[tilespmem:s30+$0x450] =	vst v0  }
0x24: {  	[tilespmem:s30+$0x460] =	vst v0  }
0x25: {  	[spmem:s5] =	stream.linear.scatter [tilespmem:s14], [sflag:$0x5], $0x4000, $0x38;
	[tilespmem:$0x1C400] =	vst v63  }
0x26: {  	_ =	swait.ge [sflag:s15], $0x4000  }
0x27: {  	[sflag:s15] =	ssyncset.done $0x0  }
0x28: {  	[sflag:s15] =	ssyncadd.s32 $0xFFFFC000  }
0x29: {  	[spmem:s6] =	stream.linear.scatter [tilespmem:s14], [sflag:$0x5], $0x4000, $0x38;
	[tilespmem:$0x1C400] =	vst v63  }
0x2a: {  	_ =	swait.ge [sflag:s15], $0x4000  }
0x2b: {  	[sflag:s15] =	ssyncset.done $0x0  }
0x2c: {  	[sflag:s15] =	ssyncadd.s32 $0xFFFFC000  }
0x2d: {  	[spmem:s7] =	stream.linear.scatter [tilespmem:s14], [sflag:$0x5], $0x4000, $0x38;
	[tilespmem:$0x1C400] =	vst v63  }
0x2e: {  	_ =	swait.ge [sflag:s15], $0x4000  }
0x2f: {  	[sflag:s15] =	ssyncset.done $0x0  }
0x30: {  	[sflag:s15] =	ssyncadd.s32 $0xFFFFC000  }
0x31: {  	[spmem:s8] =	stream.linear.scatter [tilespmem:s14], [sflag:$0x5], $0x4000, $0x38;
	[tilespmem:$0x1C400] =	vst v63  }
0x32: {  	_ =	swait.ge [sflag:s15], $0x4000  }
0x33: {  	[sflag:s15] =	ssyncset.done $0x0  }
0x34: {  	[sflag:s15] =	ssyncadd.s32 $0xFFFFC000  }
0x35: {  	[spmem:s10] =	stream.linear.scatter [tilespmem:s14], [sflag:$0x5], $0x4000, $0x38;
	[tilespmem:$0x1C400] =	vst v63  }
0x36: {  	_ =	swait.ge [sflag:s15], $0x4000  }
0x37: {  	[sflag:s15] =	ssyncset.done $0x0  }
0x38: {  	[sflag:s15] =	ssyncadd.s32 $0xFFFFC000  }
0x39: {  	[bflag:$0x0] =	sbarrier.arrive $0xFFFF  }
0x3a: {  	[tilespmem:s3], [sflag:$0x5] =	stream.linear.gather [hbm4b:s13+s3], $0x400, $0x38;
	[tilespmem:$0x1C400] =	vst v63  }
0x3b: {  	_ =	swait.ge [sflag:s15], $0x400  }
0x3c: {  	[sflag:s15] =	ssyncset.done $0x0  }
0x3d: {  	[sflag:s15] =	ssyncadd.s32 $0xFFFFFC00  }
0x3e: {  	[tilespmem:s14], [sflag:$0x1] =	stream.indirect.gather [hbm4b:s4+s16], $0x80, s3, s16, $0xb8;
	[tilespmem:$0x1C400] =	vst v63  }
0x3f: {  	_ = 	snop  }
0x40: {  	[tilespmem:s17], [sflag:$0x2] =	stream.indirect.gather [hbm4b:s4+s16], $0x80, s16, s16, $0xb8;
	[tilespmem:$0x1C400] =	vst v63  }
0x41: {  	_ =	swait.ge [sflag:s18], $0x4000  }
0x42: {  	[sflag:s18] =	ssyncset.done $0x0  }
0x43: {  	[sflag:s18] =	ssyncadd.s32 $0xFFFFC000  }
0x44: {  	[spmem:s2] =	stream.indirect.scatter.add.f32 [tilespmem:s14], [sflag:$0x3], $0x80, s19, s16, $0xb8;
	[tilespmem:$0x1C400] =	vst v63  }
0x45: {  	_ =	swait.ge [sflag:s20], $0x4000  }
0x46: {  	[sflag:s20] =	ssyncset.done $0x0  }
0x47: {  	[sflag:s20] =	ssyncadd.s32 $0xFFFFC000  }
0x48: {  	[spmem:s2] =	stream.indirect.scatter.add.f32 [tilespmem:s17], [sflag:$0x4], $0x80, s21, s16, $0xb8;
	[tilespmem:$0x1C400] =	vst v63  }
0x49: {  	_ =	swait.ge [sflag:s22], $0x4000  }
0x4a: {  	[sflag:s22] =	ssyncset.done $0x0  }
0x4b: {  	[sflag:s22] =	ssyncadd.s32 $0xFFFFC000  }
0x4c: {  	_ =	swait.ge [sflag:s23], $0x4000  }
0x4d: {  	[sflag:s23] =	ssyncset.done $0x0  }
0x4e: {  	[sflag:s23] =	ssyncadd.s32 $0xFFFFC000  }
0x4f: {  	[tilespmem:s14], [sflag:$0x1] =	stream.indirect.gather [hbm4b:s4+s16], $0x80, s24, s16, $0xb8;
	[tilespmem:$0x1C400] =	vst v63  }
0x50: {  	_ = 	snop  }
0x51: {  	[tilespmem:s17], [sflag:$0x2] =	stream.indirect.gather [hbm4b:s4+s16], $0x80, s25, s16, $0xb8;
	[tilespmem:$0x1C400] =	vst v63  }
0x52: {  	_ =	swait.ge [sflag:s18], $0x4000  }
0x53: {  	[sflag:s18] =	ssyncset.done $0x0  }
0x54: {  	[sflag:s18] =	ssyncadd.s32 $0xFFFFC000  }
0x55: {  	[spmem:s2] =	stream.indirect.scatter.add.f32 [tilespmem:s14], [sflag:$0x3], $0x80, s26, s16, $0xb8;
	[tilespmem:$0x1C400] =	vst v63  }
0x56: {  	_ =	swait.ge [sflag:s20], $0x4000  }
0x57: {  	[sflag:s20] =	ssyncset.done $0x0  }
0x58: {  	p0 =	sne.s32 s9, $0x1;
	[sflag:s20] =	ssyncadd.s32 $0xFFFFC000  }
0x59: {  	[spmem:s2] =	stream.indirect.scatter.add.f32 [tilespmem:s17], [sflag:$0x4], $0x80, s28, s16, $0xb8;
	[tilespmem:$0x1C400] =	vst v63  }
.Ltmp1:
0x5a: {  	_ =	swait.ge [sflag:s22], $0x4000;
	(pc) =	sbr.rel @!p0 .LBB2_5-.Ltmp1, $4  }
0x5b: {  	[sflag:s22] =	ssyncset.done $0x0  }
0x5c: {  	[sflag:s22] =	ssyncadd.s32 $0xFFFFC000  }
0x5d: {  	_ =	swait.ge [sflag:s23], $0x4000  }
0x5e: {  	s30 =	sadd.s32 $0xFFFFFFFF, s9;
	s31 =	smov.u32 s13;
	[sflag:s23] =	ssyncset.done $0x0  }
.LBB2_4:
0x5f: {  	p0 =	sne.s32 s30, $0x1;
	[sflag:s23] =	ssyncadd.s32 $0xFFFFC000;
	s31 =	sadd.s32 $0x80, s31  }
0x60: {  	[tilespmem:s3], [sflag:$0x5] =	stream.linear.gather [hbm4b:s31+s3], $0x400, $0x38;
	[tilespmem:$0x1C400] =	vst v63  }
0x61: {  	s30 =	sadd.s32 $0xFFFFFFFF, s30;
	_ =	swait.ge [sflag:s15], $0x400  }
0x62: {  	[sflag:s15] =	ssyncset.done $0x0  }
0x63: {  	[sflag:s15] =	ssyncadd.s32 $0xFFFFFC00  }
0x64: {  	[tilespmem:s14], [sflag:$0x1] =	stream.indirect.gather [hbm4b:s4+s16], $0x80, s3, s16, $0xb8;
	[tilespmem:$0x1C400] =	vst v63  }
0x65: {  	_ = 	snop  }
0x66: {  	[tilespmem:s17], [sflag:$0x2] =	stream.indirect.gather [hbm4b:s4+s16], $0x80, s16, s16, $0xb8;
	[tilespmem:$0x1C400] =	vst v63  }
0x67: {  	_ =	swait.ge [sflag:s18], $0x4000  }
0x68: {  	[sflag:s18] =	ssyncset.done $0x0  }
0x69: {  	[sflag:s18] =	ssyncadd.s32 $0xFFFFC000  }
0x6a: {  	[spmem:s2] =	stream.indirect.scatter.add.f32 [tilespmem:s14], [sflag:$0x3], $0x80, s19, s16, $0xb8;
	[tilespmem:$0x1C400] =	vst v63  }
0x6b: {  	_ =	swait.ge [sflag:s20], $0x4000  }
0x6c: {  	[sflag:s20] =	ssyncset.done $0x0  }
0x6d: {  	[sflag:s20] =	ssyncadd.s32 $0xFFFFC000  }
0x6e: {  	[spmem:s2] =	stream.indirect.scatter.add.f32 [tilespmem:s17], [sflag:$0x4], $0x80, s21, s16, $0xb8;
	[tilespmem:$0x1C400] =	vst v63  }
0x6f: {  	_ =	swait.ge [sflag:s22], $0x4000  }
0x70: {  	[sflag:s22] =	ssyncset.done $0x0  }
0x71: {  	[sflag:s22] =	ssyncadd.s32 $0xFFFFC000  }
0x72: {  	_ =	swait.ge [sflag:s23], $0x4000  }
0x73: {  	[sflag:s23] =	ssyncset.done $0x0  }
0x74: {  	[sflag:s23] =	ssyncadd.s32 $0xFFFFC000  }
0x75: {  	[tilespmem:s14], [sflag:$0x1] =	stream.indirect.gather [hbm4b:s4+s16], $0x80, s24, s16, $0xb8;
	[tilespmem:$0x1C400] =	vst v63  }
0x76: {  	_ = 	snop  }
0x77: {  	[tilespmem:s17], [sflag:$0x2] =	stream.indirect.gather [hbm4b:s4+s16], $0x80, s25, s16, $0xb8;
	[tilespmem:$0x1C400] =	vst v63  }
0x78: {  	_ =	swait.ge [sflag:s18], $0x4000  }
0x79: {  	[sflag:s18] =	ssyncset.done $0x0  }
0x7a: {  	[sflag:s18] =	ssyncadd.s32 $0xFFFFC000  }
0x7b: {  	[spmem:s2] =	stream.indirect.scatter.add.f32 [tilespmem:s14], [sflag:$0x3], $0x80, s26, s16, $0xb8;
	[tilespmem:$0x1C400] =	vst v63  }
0x7c: {  	_ =	swait.ge [sflag:s20], $0x4000  }
0x7d: {  	[sflag:s20] =	ssyncset.done $0x0  }
0x7e: {  	[sflag:s20] =	ssyncadd.s32 $0xFFFFC000  }
0x7f: {  	[spmem:s2] =	stream.indirect.scatter.add.f32 [tilespmem:s17], [sflag:$0x4], $0x80, s28, s16, $0xb8;
	[tilespmem:$0x1C400] =	vst v63  }
.Ltmp2:
0x80: {  	_ =	swait.ge [sflag:s22], $0x4000;
	(pc) =	sbr.rel @p0 .LBB2_4-.Ltmp2, $4  }
0x81: {  	[sflag:s22] =	ssyncset.done $0x0  }
0x82: {  	[sflag:s22] =	ssyncadd.s32 $0xFFFFC000  }
0x83: {  	_ =	swait.ge [sflag:s23], $0x4000  }
0x84: {  	[sflag:s23] =	ssyncset.done $0x0  }
.LBB2_5:
0x85: {  	[sflag:s23] =	ssyncadd.s32 $0xFFFFC000;
	s29 =	sadd.s32 $0x1, s29  }
0x86: {  	s30 =	sshll.u32 s0, $0x6;
	s31 =	sshrl.u32 s5, $0x3;
	p0 =	sne.s32 s29, s12  }
.Ltmp3:
0x87: {  	[bflag:$0x0] =	sbarrier.arrive $0xFFFF;
	s30 =	sor.u32 $0x1C05, s30;
	(pc) =	sbr.rel @p0 .LBB2_1-.Ltmp3, $4  }
0x88: {  	[hbm:s11], [sflag:s30] =	dma.local [spmem:s31], $0x2800  }
0x89: {  	_ =	swait.ge [sflag:s15], $0x2800  }
0x8a: {  	[sflag:s15] =	ssyncset.done $0x0  }
0x8b: {  	[sflag:s15] =	ssyncadd.s32 $0xFFFFD800  }
0x8c: {  	_ =	sfence.sel $0x180000  }
0x8d: {  	[bflag:$0x0] =	sbarrier.arrive $0xFFFF  }
0x8e: {  	p0 =	sne.s32 s0, $0x0;
	_ =	strace $0x9000004A  }
0x8f: {  	s0 =	sadd.s32 @!p0 $0x100000, s1;
	[bflag:$0x2] =	sbarrier.arrive $0xFFFF  }
0x90: {  	[sflag:s0] =	ssyncadd.tile.s32 @!p0 $0x1;
	_ =	shalt  }
.Lfunc_end2:
_tile_overlayer_lowered:
.L_overlay_start_2:
0x91: {  	(tag) =	ssettag $0x2  }
0x92: {  	s0 =	rddreg [dreg:$0x0];
	s2 =	stileid.u32  }
0x93: {  	s1 =	rddreg [dreg:$0x1];
	p0 =	sne.s32 s2, $0x0  }
0x94: {  	s3 =	rddreg [dreg:$0x2];
	[bflag:$0x3] =	sbarrier.arrive $0xFFFF;
	s2 =	simm.s32 @!p0 $0x1C05  }
0x95: {  	[timem:s3], [sflag:s2] =	dma.local @!p0 [hbm:s0], s1  }
0x96: {  	s0 =	simm.s32 @!p0 $0x5  }
0x97: {  	_ =	swait.ge @!p0 [sflag:s0], s1  }
0x98: {  	s1 =	ssub.s32 @!p0 $0x0, s1;
	[sflag:s0] =	ssyncset.done @!p0 $0x0  }
0x99: {  	[sflag:s0] =	ssyncadd.s32 @!p0 s1  }
0x9a: {  	[bflag:$0x3] =	sbarrier.arrive $0xFFFF  }
0x9b: {  	_ =	shalt  }

// kernel: kernel.14.cloned.1.call-start
scs
__scs_entry_jumppad:
0x0: {  	(pc) =	sbr.rel $0x88, $3  }
0x1: {  	(tag) =	ssettag $0x0;
	lr =	simm.s32 $0x1  }
0x2: {  	[smem:$0x3F9B] =	sst lr;
	_ =	strace $0xD0000000  }
0x3: {  	_ = 	snop  }
0x4: {  	_ = 	snop  }
0x5: {  	_ = 	snop  }
0x6: {  	_ = 	snop  }
0x7: {  	_ = 	snop  }
__scs_overlays_trampoline_lowered:
0x8: {  	[smem:$0x3FAA] =	sst s0  }
0x9: {  	[smem:$0x3FAB] =	sst s1  }
0xa: {  	[smem:$0x3FAC] =	sst s2  }
0xb: {  	[smem:$0x3FAD] =	sst s3  }
0xc: {  	[smem:$0x3FAE] =	sst s4  }
0xd: {  	[smem:$0x3FAF] =	sst s5  }
0xe: {  	[smem:$0x3FB0] =	sst s6  }
0xf: {  	[smem:$0x3FB1] =	sst s7  }
0x10: {  	[smem:$0x3FB2] =	sst s8  }
0x11: {  	[smem:$0x3FB3] =	sst s9;
	s0 =	simm.s32 @!p0 $0x0  }
0x12: {  	s1 =	sld [smem:$0x3F99];
	s0 =	simm.s32 @p0 $0x1  }
0x13: {  	[smem:$0x3FB4] =	sst s0;
	s0 =	simm.s32 @!p1 $0x0  }
0x14: {  	s2 =	sld [smem:$0x3F98];
	s0 =	simm.s32 @p1 $0x1  }
0x15: {  	[smem:$0x3FB5] =	sst s0;
	s0 =	simm.s32 @!p2 $0x0  }
0x16: {  	s3 =	sld [smem:$0x3FDB];
	s0 =	simm.s32 @p2 $0x1  }
0x17: {  	s4 =	simm.s32 $0x1BF5;
	[smem:$0x3FB7] =	sst s0  }
0x18: {  	s0 =	sld [smem:$0x3F9A];
	_ =	swait.ge [sflag:s4], $0x0  }
0x19: {  	s7 =	sld [smem:$0x3F9B]  }
0x1a: {  	s8 =	sadd.s32 $0xFFFFE003, lr  }
0x1b: {  	s9 =	sadd.s32 $0xFFFFFEF7, lr;
	s5 =	simm.s32 $0xFFFFFFFF;
	p2 =	slt.u32 s8, $0xFFFFF086  }
0x1c: {  	p1 =	slt.u32 s9, $0xF7A;
	s5 =	simm.s32 @!p2 $0x0  }
0x1d: {  	s5 =	simm.s32 @p1 $0x1;
	p0 =	seq.s32 s7, s2  }
0x1e: {  	s7 =	smul.u32 @!p0 $0xF7A, s2;
	p2 =	seq.s32 @!p0 s5, $0x0  }
0x1f: {  	s9 =	smul.u32 $0xF7A, s1;
	s8 =	simm.s32 @!p0 $0x1BF5;
	p2 =	por !p2, p0  }
0x20: {  	[sflag:s8] =	ssyncset.s32 @!p0 $0xFFFFF086;
	s6 =	sadd.s32 @!p0 s3, s7;
	s7 =	simm.s32 @!p0 $0x108  }
0x21: {  	s3 =	sadd.s32 s3, s9;
	s6 =	sadd.s32 @!p0 $0x88, s6;
	s7 =	simm.s32 @p2 $0x1082  }
0x22: {  	[simem:s7], [sflag:s8] =	dma.local @!p0 [hbm:s6], $0xF7A  }
0x23: {  	s9 =	sor.u32 $0xD0000000, s2;
	s6 =	simm.s32 $0x108;
	_ =	swait.ge @!p0 [sflag:s8], $0x0  }
0x24: {  	s3 =	sadd.s32 $0x88, s3;
	s6 =	simm.s32 @!p1 $0x1082;
	[sflag:s4] =	ssyncset.s32 $0xFFFFF086  }
0x25: {  	[simem:s6], [sflag:s4] =	dma.local [hbm:s3], $0xF7A  }
0x26: {  	[smem:$0x3F9B] =	sst s1;
	(tag) =	ssettag s2;
	_ =	strace s9  }
0x27: {  	s1 =	sld [smem:$0x3FAB]  }
0x28: {  	s2 =	sld [smem:$0x3FAC]  }
0x29: {  	s4 =	sld [smem:$0x3FAE]  }
0x2a: {  	p0 =	seq.s32 s5, $0x0;
	s5 =	sld [smem:$0x3FAF]  }
0x2b: {  	s6 =	sld [smem:$0x3FB0]  }
0x2c: {  	s7 =	sld [smem:$0x3FB1]  }
0x2d: {  	s3 =	simm.s32 $0x108;
	s8 =	sld [smem:$0x3FB2]  }
0x2e: {  	s3 =	simm.s32 @!p0 $0x1082;
	s9 =	sld [smem:$0x3FB3]  }
0x2f: {  	lr =	sadd.s32 s0, s3;
	s0 =	sld [smem:$0x3FAA]  }
0x30: {  	s3 =	sld [smem:$0x3FAD]  }
0x31: {  	[smem:$0x3FB6] =	sst s10  }
0x32: {  	s10 =	sld [smem:$0x3FB4];
	_ =	sdelay $0x3  }
0x33: {  	p0 =	seq.s32 s10, $0x1;
	s10 =	sld [smem:$0x3FB6];
	_ =	sdelay $0x3  }
0x34: {  	[smem:$0x3FB6] =	sst s10  }
0x35: {  	s10 =	sld [smem:$0x3FB5];
	_ =	sdelay $0x3  }
0x36: {  	p1 =	seq.s32 s10, $0x1;
	s10 =	sld [smem:$0x3FB6];
	_ =	sdelay $0x3  }
0x37: {  	[smem:$0x3FB6] =	sst s10  }
0x38: {  	s10 =	sld [smem:$0x3FB7]  }
0x39: {  	_ = 	snop;
	(pc) =	sbr.ind lr, $3  }
0x3a: {  	_ = 	snop  }
0x3b: {  	_ = 	snop  }
0x3c: {  	p2 =	seq.s32 s10, $0x1;
	s10 =	sld [smem:$0x3FB6]  }
0x3d: {  	_ =	shalt  }
0x3e: {  	_ =	shalt  }
0x3f: {  	_ =	shalt  }
0x40: {  	_ =	shalt  }
0x41: {  	_ =	shalt  }
0x42: {  	_ =	shalt  }
0x43: {  	_ =	shalt  }
0x44: {  	_ =	shalt  }
0x45: {  	_ =	shalt  }
0x46: {  	_ =	shalt  }
0x47: {  	_ =	shalt  }
0x48: {  	_ =	shalt  }
0x49: {  	_ =	shalt  }
0x4a: {  	_ =	shalt  }
0x4b: {  	_ =	shalt  }
0x4c: {  	_ =	shalt  }
0x4d: {  	_ =	shalt  }
0x4e: {  	_ =	shalt  }
0x4f: {  	_ =	shalt  }
0x50: {  	_ =	shalt  }
0x51: {  	_ =	shalt  }
0x52: {  	_ =	shalt  }
0x53: {  	_ =	shalt  }
0x54: {  	_ =	shalt  }
0x55: {  	_ =	shalt  }
0x56: {  	_ =	shalt  }
0x57: {  	_ =	shalt  }
0x58: {  	_ =	shalt  }
0x59: {  	_ =	shalt  }
0x5a: {  	_ =	shalt  }
0x5b: {  	_ =	shalt  }
0x5c: {  	_ =	shalt  }
0x5d: {  	_ =	shalt  }
0x5e: {  	_ =	shalt  }
0x5f: {  	_ =	shalt  }
0x60: {  	_ =	shalt  }
0x61: {  	_ =	shalt  }
0x62: {  	_ =	shalt  }
0x63: {  	_ =	shalt  }
0x64: {  	_ =	shalt  }
0x65: {  	_ =	shalt  }
0x66: {  	_ =	shalt  }
0x67: {  	_ =	shalt  }
0x68: {  	_ =	shalt  }
0x69: {  	_ =	shalt  }
0x6a: {  	_ =	shalt  }
0x6b: {  	_ =	shalt  }
0x6c: {  	_ =	shalt  }
0x6d: {  	_ =	shalt  }
0x6e: {  	_ =	shalt  }
0x6f: {  	_ =	shalt  }
0x70: {  	_ =	shalt  }
0x71: {  	_ =	shalt  }
0x72: {  	_ =	shalt  }
0x73: {  	_ =	shalt  }
0x74: {  	_ =	shalt  }
0x75: {  	_ =	shalt  }
0x76: {  	_ =	shalt  }
0x77: {  	_ =	shalt  }
0x78: {  	_ =	shalt  }
0x79: {  	_ =	shalt  }
0x7a: {  	_ =	shalt  }
0x7b: {  	_ =	shalt  }
0x7c: {  	_ =	shalt  }
0x7d: {  	_ =	shalt  }
0x7e: {  	_ =	shalt  }
0x7f: {  	_ =	shalt  }
0x80: {  	_ =	shalt  }
0x81: {  	_ =	shalt  }
0x82: {  	_ =	shalt  }
0x83: {  	_ =	shalt  }
0x84: {  	_ =	shalt  }
0x85: {  	_ =	shalt  }
0x86: {  	_ =	shalt  }
0x87: {  	_ =	shalt  }
.Lfunc_end0:
.L_simem_size_0:
called_computation.2_lowered:
.L_overlay_start_0:
0x88: {  	s2 =	sld [smem:$0x3FD9]  }
0x89: {  	s3 =	sld [smem:$0x3FFE];
	_ =	sdelay $0x1  }
0x8a: {  	s1 =	srdreg.scid  }
0x8b: {  	s0 =	sand.u32 $0x1, s1  }
0x8c: {  	s17 =	sshll.u32 s0, $0xA;
	s2 =	sadd.s32 s3, s2  }
0x8d: {  	s2 =	sadd.s32 s2, s17  }
0x8e: {  	[smem:$0x3FC2] =	sst s2  }
0x8f: {  	_ = 	snop  }
0x90: {  	s2 =	sld [smem:$0x3FD0];
	(tm) =	ssettm $0x1  }
0x91: {  	s18 =	sld [smem:$0x3FFB];
	_ =	sdelay $0x3  }
0x92: {  	_ =	strace s18  }
0x93: {  	s3 =	sld [smem:$0x3FFC];
	_ =	sdelay $0x3  }
0x94: {  	_ =	strace s3  }
0x95: {  	s3 =	sld [smem:$0x3FFD];
	_ =	sdelay $0x3  }
0x96: {  	_ =	strace s3  }
0x97: {  	_ =	strace $0x8FFFFFFF  }
0x98: {  	s19 =	sld [smem:$0x3FDB];
	_ =	sdelay $0x1  }
0x99: {  	s4 =	simm.s32 $_scs_section_size  }
0x9a: {  	s5 =	simm.s32 $_size__tile_overlayer_lowered;
	s6 =	simm.s32 $_tile_overlayer_lowered  }
0x9b: {  	s22 =	simm.s32 $0x1BFF;
	s21 =	sshll.u32 s6, $0x1;
	s3 =	sadd.s32 s4, s19  }
0x9c: {  	s7 =	simm.s32 $0x0;
	s20 =	sshll.u32 s5, $0x1;
	s5 =	sadd.s32 s21, s3  }
0x9d: {  	[timem:s7], [sflag:s22] =	dma.local [hbm:s5], s20  }
0x9e: {  	_ =	swait.ge [sflag:s22], s20  }
0x9f: {  	s4 =	ssub.s32 $0x0, s20;
	[sflag:s22] =	ssyncset.done $0x0  }
0xa0: {  	[sflag:s22] =	ssyncadd.s32 s4;
	_ =	sdelay $0x1  }
0xa1: {  	s23 =	simm.s32 $0x1B8B  }
0xa2: {  	_ =	swait.ge [sflag:s23], $0x1  }
0xa3: {  	[sflag:s23] =	ssyncset.done $0x0  }
0xa4: {  	s25 =	simm.s32 $0x1B8E;
	s24 =	sld [smem:$0x3FFE];
	[sflag:s23] =	ssyncadd.s32 $0xFFFFFFFF  }
0xa5: {  	s26 =	simm.s32 $execute0_lowered;
	[smem:$0x3FD2] =	sst s25  }
0xa6: {  	s5 =	sshll.u32 s26, $0x1;
	_ =	strace $0x8000004C;
	[dreg:$0x1] =	wrdreg $0xFFFFFFFF  }
0xa7: {  	s28 =	simm.s32 $_size_execute0_lowered;
	s3 =	sadd.s32 s3, s5;
	[dreg:$0x0] =	wrdreg $0x0  }
0xa8: {  	s5 =	sshll.u32 s28, $0x1;
	[dreg:$0x2] =	wrdreg s3  }
0xa9: {  	[dreg:$0x3] =	wrdreg s5  }
0xaa: {  	[dreg:$0x4] =	wrdreg $0xC0  }
0xab: {  	_ =	task [dreg:s7], $0x5FFFF  }
0xac: {  	[dreg:$0x1] =	wrdreg $0xFFFFFFFF  }
0xad: {  	[dreg:$0x0] =	wrdreg $0x60  }
0xae: {  	[dreg:$0x2] =	wrdreg s24  }
0xaf: {  	[dreg:$0x3] =	wrdreg s2  }
0xb0: {  	[dreg:$0x4] =	wrdreg $0x84000  }
0xb1: {  	[dreg:$0x5] =	wrdreg $0x9  }
0xb2: {  	_ =	task.clear_ibuf [dreg:s7], $0x6FFFF;
	_ =	strace $0x9000004C  }
0xb3: {  	s29 =	simm.s32 $0x9;
	_ =	strace $0x8000004E  }
0xb4: {  	_ =	swait.ge [sflag:s29], $0x1  }
0xb5: {  	[sflag:s29] =	ssyncadd.s32 $0xFFFFFFFF  }
0xb6: {  	_ =	strace $0x9000004E  }
0xb7: {  	_ =	sfence  }
0xb8: {  	s30 =	sld [smem:$0x0];
	_ =	sdelay $0x2  }
0xb9: {  	s31 =	sshll.u32 s1, $0xD;
	s1 =	sshrl.u32 s1, $0x2  }
0xba: {  	s3 =	sand.u32 $0x4000, s31;
	s1 =	sadd.s32 s1, s30  }
0xbb: {  	s0 =	sor.u32 s3, s0;
	s1 =	sshll.u32 s1, $0x11  }
0xbc: {  	s0 =	sor.u32 s1, s0  }
0xbd: {  	s0 =	sadd.s32 $0x8F2B, s0  }
0xbe: {  	[sflag:s0] =	ssyncadd.remote.s32 $0x1  }
0xbf: {  	_ =	sfence.sel $0xFFFF  }
0xc0: {  	[dreg:$0x0] =	wrdreg $0xFFFFFFFF;
	(pc) =	sbr.abs _section_cstart, $3  }
0xc1: {  	[dreg:$0x1] =	wrdreg $0xFFFFFFFF  }
0xc2: {  	_ =	task.clear_ibuf [dreg:s7], $0x2FFFF;
	_ =	strace $0x9FFFFFFF  }
0xc3: {  	(tm) =	ssettm $0x7FFFFFFF  }
tec
execute0_lowered:
.L_overlay_start_1:
0x0: {  	(tag) =	ssettag $0x1  }
0x1: {  	s5 =	rddreg [dreg:$0x0]  }
0x2: {  	s13 =	rddreg [dreg:$0x1]  }
0x3: {  	s2 =	rddreg [dreg:$0x2]  }
0x4: {  	s0 =	srdreg.scid;
	s1 =	rddreg [dreg:$0x3];
	s3 =	simm.s32 $0x0  }
0x5: {  	s15 =	simm.s32 $0x5;
	s16 =	simm.s32 $0x80;
	s17 =	simm.s32 $0x4400  }
0x6: {  	s18 =	simm.s32 $0x1;
	s19 =	simm.s32 $0x200;
	s20 =	simm.s32 $0x2  }
0x7: {  	s21 =	simm.s32 $0x280;
	s22 =	simm.s32 $0x3;
	s9 =	sand.u32 $0x1, s0  }
0x8: {  	s23 =	simm.s32 $0x4;
	s0 =	stileid.u32;
	s4 =	smul.u32 $0x140000, s9  }
0x9: {  	s24 =	simm.s32 $0x100;
	s25 =	simm.s32 $0x180;
	s6 =	smul.u32 $0x14000, s0  }
0xa: {  	s26 =	simm.s32 $0x300;
	s28 =	simm.s32 $0x380;
	s7 =	smul.u32 $0x50000, s0  }
0xb: {  	s29 =	simm.s32 $0x0;
	[smem:$0x7FF] =	sst s3;
	s10 =	smul.u32 $0x94000, s9  }
0xc: {  	_ =	strace $0x8000004D;
	s30 =	ssub.s32 $0x2, s9;
	s14 =	smul.u32 $0x9400, s0  }
0xd: {  	p0 =	seq.s32 s9, $0x0;
	s9 =	simm.s32 $0x25;
	s31 =	sshrl.u32 s30, $0x1  }
0xe: {  	s9 =	simm.s32 @!p0 $0x3;
	s4 =	sadd.s32 s6, s4;
	s7 =	sshrl.u32 s7, $0x2  }
0xf: {  	s12 =	ssub.s32 s30, s31;
	s14 =	sadd.s32 s14, s10;
	s6 =	sshrl.u32 s4, $0x3  }
0x10: {  	s4 =	sadd.s32 $0x2000, s5;
	s14 =	sshrl.u32 s14, $0x3;
	s12 =	smax.u32 s12, $0x1  }
0x11: {  	s11 =	sadd.s32 s6, s5;
	s5 =	sadd.s32 s7, s2;
	s13 =	sadd.s32 s14, s13  }
0x12: {  	s14 =	simm.s32 $0x400;
	s6 =	sadd.s32 $0x4000, s5;
	s7 =	sadd.s32 $0x8000, s5  }
0x13: {  	v0 =	vimm.f32 $0.0e+00;
	s8 =	sadd.s32 $0xC000, s5;
	s10 =	sadd.s32 $0x10000, s5;
	s11 =	sadd.s32 $0x2A000, s11  }
.LBB2_1:
0x14: {  	s30 =	simm.s32 $0x0;
	s31 =	simm.s32 $0x200  }
.LBB2_2:
0x15: {  	p0 =	sne.s32 s31, $0xFE00;
	[tilespmem:s30+$0x470] =	vst v0  }
0x16: {  	[tilespmem:s30+$0x400] =	vst v0  }
0x17: {  	[tilespmem:s30+$0x410] =	vst v0  }
.Ltmp0:
0x18: {  	[tilespmem:s30+$0x420] =	vst v0;
	(pc) =	sbr.rel @p0 .LBB2_2-.Ltmp0, $4  }
0x19: {  	[tilespmem:s30+$0x430] =	vst v0  }
0x1a: {  	[tilespmem:s30+$0x440] =	vst v0  }
0x1b: {  	[tilespmem:s30+$0x450] =	vst v0  }
0x1c: {  	[tilespmem:s30+$0x460] =	vst v0;
	s30 =	sshra.s32 s31, $0x2;
	s31 =	sadd.s32 $0x200, s31  }
0x1d: {  	[tilespmem:s30+$0x470] =	vst v0  }
0x1e: {  	[tilespmem:s30+$0x400] =	vst v0  }
0x1f: {  	[tilespmem:s30+$0x410] =	vst v0  }
0x20: {  	[tilespmem:s30+$0x420] =	vst v0  }
0x21: {  	[tilespmem:s30+$0x430] =	vst v0  }
0x22: {  	[tilespmem:s30+$0x440] =	vst v0  }
0x23: {  	[tilespmem:s30+$0x450] =	vst v0  }
0x24: {  	[tilespmem:s30+$0x460] =	vst v0  }
0x25: {  	[spmem:s5] =	stream.linear.scatter [tilespmem:s14], [sflag:$0x5], $0x4000, $0x38;
	[tilespmem:$0x1C400] =	vst v63  }
0x26: {  	_ =	swait.ge [sflag:s15], $0x4000  }
0x27: {  	[sflag:s15] =	ssyncset.done $0x0  }
0x28: {  	[sflag:s15] =	ssyncadd.s32 $0xFFFFC000  }
0x29: {  	[spmem:s6] =	stream.linear.scatter [tilespmem:s14], [sflag:$0x5], $0x4000, $0x38;
	[tilespmem:$0x1C400] =	vst v63  }
0x2a: {  	_ =	swait.ge [sflag:s15], $0x4000  }
0x2b: {  	[sflag:s15] =	ssyncset.done $0x0  }
0x2c: {  	[sflag:s15] =	ssyncadd.s32 $0xFFFFC000  }
0x2d: {  	[spmem:s7] =	stream.linear.scatter [tilespmem:s14], [sflag:$0x5], $0x4000, $0x38;
	[tilespmem:$0x1C400] =	vst v63  }
0x2e: {  	_ =	swait.ge [sflag:s15], $0x4000  }
0x2f: {  	[sflag:s15] =	ssyncset.done $0x0  }
0x30: {  	[sflag:s15] =	ssyncadd.s32 $0xFFFFC000  }
0x31: {  	[spmem:s8] =	stream.linear.scatter [tilespmem:s14], [sflag:$0x5], $0x4000, $0x38;
	[tilespmem:$0x1C400] =	vst v63  }
0x32: {  	_ =	swait.ge [sflag:s15], $0x4000  }
0x33: {  	[sflag:s15] =	ssyncset.done $0x0  }
0x34: {  	[sflag:s15] =	ssyncadd.s32 $0xFFFFC000  }
0x35: {  	[spmem:s10] =	stream.linear.scatter [tilespmem:s14], [sflag:$0x5], $0x4000, $0x38;
	[tilespmem:$0x1C400] =	vst v63  }
0x36: {  	_ =	swait.ge [sflag:s15], $0x4000  }
0x37: {  	[sflag:s15] =	ssyncset.done $0x0  }
0x38: {  	[sflag:s15] =	ssyncadd.s32 $0xFFFFC000  }
0x39: {  	[bflag:$0x0] =	sbarrier.arrive $0xFFFF  }
0x3a: {  	[tilespmem:s3], [sflag:$0x5] =	stream.linear.gather [hbm4b:s13+s3], $0x400, $0x38;
	[tilespmem:$0x1C400] =	vst v63  }
0x3b: {  	_ =	swait.ge [sflag:s15], $0x400  }
0x3c: {  	[sflag:s15] =	ssyncset.done $0x0  }
0x3d: {  	[sflag:s15] =	ssyncadd.s32 $0xFFFFFC00  }
0x3e: {  	[tilespmem:s14], [sflag:$0x1] =	stream.indirect.gather [hbm4b:s4+s16], $0x80, s3, s16, $0xb8;
	[tilespmem:$0x1C400] =	vst v63  }
0x3f: {  	_ = 	snop  }
0x40: {  	[tilespmem:s17], [sflag:$0x2] =	stream.indirect.gather [hbm4b:s4+s16], $0x80, s16, s16, $0xb8;
	[tilespmem:$0x1C400] =	vst v63  }
0x41: {  	_ =	swait.ge [sflag:s18], $0x4000  }
0x42: {  	[sflag:s18] =	ssyncset.done $0x0  }
0x43: {  	[sflag:s18] =	ssyncadd.s32 $0xFFFFC000  }
0x44: {  	[spmem:s2] =	stream.indirect.scatter.add.f32 [tilespmem:s14], [sflag:$0x3], $0x80, s19, s16, $0xb8;
	[tilespmem:$0x1C400] =	vst v63  }
0x45: {  	_ =	swait.ge [sflag:s20], $0x4000  }
0x46: {  	[sflag:s20] =	ssyncset.done $0x0  }
0x47: {  	[sflag:s20] =	ssyncadd.s32 $0xFFFFC000  }
0x48: {  	[spmem:s2] =	stream.indirect.scatter.add.f32 [tilespmem:s17], [sflag:$0x4], $0x80, s21, s16, $0xb8;
	[tilespmem:$0x1C400] =	vst v63  }
0x49: {  	_ =	swait.ge [sflag:s22], $0x4000  }
0x4a: {  	[sflag:s22] =	ssyncset.done $0x0  }
0x4b: {  	[sflag:s22] =	ssyncadd.s32 $0xFFFFC000  }
0x4c: {  	_ =	swait.ge [sflag:s23], $0x4000  }
0x4d: {  	[sflag:s23] =	ssyncset.done $0x0  }
0x4e: {  	[sflag:s23] =	ssyncadd.s32 $0xFFFFC000  }
0x4f: {  	[tilespmem:s14], [sflag:$0x1] =	stream.indirect.gather [hbm4b:s4+s16], $0x80, s24, s16, $0xb8;
	[tilespmem:$0x1C400] =	vst v63  }
0x50: {  	_ = 	snop  }
0x51: {  	[tilespmem:s17], [sflag:$0x2] =	stream.indirect.gather [hbm4b:s4+s16], $0x80, s25, s16, $0xb8;
	[tilespmem:$0x1C400] =	vst v63  }
0x52: {  	_ =	swait.ge [sflag:s18], $0x4000  }
0x53: {  	[sflag:s18] =	ssyncset.done $0x0  }
0x54: {  	[sflag:s18] =	ssyncadd.s32 $0xFFFFC000  }
0x55: {  	[spmem:s2] =	stream.indirect.scatter.add.f32 [tilespmem:s14], [sflag:$0x3], $0x80, s26, s16, $0xb8;
	[tilespmem:$0x1C400] =	vst v63  }
0x56: {  	_ =	swait.ge [sflag:s20], $0x4000  }
0x57: {  	[sflag:s20] =	ssyncset.done $0x0  }
0x58: {  	p0 =	sne.s32 s9, $0x1;
	[sflag:s20] =	ssyncadd.s32 $0xFFFFC000  }
0x59: {  	[spmem:s2] =	stream.indirect.scatter.add.f32 [tilespmem:s17], [sflag:$0x4], $0x80, s28, s16, $0xb8;
	[tilespmem:$0x1C400] =	vst v63  }
.Ltmp1:
0x5a: {  	_ =	swait.ge [sflag:s22], $0x4000;
	(pc) =	sbr.rel @!p0 .LBB2_5-.Ltmp1, $4  }
0x5b: {  	[sflag:s22] =	ssyncset.done $0x0  }
0x5c: {  	[sflag:s22] =	ssyncadd.s32 $0xFFFFC000  }
0x5d: {  	_ =	swait.ge [sflag:s23], $0x4000  }
0x5e: {  	s30 =	sadd.s32 $0xFFFFFFFF, s9;
	s31 =	smov.u32 s13;
	[sflag:s23] =	ssyncset.done $0x0  }
.LBB2_4:
0x5f: {  	p0 =	sne.s32 s30, $0x1;
	[sflag:s23] =	ssyncadd.s32 $0xFFFFC000;
	s31 =	sadd.s32 $0x80, s31  }
0x60: {  	[tilespmem:s3], [sflag:$0x5] =	stream.linear.gather [hbm4b:s31+s3], $0x400, $0x38;
	[tilespmem:$0x1C400] =	vst v63  }
0x61: {  	s30 =	sadd.s32 $0xFFFFFFFF, s30;
	_ =	swait.ge [sflag:s15], $0x400  }
0x62: {  	[sflag:s15] =	ssyncset.done $0x0  }
0x63: {  	[sflag:s15] =	ssyncadd.s32 $0xFFFFFC00  }
0x64: {  	[tilespmem:s14], [sflag:$0x1] =	stream.indirect.gather [hbm4b:s4+s16], $0x80, s3, s16, $0xb8;
	[tilespmem:$0x1C400] =	vst v63  }
0x65: {  	_ = 	snop  }
0x66: {  	[tilespmem:s17], [sflag:$0x2] =	stream.indirect.gather [hbm4b:s4+s16], $0x80, s16, s16, $0xb8;
	[tilespmem:$0x1C400] =	vst v63  }
0x67: {  	_ =	swait.ge [sflag:s18], $0x4000  }
0x68: {  	[sflag:s18] =	ssyncset.done $0x0  }
0x69: {  	[sflag:s18] =	ssyncadd.s32 $0xFFFFC000  }
0x6a: {  	[spmem:s2] =	stream.indirect.scatter.add.f32 [tilespmem:s14], [sflag:$0x3], $0x80, s19, s16, $0xb8;
	[tilespmem:$0x1C400] =	vst v63  }
0x6b: {  	_ =	swait.ge [sflag:s20], $0x4000  }
0x6c: {  	[sflag:s20] =	ssyncset.done $0x0  }
0x6d: {  	[sflag:s20] =	ssyncadd.s32 $0xFFFFC000  }
0x6e: {  	[spmem:s2] =	stream.indirect.scatter.add.f32 [tilespmem:s17], [sflag:$0x4], $0x80, s21, s16, $0xb8;
	[tilespmem:$0x1C400] =	vst v63  }
0x6f: {  	_ =	swait.ge [sflag:s22], $0x4000  }
0x70: {  	[sflag:s22] =	ssyncset.done $0x0  }
0x71: {  	[sflag:s22] =	ssyncadd.s32 $0xFFFFC000  }
0x72: {  	_ =	swait.ge [sflag:s23], $0x4000  }
0x73: {  	[sflag:s23] =	ssyncset.done $0x0  }
0x74: {  	[sflag:s23] =	ssyncadd.s32 $0xFFFFC000  }
0x75: {  	[tilespmem:s14], [sflag:$0x1] =	stream.indirect.gather [hbm4b:s4+s16], $0x80, s24, s16, $0xb8;
	[tilespmem:$0x1C400] =	vst v63  }
0x76: {  	_ = 	snop  }
0x77: {  	[tilespmem:s17], [sflag:$0x2] =	stream.indirect.gather [hbm4b:s4+s16], $0x80, s25, s16, $0xb8;
	[tilespmem:$0x1C400] =	vst v63  }
0x78: {  	_ =	swait.ge [sflag:s18], $0x4000  }
0x79: {  	[sflag:s18] =	ssyncset.done $0x0  }
0x7a: {  	[sflag:s18] =	ssyncadd.s32 $0xFFFFC000  }
0x7b: {  	[spmem:s2] =	stream.indirect.scatter.add.f32 [tilespmem:s14], [sflag:$0x3], $0x80, s26, s16, $0xb8;
	[tilespmem:$0x1C400] =	vst v63  }
0x7c: {  	_ =	swait.ge [sflag:s20], $0x4000  }
0x7d: {  	[sflag:s20] =	ssyncset.done $0x0  }
0x7e: {  	[sflag:s20] =	ssyncadd.s32 $0xFFFFC000  }
0x7f: {  	[spmem:s2] =	stream.indirect.scatter.add.f32 [tilespmem:s17], [sflag:$0x4], $0x80, s28, s16, $0xb8;
	[tilespmem:$0x1C400] =	vst v63  }
.Ltmp2:
0x80: {  	_ =	swait.ge [sflag:s22], $0x4000;
	(pc) =	sbr.rel @p0 .LBB2_4-.Ltmp2, $4  }
0x81: {  	[sflag:s22] =	ssyncset.done $0x0  }
0x82: {  	[sflag:s22] =	ssyncadd.s32 $0xFFFFC000  }
0x83: {  	_ =	swait.ge [sflag:s23], $0x4000  }
0x84: {  	[sflag:s23] =	ssyncset.done $0x0  }
.LBB2_5:
0x85: {  	[sflag:s23] =	ssyncadd.s32 $0xFFFFC000;
	s29 =	sadd.s32 $0x1, s29  }
0x86: {  	s30 =	sshll.u32 s0, $0x6;
	s31 =	sshrl.u32 s5, $0x3;
	p0 =	sne.s32 s29, s12  }
.Ltmp3:
0x87: {  	[bflag:$0x0] =	sbarrier.arrive $0xFFFF;
	s30 =	sor.u32 $0x1C05, s30;
	(pc) =	sbr.rel @p0 .LBB2_1-.Ltmp3, $4  }
0x88: {  	[hbm:s11], [sflag:s30] =	dma.local [spmem:s31], $0x2800  }
0x89: {  	_ =	swait.ge [sflag:s15], $0x2800  }
0x8a: {  	[sflag:s15] =	ssyncset.done $0x0  }
0x8b: {  	[sflag:s15] =	ssyncadd.s32 $0xFFFFD800  }
0x8c: {  	_ =	sfence.sel $0x180000  }
0x8d: {  	[bflag:$0x0] =	sbarrier.arrive $0xFFFF  }
0x8e: {  	p0 =	sne.s32 s0, $0x0;
	_ =	strace $0x9000004D  }
0x8f: {  	s0 =	sadd.s32 @!p0 $0x100000, s1;
	[bflag:$0x2] =	sbarrier.arrive $0xFFFF  }
0x90: {  	[sflag:s0] =	ssyncadd.tile.s32 @!p0 $0x1;
	_ =	shalt  }
.Lfunc_end2:
_tile_overlayer_lowered:
.L_overlay_start_2:
0x91: {  	(tag) =	ssettag $0x2  }
0x92: {  	s0 =	rddreg [dreg:$0x0];
	s2 =	stileid.u32  }
0x93: {  	s1 =	rddreg [dreg:$0x1];
	p0 =	sne.s32 s2, $0x0  }
0x94: {  	s3 =	rddreg [dreg:$0x2];
	[bflag:$0x3] =	sbarrier.arrive $0xFFFF;
	s2 =	simm.s32 @!p0 $0x1C05  }
0x95: {  	[timem:s3], [sflag:s2] =	dma.local @!p0 [hbm:s0], s1  }
0x96: {  	s0 =	simm.s32 @!p0 $0x5  }
0x97: {  	_ =	swait.ge @!p0 [sflag:s0], s1  }
0x98: {  	s1 =	ssub.s32 @!p0 $0x0, s1;
	[sflag:s0] =	ssyncset.done @!p0 $0x0  }
0x99: {  	[sflag:s0] =	ssyncadd.s32 @!p0 s1  }
0x9a: {  	[bflag:$0x3] =	sbarrier.arrive $0xFFFF  }
0x9b: {  	_ =	shalt  }

// kernel: kernel.8.cloned.1.call-start
scs
__scs_entry_jumppad:
0x0: {  	(pc) =	sbr.rel $0x88, $3  }
0x1: {  	(tag) =	ssettag $0x0;
	lr =	simm.s32 $0x1  }
0x2: {  	[smem:$0x3F9B] =	sst lr;
	_ =	strace $0xD0000000  }
0x3: {  	_ = 	snop  }
0x4: {  	_ = 	snop  }
0x5: {  	_ = 	snop  }
0x6: {  	_ = 	snop  }
0x7: {  	_ = 	snop  }
__scs_overlays_trampoline_lowered:
0x8: {  	[smem:$0x3FAA] =	sst s0  }
0x9: {  	[smem:$0x3FAB] =	sst s1  }
0xa: {  	[smem:$0x3FAC] =	sst s2  }
0xb: {  	[smem:$0x3FAD] =	sst s3  }
0xc: {  	[smem:$0x3FAE] =	sst s4  }
0xd: {  	[smem:$0x3FAF] =	sst s5  }
0xe: {  	[smem:$0x3FB0] =	sst s6  }
0xf: {  	[smem:$0x3FB1] =	sst s7  }
0x10: {  	[smem:$0x3FB2] =	sst s8  }
0x11: {  	[smem:$0x3FB3] =	sst s9;
	s0 =	simm.s32 @!p0 $0x0  }
0x12: {  	s1 =	sld [smem:$0x3F99];
	s0 =	simm.s32 @p0 $0x1  }
0x13: {  	[smem:$0x3FB4] =	sst s0;
	s0 =	simm.s32 @!p1 $0x0  }
0x14: {  	s2 =	sld [smem:$0x3F98];
	s0 =	simm.s32 @p1 $0x1  }
0x15: {  	[smem:$0x3FB5] =	sst s0;
	s0 =	simm.s32 @!p2 $0x0  }
0x16: {  	s3 =	sld [smem:$0x3FDB];
	s0 =	simm.s32 @p2 $0x1  }
0x17: {  	s4 =	simm.s32 $0x1BF5;
	[smem:$0x3FB7] =	sst s0  }
0x18: {  	s0 =	sld [smem:$0x3F9A];
	_ =	swait.ge [sflag:s4], $0x0  }
0x19: {  	s7 =	sld [smem:$0x3F9B]  }
0x1a: {  	s8 =	sadd.s32 $0xFFFFE003, lr  }
0x1b: {  	s9 =	sadd.s32 $0xFFFFFEF7, lr;
	s5 =	simm.s32 $0xFFFFFFFF;
	p2 =	slt.u32 s8, $0xFFFFF086  }
0x1c: {  	p1 =	slt.u32 s9, $0xF7A;
	s5 =	simm.s32 @!p2 $0x0  }
0x1d: {  	s5 =	simm.s32 @p1 $0x1;
	p0 =	seq.s32 s7, s2  }
0x1e: {  	s7 =	smul.u32 @!p0 $0xF7A, s2;
	p2 =	seq.s32 @!p0 s5, $0x0  }
0x1f: {  	s9 =	smul.u32 $0xF7A, s1;
	s8 =	simm.s32 @!p0 $0x1BF5;
	p2 =	por !p2, p0  }
0x20: {  	[sflag:s8] =	ssyncset.s32 @!p0 $0xFFFFF086;
	s6 =	sadd.s32 @!p0 s3, s7;
	s7 =	simm.s32 @!p0 $0x108  }
0x21: {  	s3 =	sadd.s32 s3, s9;
	s6 =	sadd.s32 @!p0 $0x88, s6;
	s7 =	simm.s32 @p2 $0x1082  }
0x22: {  	[simem:s7], [sflag:s8] =	dma.local @!p0 [hbm:s6], $0xF7A  }
0x23: {  	s9 =	sor.u32 $0xD0000000, s2;
	s6 =	simm.s32 $0x108;
	_ =	swait.ge @!p0 [sflag:s8], $0x0  }
0x24: {  	s3 =	sadd.s32 $0x88, s3;
	s6 =	simm.s32 @!p1 $0x1082;
	[sflag:s4] =	ssyncset.s32 $0xFFFFF086  }
0x25: {  	[simem:s6], [sflag:s4] =	dma.local [hbm:s3], $0xF7A  }
0x26: {  	[smem:$0x3F9B] =	sst s1;
	(tag) =	ssettag s2;
	_ =	strace s9  }
0x27: {  	s1 =	sld [smem:$0x3FAB]  }
0x28: {  	s2 =	sld [smem:$0x3FAC]  }
0x29: {  	s4 =	sld [smem:$0x3FAE]  }
0x2a: {  	p0 =	seq.s32 s5, $0x0;
	s5 =	sld [smem:$0x3FAF]  }
0x2b: {  	s6 =	sld [smem:$0x3FB0]  }
0x2c: {  	s7 =	sld [smem:$0x3FB1]  }
0x2d: {  	s3 =	simm.s32 $0x108;
	s8 =	sld [smem:$0x3FB2]  }
0x2e: {  	s3 =	simm.s32 @!p0 $0x1082;
	s9 =	sld [smem:$0x3FB3]  }
0x2f: {  	lr =	sadd.s32 s0, s3;
	s0 =	sld [smem:$0x3FAA]  }
0x30: {  	s3 =	sld [smem:$0x3FAD]  }
0x31: {  	[smem:$0x3FB6] =	sst s10  }
0x32: {  	s10 =	sld [smem:$0x3FB4];
	_ =	sdelay $0x3  }
0x33: {  	p0 =	seq.s32 s10, $0x1;
	s10 =	sld [smem:$0x3FB6];
	_ =	sdelay $0x3  }
0x34: {  	[smem:$0x3FB6] =	sst s10  }
0x35: {  	s10 =	sld [smem:$0x3FB5];
	_ =	sdelay $0x3  }
0x36: {  	p1 =	seq.s32 s10, $0x1;
	s10 =	sld [smem:$0x3FB6];
	_ =	sdelay $0x3  }
0x37: {  	[smem:$0x3FB6] =	sst s10  }
0x38: {  	s10 =	sld [smem:$0x3FB7]  }
0x39: {  	_ = 	snop;
	(pc) =	sbr.ind lr, $3  }
0x3a: {  	_ = 	snop  }
0x3b: {  	_ = 	snop  }
0x3c: {  	p2 =	seq.s32 s10, $0x1;
	s10 =	sld [smem:$0x3FB6]  }
0x3d: {  	_ =	shalt  }
0x3e: {  	_ =	shalt  }
0x3f: {  	_ =	shalt  }
0x40: {  	_ =	shalt  }
0x41: {  	_ =	shalt  }
0x42: {  	_ =	shalt  }
0x43: {  	_ =	shalt  }
0x44: {  	_ =	shalt  }
0x45: {  	_ =	shalt  }
0x46: {  	_ =	shalt  }
0x47: {  	_ =	shalt  }
0x48: {  	_ =	shalt  }
0x49: {  	_ =	shalt  }
0x4a: {  	_ =	shalt  }
0x4b: {  	_ =	shalt  }
0x4c: {  	_ =	shalt  }
0x4d: {  	_ =	shalt  }
0x4e: {  	_ =	shalt  }
0x4f: {  	_ =	shalt  }
0x50: {  	_ =	shalt  }
0x51: {  	_ =	shalt  }
0x52: {  	_ =	shalt  }
0x53: {  	_ =	shalt  }
0x54: {  	_ =	shalt  }
0x55: {  	_ =	shalt  }
0x56: {  	_ =	shalt  }
0x57: {  	_ =	shalt  }
0x58: {  	_ =	shalt  }
0x59: {  	_ =	shalt  }
0x5a: {  	_ =	shalt  }
0x5b: {  	_ =	shalt  }
0x5c: {  	_ =	shalt  }
0x5d: {  	_ =	shalt  }
0x5e: {  	_ =	shalt  }
0x5f: {  	_ =	shalt  }
0x60: {  	_ =	shalt  }
0x61: {  	_ =	shalt  }
0x62: {  	_ =	shalt  }
0x63: {  	_ =	shalt  }
0x64: {  	_ =	shalt  }
0x65: {  	_ =	shalt  }
0x66: {  	_ =	shalt  }
0x67: {  	_ =	shalt  }
0x68: {  	_ =	shalt  }
0x69: {  	_ =	shalt  }
0x6a: {  	_ =	shalt  }
0x6b: {  	_ =	shalt  }
0x6c: {  	_ =	shalt  }
0x6d: {  	_ =	shalt  }
0x6e: {  	_ =	shalt  }
0x6f: {  	_ =	shalt  }
0x70: {  	_ =	shalt  }
0x71: {  	_ =	shalt  }
0x72: {  	_ =	shalt  }
0x73: {  	_ =	shalt  }
0x74: {  	_ =	shalt  }
0x75: {  	_ =	shalt  }
0x76: {  	_ =	shalt  }
0x77: {  	_ =	shalt  }
0x78: {  	_ =	shalt  }
0x79: {  	_ =	shalt  }
0x7a: {  	_ =	shalt  }
0x7b: {  	_ =	shalt  }
0x7c: {  	_ =	shalt  }
0x7d: {  	_ =	shalt  }
0x7e: {  	_ =	shalt  }
0x7f: {  	_ =	shalt  }
0x80: {  	_ =	shalt  }
0x81: {  	_ =	shalt  }
0x82: {  	_ =	shalt  }
0x83: {  	_ =	shalt  }
0x84: {  	_ =	shalt  }
0x85: {  	_ =	shalt  }
0x86: {  	_ =	shalt  }
0x87: {  	_ =	shalt  }
.Lfunc_end0:
.L_simem_size_0:
called_computation_lowered:
.L_overlay_start_0:
0x88: {  	s2 =	sld [smem:$0x3FD9]  }
0x89: {  	s3 =	sld [smem:$0x3FFE];
	_ =	sdelay $0x1  }
0x8a: {  	s1 =	srdreg.scid  }
0x8b: {  	s0 =	sand.u32 $0x1, s1  }
0x8c: {  	s17 =	sshll.u32 s0, $0xA;
	s2 =	sadd.s32 s3, s2  }
0x8d: {  	s2 =	sadd.s32 s2, s17  }
0x8e: {  	[smem:$0x3FC2] =	sst s2  }
0x8f: {  	_ = 	snop  }
0x90: {  	s2 =	sld [smem:$0x3FD0];
	(tm) =	ssettm $0x1  }
0x91: {  	s18 =	sld [smem:$0x3FFB];
	_ =	sdelay $0x3  }
0x92: {  	_ =	strace s18  }
0x93: {  	s3 =	sld [smem:$0x3FFC];
	_ =	sdelay $0x3  }
0x94: {  	_ =	strace s3  }
0x95: {  	s3 =	sld [smem:$0x3FFD];
	_ =	sdelay $0x3  }
0x96: {  	_ =	strace s3  }
0x97: {  	_ =	strace $0x8FFFFFFF  }
0x98: {  	s19 =	sld [smem:$0x3FDB];
	_ =	sdelay $0x1  }
0x99: {  	s4 =	simm.s32 $_scs_section_size  }
0x9a: {  	s5 =	simm.s32 $_size__tile_overlayer_lowered;
	s6 =	simm.s32 $_tile_overlayer_lowered  }
0x9b: {  	s22 =	simm.s32 $0x1BFF;
	s21 =	sshll.u32 s6, $0x1;
	s3 =	sadd.s32 s4, s19  }
0x9c: {  	s7 =	simm.s32 $0x0;
	s20 =	sshll.u32 s5, $0x1;
	s5 =	sadd.s32 s21, s3  }
0x9d: {  	[timem:s7], [sflag:s22] =	dma.local [hbm:s5], s20  }
0x9e: {  	_ =	swait.ge [sflag:s22], s20  }
0x9f: {  	s4 =	ssub.s32 $0x0, s20;
	[sflag:s22] =	ssyncset.done $0x0  }
0xa0: {  	[sflag:s22] =	ssyncadd.s32 s4;
	_ =	sdelay $0x1  }
0xa1: {  	s23 =	simm.s32 $0x1B8B  }
0xa2: {  	_ =	swait.ge [sflag:s23], $0x1  }
0xa3: {  	[sflag:s23] =	ssyncset.done $0x0  }
0xa4: {  	s25 =	simm.s32 $0x1B8E;
	s24 =	sld [smem:$0x3FFE];
	[sflag:s23] =	ssyncadd.s32 $0xFFFFFFFF  }
0xa5: {  	s26 =	simm.s32 $execute0_lowered;
	[smem:$0x3FD2] =	sst s25  }
0xa6: {  	s5 =	sshll.u32 s26, $0x1;
	_ =	strace $0x80000046;
	[dreg:$0x1] =	wrdreg $0xFFFFFFFF  }
0xa7: {  	s28 =	simm.s32 $_size_execute0_lowered;
	s3 =	sadd.s32 s3, s5;
	[dreg:$0x0] =	wrdreg $0x0  }
0xa8: {  	s5 =	sshll.u32 s28, $0x1;
	[dreg:$0x2] =	wrdreg s3  }
0xa9: {  	[dreg:$0x3] =	wrdreg s5  }
0xaa: {  	[dreg:$0x4] =	wrdreg $0xC0  }
0xab: {  	_ =	task [dreg:s7], $0x5FFFF  }
0xac: {  	[dreg:$0x1] =	wrdreg $0xFFFFFFFF  }
0xad: {  	[dreg:$0x0] =	wrdreg $0x60  }
0xae: {  	[dreg:$0x2] =	wrdreg s24  }
0xaf: {  	[dreg:$0x3] =	wrdreg s2  }
0xb0: {  	[dreg:$0x4] =	wrdreg $0x84000  }
0xb1: {  	[dreg:$0x5] =	wrdreg $0x9  }
0xb2: {  	_ =	task.clear_ibuf [dreg:s7], $0x6FFFF;
	_ =	strace $0x90000046  }
0xb3: {  	s29 =	simm.s32 $0x9;
	_ =	strace $0x80000048  }
0xb4: {  	_ =	swait.ge [sflag:s29], $0x1  }
0xb5: {  	[sflag:s29] =	ssyncadd.s32 $0xFFFFFFFF  }
0xb6: {  	_ =	strace $0x90000048  }
0xb7: {  	_ =	sfence  }
0xb8: {  	s30 =	sld [smem:$0x0];
	_ =	sdelay $0x2  }
0xb9: {  	s31 =	sshll.u32 s1, $0xD;
	s1 =	sshrl.u32 s1, $0x2  }
0xba: {  	s3 =	sand.u32 $0x4000, s31;
	s1 =	sadd.s32 s1, s30  }
0xbb: {  	s0 =	sor.u32 s3, s0;
	s1 =	sshll.u32 s1, $0x11  }
0xbc: {  	s0 =	sor.u32 s1, s0  }
0xbd: {  	s0 =	sadd.s32 $0x8F2B, s0  }
0xbe: {  	[sflag:s0] =	ssyncadd.remote.s32 $0x1  }
0xbf: {  	_ =	sfence.sel $0xFFFF  }
0xc0: {  	[dreg:$0x0] =	wrdreg $0xFFFFFFFF;
	(pc) =	sbr.abs _section_cstart, $3  }
0xc1: {  	[dreg:$0x1] =	wrdreg $0xFFFFFFFF  }
0xc2: {  	_ =	task.clear_ibuf [dreg:s7], $0x2FFFF;
	_ =	strace $0x9FFFFFFF  }
0xc3: {  	(tm) =	ssettm $0x7FFFFFFF  }
tec
execute0_lowered:
.L_overlay_start_1:
0x0: {  	(tag) =	ssettag $0x1  }
0x1: {  	s5 =	rddreg [dreg:$0x0]  }
0x2: {  	s13 =	rddreg [dreg:$0x1]  }
0x3: {  	s2 =	rddreg [dreg:$0x2]  }
0x4: {  	s0 =	srdreg.scid;
	s1 =	rddreg [dreg:$0x3];
	s3 =	simm.s32 $0x0  }
0x5: {  	s15 =	simm.s32 $0x5;
	s16 =	simm.s32 $0x80;
	s17 =	simm.s32 $0x4400  }
0x6: {  	s18 =	simm.s32 $0x1;
	s19 =	simm.s32 $0x200;
	s20 =	simm.s32 $0x2  }
0x7: {  	s21 =	simm.s32 $0x280;
	s22 =	simm.s32 $0x3;
	s9 =	sand.u32 $0x1, s0  }
0x8: {  	s23 =	simm.s32 $0x4;
	s0 =	stileid.u32;
	s4 =	smul.u32 $0x140000, s9  }
0x9: {  	s24 =	simm.s32 $0x100;
	s25 =	simm.s32 $0x180;
	s6 =	smul.u32 $0x14000, s0  }
0xa: {  	s26 =	simm.s32 $0x300;
	s28 =	simm.s32 $0x380;
	s7 =	smul.u32 $0x50000, s0  }
0xb: {  	s29 =	simm.s32 $0x0;
	[smem:$0x7FF] =	sst s3;
	s10 =	smul.u32 $0x94000, s9  }
0xc: {  	_ =	strace $0x80000047;
	s30 =	ssub.s32 $0x2, s9;
	s14 =	smul.u32 $0x9400, s0  }
0xd: {  	p0 =	seq.s32 s9, $0x0;
	s9 =	simm.s32 $0x25;
	s31 =	sshrl.u32 s30, $0x1  }
0xe: {  	s9 =	simm.s32 @!p0 $0x3;
	s4 =	sadd.s32 s6, s4;
	s7 =	sshrl.u32 s7, $0x2  }
0xf: {  	s12 =	ssub.s32 s30, s31;
	s14 =	sadd.s32 s14, s10;
	s6 =	sshrl.u32 s4, $0x3  }
0x10: {  	s4 =	sadd.s32 $0x2000, s5;
	s14 =	sshrl.u32 s14, $0x3;
	s12 =	smax.u32 s12, $0x1  }
0x11: {  	s11 =	sadd.s32 s6, s5;
	s5 =	sadd.s32 s7, s2;
	s13 =	sadd.s32 s14, s13  }
0x12: {  	s14 =	simm.s32 $0x400;
	s6 =	sadd.s32 $0x4000, s5;
	s7 =	sadd.s32 $0x8000, s5  }
0x13: {  	v0 =	vimm.f32 $0.0e+00;
	s8 =	sadd.s32 $0xC000, s5;
	s10 =	sadd.s32 $0x10000, s5;
	s11 =	sadd.s32 $0x2A000, s11  }
.LBB2_1:
0x14: {  	s30 =	simm.s32 $0x0;
	s31 =	simm.s32 $0x200  }
.LBB2_2:
0x15: {  	p0 =	sne.s32 s31, $0xFE00;
	[tilespmem:s30+$0x470] =	vst v0  }
0x16: {  	[tilespmem:s30+$0x400] =	vst v0  }
0x17: {  	[tilespmem:s30+$0x410] =	vst v0  }
.Ltmp0:
0x18: {  	[tilespmem:s30+$0x420] =	vst v0;
	(pc) =	sbr.rel @p0 .LBB2_2-.Ltmp0, $4  }
0x19: {  	[tilespmem:s30+$0x430] =	vst v0  }
0x1a: {  	[tilespmem:s30+$0x440] =	vst v0  }
0x1b: {  	[tilespmem:s30+$0x450] =	vst v0  }
0x1c: {  	[tilespmem:s30+$0x460] =	vst v0;
	s30 =	sshra.s32 s31, $0x2;
	s31 =	sadd.s32 $0x200, s31  }
0x1d: {  	[tilespmem:s30+$0x470] =	vst v0  }
0x1e: {  	[tilespmem:s30+$0x400] =	vst v0  }
0x1f: {  	[tilespmem:s30+$0x410] =	vst v0  }
0x20: {  	[tilespmem:s30+$0x420] =	vst v0  }
0x21: {  	[tilespmem:s30+$0x430] =	vst v0  }
0x22: {  	[tilespmem:s30+$0x440] =	vst v0  }
0x23: {  	[tilespmem:s30+$0x450] =	vst v0  }
0x24: {  	[tilespmem:s30+$0x460] =	vst v0  }
0x25: {  	[spmem:s5] =	stream.linear.scatter [tilespmem:s14], [sflag:$0x5], $0x4000, $0x38;
	[tilespmem:$0x1C400] =	vst v63  }
0x26: {  	_ =	swait.ge [sflag:s15], $0x4000  }
0x27: {  	[sflag:s15] =	ssyncset.done $0x0  }
0x28: {  	[sflag:s15] =	ssyncadd.s32 $0xFFFFC000  }
0x29: {  	[spmem:s6] =	stream.linear.scatter [tilespmem:s14], [sflag:$0x5], $0x4000, $0x38;
	[tilespmem:$0x1C400] =	vst v63  }
0x2a: {  	_ =	swait.ge [sflag:s15], $0x4000  }
0x2b: {  	[sflag:s15] =	ssyncset.done $0x0  }
0x2c: {  	[sflag:s15] =	ssyncadd.s32 $0xFFFFC000  }
0x2d: {  	[spmem:s7] =	stream.linear.scatter [tilespmem:s14], [sflag:$0x5], $0x4000, $0x38;
	[tilespmem:$0x1C400] =	vst v63  }
0x2e: {  	_ =	swait.ge [sflag:s15], $0x4000  }
0x2f: {  	[sflag:s15] =	ssyncset.done $0x0  }
0x30: {  	[sflag:s15] =	ssyncadd.s32 $0xFFFFC000  }
0x31: {  	[spmem:s8] =	stream.linear.scatter [tilespmem:s14], [sflag:$0x5], $0x4000, $0x38;
	[tilespmem:$0x1C400] =	vst v63  }
0x32: {  	_ =	swait.ge [sflag:s15], $0x4000  }
0x33: {  	[sflag:s15] =	ssyncset.done $0x0  }
0x34: {  	[sflag:s15] =	ssyncadd.s32 $0xFFFFC000  }
0x35: {  	[spmem:s10] =	stream.linear.scatter [tilespmem:s14], [sflag:$0x5], $0x4000, $0x38;
	[tilespmem:$0x1C400] =	vst v63  }
0x36: {  	_ =	swait.ge [sflag:s15], $0x4000  }
0x37: {  	[sflag:s15] =	ssyncset.done $0x0  }
0x38: {  	[sflag:s15] =	ssyncadd.s32 $0xFFFFC000  }
0x39: {  	[bflag:$0x0] =	sbarrier.arrive $0xFFFF  }
0x3a: {  	[tilespmem:s3], [sflag:$0x5] =	stream.linear.gather [hbm4b:s13+s3], $0x400, $0x38;
	[tilespmem:$0x1C400] =	vst v63  }
0x3b: {  	_ =	swait.ge [sflag:s15], $0x400  }
0x3c: {  	[sflag:s15] =	ssyncset.done $0x0  }
0x3d: {  	[sflag:s15] =	ssyncadd.s32 $0xFFFFFC00  }
0x3e: {  	[tilespmem:s14], [sflag:$0x1] =	stream.indirect.gather [hbm4b:s4+s16], $0x80, s3, s16, $0xb8;
	[tilespmem:$0x1C400] =	vst v63  }
0x3f: {  	_ = 	snop  }
0x40: {  	[tilespmem:s17], [sflag:$0x2] =	stream.indirect.gather [hbm4b:s4+s16], $0x80, s16, s16, $0xb8;
	[tilespmem:$0x1C400] =	vst v63  }
0x41: {  	_ =	swait.ge [sflag:s18], $0x4000  }
0x42: {  	[sflag:s18] =	ssyncset.done $0x0  }
0x43: {  	[sflag:s18] =	ssyncadd.s32 $0xFFFFC000  }
0x44: {  	[spmem:s2] =	stream.indirect.scatter.add.f32 [tilespmem:s14], [sflag:$0x3], $0x80, s19, s16, $0xb8;
	[tilespmem:$0x1C400] =	vst v63  }
0x45: {  	_ =	swait.ge [sflag:s20], $0x4000  }
0x46: {  	[sflag:s20] =	ssyncset.done $0x0  }
0x47: {  	[sflag:s20] =	ssyncadd.s32 $0xFFFFC000  }
0x48: {  	[spmem:s2] =	stream.indirect.scatter.add.f32 [tilespmem:s17], [sflag:$0x4], $0x80, s21, s16, $0xb8;
	[tilespmem:$0x1C400] =	vst v63  }
0x49: {  	_ =	swait.ge [sflag:s22], $0x4000  }
0x4a: {  	[sflag:s22] =	ssyncset.done $0x0  }
0x4b: {  	[sflag:s22] =	ssyncadd.s32 $0xFFFFC000  }
0x4c: {  	_ =	swait.ge [sflag:s23], $0x4000  }
0x4d: {  	[sflag:s23] =	ssyncset.done $0x0  }
0x4e: {  	[sflag:s23] =	ssyncadd.s32 $0xFFFFC000  }
0x4f: {  	[tilespmem:s14], [sflag:$0x1] =	stream.indirect.gather [hbm4b:s4+s16], $0x80, s24, s16, $0xb8;
	[tilespmem:$0x1C400] =	vst v63  }
0x50: {  	_ = 	snop  }
0x51: {  	[tilespmem:s17], [sflag:$0x2] =	stream.indirect.gather [hbm4b:s4+s16], $0x80, s25, s16, $0xb8;
	[tilespmem:$0x1C400] =	vst v63  }
0x52: {  	_ =	swait.ge [sflag:s18], $0x4000  }
0x53: {  	[sflag:s18] =	ssyncset.done $0x0  }
0x54: {  	[sflag:s18] =	ssyncadd.s32 $0xFFFFC000  }
0x55: {  	[spmem:s2] =	stream.indirect.scatter.add.f32 [tilespmem:s14], [sflag:$0x3], $0x80, s26, s16, $0xb8;
	[tilespmem:$0x1C400] =	vst v63  }
0x56: {  	_ =	swait.ge [sflag:s20], $0x4000  }
0x57: {  	[sflag:s20] =	ssyncset.done $0x0  }
0x58: {  	p0 =	sne.s32 s9, $0x1;
	[sflag:s20] =	ssyncadd.s32 $0xFFFFC000  }
0x59: {  	[spmem:s2] =	stream.indirect.scatter.add.f32 [tilespmem:s17], [sflag:$0x4], $0x80, s28, s16, $0xb8;
	[tilespmem:$0x1C400] =	vst v63  }
.Ltmp1:
0x5a: {  	_ =	swait.ge [sflag:s22], $0x4000;
	(pc) =	sbr.rel @!p0 .LBB2_5-.Ltmp1, $4  }
0x5b: {  	[sflag:s22] =	ssyncset.done $0x0  }
0x5c: {  	[sflag:s22] =	ssyncadd.s32 $0xFFFFC000  }
0x5d: {  	_ =	swait.ge [sflag:s23], $0x4000  }
0x5e: {  	s30 =	sadd.s32 $0xFFFFFFFF, s9;
	s31 =	smov.u32 s13;
	[sflag:s23] =	ssyncset.done $0x0  }
.LBB2_4:
0x5f: {  	p0 =	sne.s32 s30, $0x1;
	[sflag:s23] =	ssyncadd.s32 $0xFFFFC000;
	s31 =	sadd.s32 $0x80, s31  }
0x60: {  	[tilespmem:s3], [sflag:$0x5] =	stream.linear.gather [hbm4b:s31+s3], $0x400, $0x38;
	[tilespmem:$0x1C400] =	vst v63  }
0x61: {  	s30 =	sadd.s32 $0xFFFFFFFF, s30;
	_ =	swait.ge [sflag:s15], $0x400  }
0x62: {  	[sflag:s15] =	ssyncset.done $0x0  }
0x63: {  	[sflag:s15] =	ssyncadd.s32 $0xFFFFFC00  }
0x64: {  	[tilespmem:s14], [sflag:$0x1] =	stream.indirect.gather [hbm4b:s4+s16], $0x80, s3, s16, $0xb8;
	[tilespmem:$0x1C400] =	vst v63  }
0x65: {  	_ = 	snop  }
0x66: {  	[tilespmem:s17], [sflag:$0x2] =	stream.indirect.gather [hbm4b:s4+s16], $0x80, s16, s16, $0xb8;
	[tilespmem:$0x1C400] =	vst v63  }
0x67: {  	_ =	swait.ge [sflag:s18], $0x4000  }
0x68: {  	[sflag:s18] =	ssyncset.done $0x0  }
0x69: {  	[sflag:s18] =	ssyncadd.s32 $0xFFFFC000  }
0x6a: {  	[spmem:s2] =	stream.indirect.scatter.add.f32 [tilespmem:s14], [sflag:$0x3], $0x80, s19, s16, $0xb8;
	[tilespmem:$0x1C400] =	vst v63  }
0x6b: {  	_ =	swait.ge [sflag:s20], $0x4000  }
0x6c: {  	[sflag:s20] =	ssyncset.done $0x0  }
0x6d: {  	[sflag:s20] =	ssyncadd.s32 $0xFFFFC000  }
0x6e: {  	[spmem:s2] =	stream.indirect.scatter.add.f32 [tilespmem:s17], [sflag:$0x4], $0x80, s21, s16, $0xb8;
	[tilespmem:$0x1C400] =	vst v63  }
0x6f: {  	_ =	swait.ge [sflag:s22], $0x4000  }
0x70: {  	[sflag:s22] =	ssyncset.done $0x0  }
0x71: {  	[sflag:s22] =	ssyncadd.s32 $0xFFFFC000  }
0x72: {  	_ =	swait.ge [sflag:s23], $0x4000  }
0x73: {  	[sflag:s23] =	ssyncset.done $0x0  }
0x74: {  	[sflag:s23] =	ssyncadd.s32 $0xFFFFC000  }
0x75: {  	[tilespmem:s14], [sflag:$0x1] =	stream.indirect.gather [hbm4b:s4+s16], $0x80, s24, s16, $0xb8;
	[tilespmem:$0x1C400] =	vst v63  }
0x76: {  	_ = 	snop  }
0x77: {  	[tilespmem:s17], [sflag:$0x2] =	stream.indirect.gather [hbm4b:s4+s16], $0x80, s25, s16, $0xb8;
	[tilespmem:$0x1C400] =	vst v63  }
0x78: {  	_ =	swait.ge [sflag:s18], $0x4000  }
0x79: {  	[sflag:s18] =	ssyncset.done $0x0  }
0x7a: {  	[sflag:s18] =	ssyncadd.s32 $0xFFFFC000  }
0x7b: {  	[spmem:s2] =	stream.indirect.scatter.add.f32 [tilespmem:s14], [sflag:$0x3], $0x80, s26, s16, $0xb8;
	[tilespmem:$0x1C400] =	vst v63  }
0x7c: {  	_ =	swait.ge [sflag:s20], $0x4000  }
0x7d: {  	[sflag:s20] =	ssyncset.done $0x0  }
0x7e: {  	[sflag:s20] =	ssyncadd.s32 $0xFFFFC000  }
0x7f: {  	[spmem:s2] =	stream.indirect.scatter.add.f32 [tilespmem:s17], [sflag:$0x4], $0x80, s28, s16, $0xb8;
	[tilespmem:$0x1C400] =	vst v63  }
.Ltmp2:
0x80: {  	_ =	swait.ge [sflag:s22], $0x4000;
	(pc) =	sbr.rel @p0 .LBB2_4-.Ltmp2, $4  }
0x81: {  	[sflag:s22] =	ssyncset.done $0x0  }
0x82: {  	[sflag:s22] =	ssyncadd.s32 $0xFFFFC000  }
0x83: {  	_ =	swait.ge [sflag:s23], $0x4000  }
0x84: {  	[sflag:s23] =	ssyncset.done $0x0  }
.LBB2_5:
0x85: {  	[sflag:s23] =	ssyncadd.s32 $0xFFFFC000;
	s29 =	sadd.s32 $0x1, s29  }
0x86: {  	s30 =	sshll.u32 s0, $0x6;
	s31 =	sshrl.u32 s5, $0x3;
	p0 =	sne.s32 s29, s12  }
.Ltmp3:
0x87: {  	[bflag:$0x0] =	sbarrier.arrive $0xFFFF;
	s30 =	sor.u32 $0x1C05, s30;
	(pc) =	sbr.rel @p0 .LBB2_1-.Ltmp3, $4  }
0x88: {  	[hbm:s11], [sflag:s30] =	dma.local [spmem:s31], $0x2800  }
0x89: {  	_ =	swait.ge [sflag:s15], $0x2800  }
0x8a: {  	[sflag:s15] =	ssyncset.done $0x0  }
0x8b: {  	[sflag:s15] =	ssyncadd.s32 $0xFFFFD800  }
0x8c: {  	_ =	sfence.sel $0x180000  }
0x8d: {  	[bflag:$0x0] =	sbarrier.arrive $0xFFFF  }
0x8e: {  	p0 =	sne.s32 s0, $0x0;
	_ =	strace $0x90000047  }
0x8f: {  	s0 =	sadd.s32 @!p0 $0x100000, s1;
	[bflag:$0x2] =	sbarrier.arrive $0xFFFF  }
0x90: {  	[sflag:s0] =	ssyncadd.tile.s32 @!p0 $0x1;
	_ =	shalt  }
.Lfunc_end2:
_tile_overlayer_lowered:
.L_overlay_start_2:
0x91: {  	(tag) =	ssettag $0x2  }
0x92: {  	s0 =	rddreg [dreg:$0x0];
	s2 =	stileid.u32  }
0x93: {  	s1 =	rddreg [dreg:$0x1];
	p0 =	sne.s32 s2, $0x0  }
0x94: {  	s3 =	rddreg [dreg:$0x2];
	[bflag:$0x3] =	sbarrier.arrive $0xFFFF;
	s2 =	simm.s32 @!p0 $0x1C05  }
0x95: {  	[timem:s3], [sflag:s2] =	dma.local @!p0 [hbm:s0], s1  }
0x96: {  	s0 =	simm.s32 @!p0 $0x5  }
0x97: {  	_ =	swait.ge @!p0 [sflag:s0], s1  }
0x98: {  	s1 =	ssub.s32 @!p0 $0x0, s1;
	[sflag:s0] =	ssyncset.done @!p0 $0x0  }
0x99: {  	[sflag:s0] =	ssyncadd.s32 @!p0 s1  }
0x9a: {  	[bflag:$0x3] =	sbarrier.arrive $0xFFFF  }
0x9b: {  	_ =	shalt  }

</sc_bundles>
